<compile_context>
chip_gen: v7x
topology: tpu7x:2x2x1
jax: 0.10.2.dev20260603
libtpu: 0.0.44.dev20260713+nightly
codegen_flags: <defaults>
</compile_context>

<pallas_src>
import functools

import jax
import jax.numpy as jnp
from jax import lax
from jax.experimental import pallas as pl
from jax.experimental.pallas import tpu as pltpu
from jax.experimental.pallas import tpu_sc as plsc

KS = 4
NTAP = KS * KS * KS
NC, NS = 2, 16
NW = NC * NS
WSIZE = 4096
TAP_OFF = (0, 1, 4, 5, 16, 17, 20, 21)


def _newton_rsqrt(x):
    i = lax.bitcast_convert_type(x, jnp.int32)
    y = lax.bitcast_convert_type(jnp.int32(0x5F3759DF) - (i >> 1), jnp.float32)
    for _ in range(3):
        y = y * (1.5 - 0.5 * x * y * y)
    return y


def _make_sc_scatter(N, E, Cin, SPW, N_pad):
    mesh = plsc.VectorSubcoreMesh(core_axis_name="c", subcore_axis_name="s", num_cores=NC, num_subcores=NS)
    CH = Cin // 16

    @functools.partial(
        pl.kernel,
        out_type=(
            jax.ShapeDtypeStruct((N_pad, NTAP * Cin), jnp.float32),
            jax.ShapeDtypeStruct((N_pad,), jnp.float32),
        ),
        mesh=mesh,
        compiler_params=pltpu.CompilerParams(needs_layout_passes=False),
        scratch_types=[
            pltpu.VMEM((N,), jnp.float32),
            pltpu.VMEM((N,), jnp.float32),
            pltpu.VMEM((N,), jnp.float32),
            pltpu.VMEM((SPW + 16,), jnp.float32),
            pltpu.VMEM((SPW + 16,), jnp.float32),
            pltpu.VMEM((SPW + 16,), jnp.float32),
            pltpu.VMEM((SPW + 24,), jnp.int32),
            pltpu.VMEM((WSIZE,), jnp.int32),
            pltpu.VMEM((WSIZE,), jnp.float32),
            pltpu.VMEM((WSIZE,), jnp.float32),
            pltpu.VMEM((NTAP * Cin,), jnp.float32),
            pltpu.VMEM((16, Cin), jnp.float32),
            pltpu.VMEM((8, 32), jnp.float32),
            pltpu.VMEM((32,), jnp.int32),
            pltpu.VMEM((SPW,), jnp.float32),
            pltpu.VMEM((16,), jnp.float32),
            pltpu.SemaphoreType.DMA,
        ],
    )
    def sc_scatter(px_h, py_h, pz_h, ox_h, oy_h, oz_h, rs_h, nbr_h, sc_h,
                   dt_h, feats_h, ihe_h, a_h, dn_h,
                   pxv, pyv, pzv, oxv, oyv, ozv, rsv, wnbr, wsc, wdt,
                   A_loc, frows, wv, c0v, dnv, ihv, sem):
        wid = lax.axis_index("c") * NS + lax.axis_index("s")
        s0 = pl.multiple_of(wid * SPW, 8)
        pltpu.sync_copy(px_h, pxv)
        pltpu.sync_copy(py_h, pyv)
        pltpu.sync_copy(pz_h, pzv)
        pltpu.sync_copy(ox_h.at[pl.ds(s0, SPW + 16)], oxv)
        pltpu.sync_copy(oy_h.at[pl.ds(s0, SPW + 16)], oyv)
        pltpu.sync_copy(oz_h.at[pl.ds(s0, SPW + 16)], ozv)
        pltpu.sync_copy(rs_h.at[pl.ds(s0, SPW + 24)], rsv)
        pltpu.sync_copy(ihe_h, ihv)
        ihe = ihv[...]
        zero16 = jnp.zeros((16,), jnp.float32)
        iota16 = lax.broadcasted_iota(jnp.int32, (16,), 0)

        def seg_body(ds, wb):
            e_lo = rsv[pl.ds(ds, 16)][0]
            e_hi = rsv[pl.ds(ds + 1, 16)][0]

            def zbody(z, carry):
                for u in range(8):
                    A_loc[pl.ds(z * 128 + u * 16, 16)] = zero16
                return carry
            lax.fori_loop(0, (NTAP * Cin) // 128, zbody, 0)

            cb0 = e_lo & ~15
            nch = (e_hi - cb0 + 15) >> 4

            def chunk_body(ci, carry):
                wb, dacc = carry
                cb = pl.multiple_of(cb0 + ci * 16, 16)

                def refill(_):
                    pltpu.sync_copy(nbr_h.at[pl.ds(cb, WSIZE)], wnbr)
                    pltpu.sync_copy(sc_h.at[pl.ds(cb, WSIZE)], wsc)
                    pltpu.sync_copy(dt_h.at[pl.ds(cb, WSIZE)], wdt)
                    return cb
                wb = lax.cond(cb + 16 > wb + WSIZE, refill, lambda _: wb, 0)
                off = cb - wb
                nv = wnbr[pl.ds(off, 16)]
                cp = pltpu.async_copy(feats_h.at[nv], frows, sem)
                scv = wsc[pl.ds(off, 16)]
                dtv = wdt[pl.ds(off, 16)]
                eids = iota16 + cb
                msk = (eids >= e_lo) & (eids < e_hi)
                t1 = 1.0 - dtv * dtv
                imp = scv * jnp.clip(t1 * t1 * t1, 0.0, 1.0)
                imp = jnp.where(msk, imp, 0.0)
                dacc = dacc + imp
                gx = plsc.load_gather(pxv, [nv])
                gy = plsc.load_gather(pyv, [nv])
                gz = plsc.load_gather(pzv, [nv])
                ox = jnp.full((16,), oxv[pl.ds(ds, 16)][0], jnp.float32)
                oy = jnp.full((16,), oyv[pl.ds(ds, 16)][0], jnp.float32)
                oz = jnp.full((16,), ozv[pl.ds(ds, 16)][0], jnp.float32)
                relx = (gx - ox) * ihe
                rely = (gy - oy) * ihe
                relz = (gz - oz) * ihe
                r2 = relx * relx + rely * rely + relz * relz + 1e-12
                r = r2 * _newton_rsqrt(r2)
                rinf = jnp.maximum(jnp.maximum(jnp.abs(relx), jnp.abs(rely)),
                                   jnp.abs(relz))
                scl = jnp.where(rinf > 1e-8, r / jnp.maximum(rinf, 1e-8), 0.0)
                gcx = (jnp.clip(relx * scl, -1.0, 1.0) * 0.5 + 0.5) * (KS - 1)
                gcy = (jnp.clip(rely * scl, -1.0, 1.0) * 0.5 + 0.5) * (KS - 1)
                gcz = (jnp.clip(relz * scl, -1.0, 1.0) * 0.5 + 0.5) * (KS - 1)
                g0x = jnp.minimum(gcx.astype(jnp.int32), KS - 2)
                g0y = jnp.minimum(gcy.astype(jnp.int32), KS - 2)
                g0z = jnp.minimum(gcz.astype(jnp.int32), KS - 2)
                fx = gcx - g0x.astype(jnp.float32)
                fy = gcy - g0y.astype(jnp.float32)
                fz = gcz - g0z.astype(jnp.float32)
                c0v[pl.ds(0, 16)] = ((g0x * KS + g0y) * KS + g0z) * Cin
                wx = (1.0 - fx, fx)
                wy = (1.0 - fy, fy)
                wz = (1.0 - fz, fz)
                t = 0
                for dx in (0, 1):
                    for dy in (0, 1):
                        for dz in (0, 1):
                            wv[t, pl.ds(0, 16)] = wx[dx] * wy[dy] * wz[dz] * imp
                            t += 1
                cp.wait()

                def jbody(j, carry):
                    base = c0v[pl.ds(j, 16)][0]
                    fr = [frows[j, pl.ds(kk * 16, 16)] for kk in range(CH)]
                    for tt in range(8):
                        wvec = jnp.full((16,), wv[tt, pl.ds(j, 16)][0],
                                        jnp.float32)
                        offt = base + TAP_OFF[tt] * Cin
                        for kk in range(CH):
                            plsc.addupdate(A_loc.at[pl.ds(offt + kk * 16, 16)],
                                           wvec * fr[kk])
                    return carry
                lax.fori_loop(0, 16, jbody, 0)
                return (wb, dacc)

            wb, dacc = lax.fori_loop(0, nch, chunk_body, (wb, zero16))
            plsc.store_scatter(dnv, [jnp.full((16,), ds, jnp.int32)],
                               jnp.full((16,), jnp.sum(dacc), jnp.float32),
                               mask=iota16 == 0)
            pltpu.sync_copy(A_loc, a_h.at[s0 + ds])
            return wb

        lax.fori_loop(0, SPW, seg_body, jnp.int32(-(2 ** 30)))
        pltpu.sync_copy(dnv, dn_h.at[pl.ds(s0, SPW)])

    return sc_scatter


def _mm_body(a_ref, w_ref, d_ref, b_ref, o_ref, acc_ref):
    k = pl.program_id(1)

    @pl.when(k == 0)
    def _init():
        acc_ref[...] = jnp.zeros_like(acc_ref)

    acc_ref[...] += jnp.dot(a_ref[...], w_ref[...],
                            preferred_element_type=jnp.float32)

    @pl.when(k == pl.num_programs(1) - 1)
    def _fin():
        dn = d_ref[...]
        norm = jnp.where(dn > 1e-8, 1.0 / jnp.maximum(dn, 1e-8), 1.0)
        o_ref[...] = jnp.maximum(acc_ref[...] * norm + b_ref[...], 0.0)


def _make_matmul(N_pad, Cin, Cout):
    KDIM = NTAP * Cin
    BN, BK = min(512, N_pad), 1024
    grid = (N_pad // BN, KDIM // BK)
    return pl.pallas_call(
        _mm_body,
        grid=grid,
        in_specs=[
            pl.BlockSpec((BN, BK), lambda i, k: (i, k)),
            pl.BlockSpec((BK, Cout), lambda i, k: (k, 0)),
            pl.BlockSpec((BN, 1), lambda i, k: (i, 0)),
            pl.BlockSpec((1, Cout), lambda i, k: (0, 0)),
        ],
        out_specs=pl.BlockSpec((BN, Cout), lambda i, k: (i, 0)),
        out_shape=jax.ShapeDtypeStruct((N_pad, Cout), jnp.float32),
        scratch_shapes=[pltpu.VMEM((BN, Cout), jnp.float32)],
        compiler_params=pltpu.CompilerParams(
            dimension_semantics=("parallel", "arbitrary")),
    )


def kernel(feats, inp_points, out_points, out_extents, scale_compat,
           neighbors_index, neighbors_row_splits, neighbors_distance, W, b):
    N, Cin = feats.shape
    E = neighbors_index.shape[0]
    Cout = W.shape[-1]
    SPW = ((N + NW - 1) // NW + 7) & ~7
    N_pad = NW * SPW

    i32 = jnp.int32
    f32 = jnp.float32
    nbr = jnp.concatenate([neighbors_index.astype(i32),
                           jnp.zeros((WSIZE,), i32)])
    scp = jnp.concatenate([scale_compat.astype(f32),
                           jnp.zeros((WSIZE,), f32)])
    dtp = jnp.concatenate([neighbors_distance.astype(f32),
                           jnp.zeros((WSIZE,), f32)])
    rs = jnp.concatenate([neighbors_row_splits.astype(i32),
                          jnp.full((N_pad + 24 - (N + 1),), E, i32)])
    opad = jnp.concatenate([out_points.astype(f32),
                            jnp.zeros((N_pad + 16 - N, 3), f32)], axis=0)
    ihe = jnp.full((16,), 1.0, f32) / (0.5 * out_extents[0])

    sc_fn = _make_sc_scatter(N, E, Cin, SPW, N_pad)
    A, dn = sc_fn(inp_points[:, 0], inp_points[:, 1], inp_points[:, 2],
                  opad[:, 0], opad[:, 1], opad[:, 2], rs, nbr, scp, dtp,
                  feats, ihe)

    mm = _make_matmul(N_pad, Cin, Cout)
    out = mm(A, W.reshape(NTAP * Cin, Cout), dn[:, None], b[None, :])
    return out[:N]

# --- scband reference (transcript-rebuilt; emitter-appended) ---
"""Pipeline reference for scband-unet5-38981123179037 (READ-ONLY COPY).

The authoritative reference and input builder live on the scoring server;
editing this copy changes nothing except your own understanding.
"""

import jax, jax.numpy as jnp
import numpy as np

K = 4  # kernel_size [4,4,4]


def _window_poly6(r):
    return jnp.clip((1.0 - r * r) ** 3, 0.0, 1.0)


def _continuous_conv(feats, inp_points, out_points, out_extents, importance,
                     neighbors_index, neighbors_row_splits, W, b):
    E = neighbors_index.shape[0]
    N_out = out_points.shape[0]
    Cin = feats.shape[1]
    Cout = W.shape[-1]
    # map each edge to its destination (output) point via row_splits
    seg = jnp.searchsorted(neighbors_row_splits,
                           jnp.arange(E, dtype=neighbors_row_splits.dtype),
                           side='right') - 1
    seg = jnp.clip(seg, 0, N_out - 1)
    # relative position normalized by half extent (unit ball)
    rel = (jnp.take(inp_points, neighbors_index, axis=0) -
           jnp.take(out_points, seg, axis=0)) / (0.5 * out_extents[0])
    r2 = jnp.sum(rel * rel, axis=-1)
    r = jnp.sqrt(r2 + 1e-12)
    rinf = jnp.max(jnp.abs(rel), axis=-1)
    # ball_to_cube_radial mapping: scale by ||p||_2 / ||p||_inf
    scale = jnp.where(rinf > 1e-8, r / jnp.maximum(rinf, 1e-8), 0.0)
    cube = jnp.clip(rel * scale[:, None], -1.0, 1.0)
    # kernel grid coordinates in [0, K-1]
    gc = (cube * 0.5 + 0.5) * (K - 1)
    g0i = jnp.clip(jnp.floor(gc).astype(jnp.int32), 0, K - 2)
    frac = gc - g0i.astype(gc.dtype)
    # importance-weighted neighbor features
    wfeat = jnp.take(feats, neighbors_index, axis=0) * importance[:, None]
    # trilinear spread of features onto the (N_out, K^3) kernel taps
    A = jnp.zeros((N_out * K * K * K, Cin), dtype=feats.dtype)
    for dx in (0, 1):
        wx = frac[:, 0] if dx else (1.0 - frac[:, 0])
        for dy in (0, 1):
            wy = frac[:, 1] if dy else (1.0 - frac[:, 1])
            for dz in (0, 1):
                wz = frac[:, 2] if dz else (1.0 - frac[:, 2])
                w = wx * wy * wz
                cell = ((g0i[:, 0] + dx) * K + (g0i[:, 1] + dy)) * K + (g0i[:, 2] + dz)
                A = A.at[seg * (K * K * K) + cell].add(w[:, None] * wfeat)
    A = A.reshape(N_out, K * K * K, Cin)
    out = jnp.einsum('nkc,kcd->nd', A, W.reshape(K * K * K, Cin, Cout))
    # normalize=True: divide by sum of importance per output point
    denom = jax.ops.segment_sum(importance, seg, num_segments=N_out)
    norm = jnp.where(denom > 1e-8, 1.0 / jnp.maximum(denom, 1e-8), 1.0)
    out = out * norm[:, None] + b
    return jax.nn.relu(out)


def setup_inputs(seed: int = 0) -> dict:
    key = jax.random.key(seed)
    ks = jax.random.split(key, 10)
    N = 10000
    E = 320000
    Cin = 128
    Cout = 128
    feats = jax.random.normal(ks[0], (N, Cin), dtype=jnp.float32)
    inp_points = jax.random.uniform(ks[1], (N, 3), dtype=jnp.float32)
    out_points = jax.random.uniform(ks[2], (N, 3), dtype=jnp.float32)
    out_extents = jnp.ones((1,), dtype=jnp.float32)
    scale_compat = jax.random.uniform(ks[3], (E,), dtype=jnp.float32)
    neighbors_index = jax.random.randint(ks[4], (E,), 0, N).astype(jnp.int64)
    inner = jnp.sort(jax.random.randint(ks[5], (N - 1,), 0, E))
    neighbors_row_splits = jnp.concatenate([
        jnp.zeros((1,), dtype=jnp.int64),
        inner.astype(jnp.int64),
        jnp.full((1,), E, dtype=jnp.int64)])
    neighbors_distance = jax.random.uniform(ks[6], (E,), dtype=jnp.float32)
    W = jax.random.normal(ks[7], (K, K, K, Cin, Cout), dtype=jnp.float32) * 0.05
    b = jnp.zeros((Cout,), dtype=jnp.float32)
    return {
        'feats': feats,
        'inp_points': inp_points,
        'out_points': out_points,
        'out_extents': out_extents,
        'scale_compat': scale_compat,
        'neighbors_index': neighbors_index,
        'neighbors_row_splits': neighbors_row_splits,
        'neighbors_distance': neighbors_distance,
        'W': W,
        'b': b,
    }


def reference(feats, inp_points, out_points, out_extents, scale_compat,
              neighbors_index, neighbors_row_splits, neighbors_distance, W, b):
    neighbors_importance = scale_compat * _window_poly6(neighbors_distance)
    return _continuous_conv(feats, inp_points, out_points, out_extents,
                            neighbors_importance, neighbors_index,
                            neighbors_row_splits, W, b)

if __name__ == "__main__":
    import jax
    _d = setup_inputs()
    print(jax.jit(kernel)(*tuple(_d.values())))

</pallas_src>

<mosaic_0001>
#map = affine_map<(d0, d1) -> (0)>
#map1 = affine_map<(d0, d1) -> (0, 0)>
module attributes {stable_mosaic.version = 14 : i64} {
  func.func @sc_scatter(%arg0: i32, %arg1: i32, %arg2: memref<10000xf32, #tpu.memory_space<hbm>>, %arg3: memref<10000xf32, #tpu.memory_space<hbm>>, %arg4: memref<10000xf32, #tpu.memory_space<hbm>>, %arg5: memref<10256xf32, #tpu.memory_space<hbm>>, %arg6: memref<10256xf32, #tpu.memory_space<hbm>>, %arg7: memref<10256xf32, #tpu.memory_space<hbm>>, %arg8: memref<10264xi32, #tpu.memory_space<hbm>>, %arg9: memref<324096xi32, #tpu.memory_space<hbm>>, %arg10: memref<324096xf32, #tpu.memory_space<hbm>>, %arg11: memref<324096xf32, #tpu.memory_space<hbm>>, %arg12: memref<10000x128xf32, #tpu.memory_space<hbm>>, %arg13: memref<16xf32, #tpu.memory_space<hbm>>, %arg14: memref<10240x8192xf32, #tpu.memory_space<hbm>>, %arg15: memref<10240xf32, #tpu.memory_space<hbm>>, %arg16: memref<10000xf32, #tpu.memory_space<vmem>>, %arg17: memref<10000xf32, #tpu.memory_space<vmem>>, %arg18: memref<10000xf32, #tpu.memory_space<vmem>>, %arg19: memref<336xf32, #tpu.memory_space<vmem>>, %arg20: memref<336xf32, #tpu.memory_space<vmem>>, %arg21: memref<336xf32, #tpu.memory_space<vmem>>, %arg22: memref<344xi32, #tpu.memory_space<vmem>>, %arg23: memref<4096xi32, #tpu.memory_space<vmem>>, %arg24: memref<4096xf32, #tpu.memory_space<vmem>>, %arg25: memref<4096xf32, #tpu.memory_space<vmem>>, %arg26: memref<8192xf32, #tpu.memory_space<vmem>>, %arg27: memref<16x128xf32, #tpu.memory_space<vmem>>, %arg28: memref<8x32xf32, #tpu.memory_space<vmem>>, %arg29: memref<32xi32, #tpu.memory_space<vmem>>, %arg30: memref<320xf32, #tpu.memory_space<vmem>>, %arg31: memref<16xf32, #tpu.memory_space<vmem>>, %arg32: memref<!tpu.dma_semaphore, #tpu.memory_space<semaphore_mem>>) attributes {dimension_semantics = [#tpu.dimension_semantics<core_parallel>, #tpu.dimension_semantics<subcore_parallel>], iteration_bounds = array<i64: 2, 16>, scalar_prefetch = 0 : i64, scratch_operands = 17 : i64, tpu.core_type = #tpu.core_type<sc_vector_subcore>, window_params = [{transform_indices = #map}, {transform_indices = #map}, {transform_indices = #map}, {transform_indices = #map}, {transform_indices = #map}, {transform_indices = #map}, {transform_indices = #map}, {transform_indices = #map}, {transform_indices = #map}, {transform_indices = #map}, {transform_indices = #map1}, {transform_indices = #map}, {transform_indices = #map1}, {transform_indices = #map}]} {
    %mul3A = arith.constant 16 : i32
    %mul3A_0 = arith.muli %arg0, %mul3A : i32
    %add3A = arith.addi %mul3A_0, %arg1 : i32
    %mul3A_1 = arith.constant 320 : i32
    %mul3A_2 = arith.muli %add3A, %mul3A_1 : i32
    %multiple_of3A = tpu.assume_multiple %mul3A_2, 8 : i32
    "tpu.region"() ({
      %run_scoped3A = tpu.sem_alloc : memref<!tpu.dma_semaphore, #tpu.memory_space<semaphore_mem>>
      tpu.enqueue_dma source(%arg2 : memref<10000xf32, #tpu.memory_space<hbm>>) target(%arg16 : memref<10000xf32, #tpu.memory_space<vmem>>) target_semaphore(%run_scoped3A : memref<!tpu.dma_semaphore, #tpu.memory_space<semaphore_mem>>)
      tpu.wait_dma2 semaphore(%run_scoped3A : memref<!tpu.dma_semaphore, #tpu.memory_space<semaphore_mem>>) src(%arg2 : memref<10000xf32, #tpu.memory_space<hbm>>) dst(%arg16 : memref<10000xf32, #tpu.memory_space<vmem>>)
      tpu.yield
    }) : () -> ()
    "tpu.region"() ({
      %run_scoped3A = tpu.sem_alloc : memref<!tpu.dma_semaphore, #tpu.memory_space<semaphore_mem>>
      tpu.enqueue_dma source(%arg3 : memref<10000xf32, #tpu.memory_space<hbm>>) target(%arg17 : memref<10000xf32, #tpu.memory_space<vmem>>) target_semaphore(%run_scoped3A : memref<!tpu.dma_semaphore, #tpu.memory_space<semaphore_mem>>)
      tpu.wait_dma2 semaphore(%run_scoped3A : memref<!tpu.dma_semaphore, #tpu.memory_space<semaphore_mem>>) src(%arg3 : memref<10000xf32, #tpu.memory_space<hbm>>) dst(%arg17 : memref<10000xf32, #tpu.memory_space<vmem>>)
      tpu.yield
    }) : () -> ()
    "tpu.region"() ({
      %run_scoped3A = tpu.sem_alloc : memref<!tpu.dma_semaphore, #tpu.memory_space<semaphore_mem>>
      tpu.enqueue_dma source(%arg4 : memref<10000xf32, #tpu.memory_space<hbm>>) target(%arg18 : memref<10000xf32, #tpu.memory_space<vmem>>) target_semaphore(%run_scoped3A : memref<!tpu.dma_semaphore, #tpu.memory_space<semaphore_mem>>)
      tpu.wait_dma2 semaphore(%run_scoped3A : memref<!tpu.dma_semaphore, #tpu.memory_space<semaphore_mem>>) src(%arg4 : memref<10000xf32, #tpu.memory_space<hbm>>) dst(%arg18 : memref<10000xf32, #tpu.memory_space<vmem>>)
      tpu.yield
    }) : () -> ()
    "tpu.region"() ({
      %run_scoped3A = tpu.sem_alloc : memref<!tpu.dma_semaphore, #tpu.memory_space<semaphore_mem>>
      %dma_start3A = tpu.memref_slice %arg5[%multiple_of3A] : memref<10256xf32, #tpu.memory_space<hbm>> -> memref<336xf32, #tpu.memory_space<hbm>>
      %dma_start3A_11 = tpu.memref_slice %arg5[%multiple_of3A] : memref<10256xf32, #tpu.memory_space<hbm>> -> memref<336xf32, #tpu.memory_space<hbm>>
      tpu.enqueue_dma source(%dma_start3A_11 : memref<336xf32, #tpu.memory_space<hbm>>) target(%arg19 : memref<336xf32, #tpu.memory_space<vmem>>) target_semaphore(%run_scoped3A : memref<!tpu.dma_semaphore, #tpu.memory_space<semaphore_mem>>)
      %dma_wait3A = tpu.memref_slice %arg5[%multiple_of3A] : memref<10256xf32, #tpu.memory_space<hbm>> -> memref<336xf32, #tpu.memory_space<hbm>>
      %dma_wait3A_12 = tpu.memref_slice %arg5[%multiple_of3A] : memref<10256xf32, #tpu.memory_space<hbm>> -> memref<336xf32, #tpu.memory_space<hbm>>
      tpu.wait_dma2 semaphore(%run_scoped3A : memref<!tpu.dma_semaphore, #tpu.memory_space<semaphore_mem>>) src(%dma_wait3A_12 : memref<336xf32, #tpu.memory_space<hbm>>) dst(%arg19 : memref<336xf32, #tpu.memory_space<vmem>>)
      tpu.yield
    }) : () -> ()
    "tpu.region"() ({
      %run_scoped3A = tpu.sem_alloc : memref<!tpu.dma_semaphore, #tpu.memory_space<semaphore_mem>>
      %dma_start3A = tpu.memref_slice %arg6[%multiple_of3A] : memref<10256xf32, #tpu.memory_space<hbm>> -> memref<336xf32, #tpu.memory_space<hbm>>
      %dma_start3A_11 = tpu.memref_slice %arg6[%multiple_of3A] : memref<10256xf32, #tpu.memory_space<hbm>> -> memref<336xf32, #tpu.memory_space<hbm>>
      tpu.enqueue_dma source(%dma_start3A_11 : memref<336xf32, #tpu.memory_space<hbm>>) target(%arg20 : memref<336xf32, #tpu.memory_space<vmem>>) target_semaphore(%run_scoped3A : memref<!tpu.dma_semaphore, #tpu.memory_space<semaphore_mem>>)
      %dma_wait3A = tpu.memref_slice %arg6[%multiple_of3A] : memref<10256xf32, #tpu.memory_space<hbm>> -> memref<336xf32, #tpu.memory_space<hbm>>
      %dma_wait3A_12 = tpu.memref_slice %arg6[%multiple_of3A] : memref<10256xf32, #tpu.memory_space<hbm>> -> memref<336xf32, #tpu.memory_space<hbm>>
      tpu.wait_dma2 semaphore(%run_scoped3A : memref<!tpu.dma_semaphore, #tpu.memory_space<semaphore_mem>>) src(%dma_wait3A_12 : memref<336xf32, #tpu.memory_space<hbm>>) dst(%arg20 : memref<336xf32, #tpu.memory_space<vmem>>)
      tpu.yield
    }) : () -> ()
    "tpu.region"() ({
      %run_scoped3A = tpu.sem_alloc : memref<!tpu.dma_semaphore, #tpu.memory_space<semaphore_mem>>
      %dma_start3A = tpu.memref_slice %arg7[%multiple_of3A] : memref<10256xf32, #tpu.memory_space<hbm>> -> memref<336xf32, #tpu.memory_space<hbm>>
      %dma_start3A_11 = tpu.memref_slice %arg7[%multiple_of3A] : memref<10256xf32, #tpu.memory_space<hbm>> -> memref<336xf32, #tpu.memory_space<hbm>>
      tpu.enqueue_dma source(%dma_start3A_11 : memref<336xf32, #tpu.memory_space<hbm>>) target(%arg21 : memref<336xf32, #tpu.memory_space<vmem>>) target_semaphore(%run_scoped3A : memref<!tpu.dma_semaphore, #tpu.memory_space<semaphore_mem>>)
      %dma_wait3A = tpu.memref_slice %arg7[%multiple_of3A] : memref<10256xf32, #tpu.memory_space<hbm>> -> memref<336xf32, #tpu.memory_space<hbm>>
      %dma_wait3A_12 = tpu.memref_slice %arg7[%multiple_of3A] : memref<10256xf32, #tpu.memory_space<hbm>> -> memref<336xf32, #tpu.memory_space<hbm>>
      tpu.wait_dma2 semaphore(%run_scoped3A : memref<!tpu.dma_semaphore, #tpu.memory_space<semaphore_mem>>) src(%dma_wait3A_12 : memref<336xf32, #tpu.memory_space<hbm>>) dst(%arg21 : memref<336xf32, #tpu.memory_space<vmem>>)
      tpu.yield
    }) : () -> ()
    "tpu.region"() ({
      %run_scoped3A = tpu.sem_alloc : memref<!tpu.dma_semaphore, #tpu.memory_space<semaphore_mem>>
      %dma_start3A = tpu.memref_slice %arg8[%multiple_of3A] : memref<10264xi32, #tpu.memory_space<hbm>> -> memref<344xi32, #tpu.memory_space<hbm>>
      %dma_start3A_11 = tpu.memref_slice %arg8[%multiple_of3A] : memref<10264xi32, #tpu.memory_space<hbm>> -> memref<344xi32, #tpu.memory_space<hbm>>
      tpu.enqueue_dma source(%dma_start3A_11 : memref<344xi32, #tpu.memory_space<hbm>>) target(%arg22 : memref<344xi32, #tpu.memory_space<vmem>>) target_semaphore(%run_scoped3A : memref<!tpu.dma_semaphore, #tpu.memory_space<semaphore_mem>>)
      %dma_wait3A = tpu.memref_slice %arg8[%multiple_of3A] : memref<10264xi32, #tpu.memory_space<hbm>> -> memref<344xi32, #tpu.memory_space<hbm>>
      %dma_wait3A_12 = tpu.memref_slice %arg8[%multiple_of3A] : memref<10264xi32, #tpu.memory_space<hbm>> -> memref<344xi32, #tpu.memory_space<hbm>>
      tpu.wait_dma2 semaphore(%run_scoped3A : memref<!tpu.dma_semaphore, #tpu.memory_space<semaphore_mem>>) src(%dma_wait3A_12 : memref<344xi32, #tpu.memory_space<hbm>>) dst(%arg22 : memref<344xi32, #tpu.memory_space<vmem>>)
      tpu.yield
    }) : () -> ()
    "tpu.region"() ({
      %run_scoped3A = tpu.sem_alloc : memref<!tpu.dma_semaphore, #tpu.memory_space<semaphore_mem>>
      tpu.enqueue_dma source(%arg13 : memref<16xf32, #tpu.memory_space<hbm>>) target(%arg31 : memref<16xf32, #tpu.memory_space<vmem>>) target_semaphore(%run_scoped3A : memref<!tpu.dma_semaphore, #tpu.memory_space<semaphore_mem>>)
      tpu.wait_dma2 semaphore(%run_scoped3A : memref<!tpu.dma_semaphore, #tpu.memory_space<semaphore_mem>>) src(%arg13 : memref<16xf32, #tpu.memory_space<hbm>>) dst(%arg31 : memref<16xf32, #tpu.memory_space<vmem>>)
      tpu.yield
    }) : () -> ()
    %get3A = arith.constant 0 : index
    %get3A_3 = tpu.vector_load %arg31[%get3A] {strides = array<i32>} : memref<16xf32, #tpu.memory_space<vmem>>, vector<16xf32>,
    %broadcast_in_dim3A = arith.constant 0.000000e+00 : f32
    %broadcast_in_dim3A_4 = vector.broadcast %broadcast_in_dim3A : f32 to vector<16xf32>
    %iota3A = tpu.iota {dimensions = array<i32: 0>} : vector<16xi32>
    %scan3A = arith.constant -1073741824 : i32
    %scan3A_5 = arith.constant 0 : i32
    %scan3A_6 = arith.constant 320 : i32
    %scan3A_7 = arith.addi %scan3A_5, %scan3A_6 : i32
    %scan3A_8 = arith.constant 1 : i32
    %scan3A_9 = scf.for %scan3A_11 = %scan3A_5 to %scan3A_7 step %scan3A_8 iter_args(%scan3A_12 = %scan3A) -> (i32)  : i32 {
      %get3A_13 = arith.index_cast %scan3A_11 : i32 to index
      %get3A_14 = tpu.vector_load %arg22[%get3A_13] {strides = array<i32>} : memref<344xi32, #tpu.memory_space<vmem>>, vector<16xi32>,
      %slice3A = vector.extract_strided_slice %get3A_14 {offsets = [0], sizes = [1], strides = [1]} : vector<16xi32> to vector<1xi32>
      %squeeze3A = vector.extract %slice3A[0] : i32 from vector<1xi32>
      %add3A_15 = arith.constant 1 : i32
      %add3A_16 = arith.addi %scan3A_11, %add3A_15 : i32
      %get3A_17 = arith.index_cast %add3A_16 : i32 to index
      %get3A_18 = tpu.vector_load %arg22[%get3A_17] {strides = array<i32>} : memref<344xi32, #tpu.memory_space<vmem>>, vector<16xi32>,
      %slice3A_19 = vector.extract_strided_slice %get3A_18 {offsets = [0], sizes = [1], strides = [1]} : vector<16xi32> to vector<1xi32>
      %squeeze3A_20 = vector.extract %slice3A_19[0] : i32 from vector<1xi32>
      %scan3A_21 = arith.constant 0 : i32
      %scan3A_22 = arith.constant 0 : i32
      %scan3A_23 = arith.constant 64 : i32
      %scan3A_24 = arith.addi %scan3A_22, %scan3A_23 : i32
      %scan3A_25 = arith.constant 1 : i32
      scf.for %scan3A_49 = %scan3A_22 to %scan3A_24 step %scan3A_25  : i32 {
        %mul3A_50 = arith.constant 128 : i32
        %mul3A_51 = arith.muli %scan3A_49, %mul3A_50 : i32
        %add3A_52 = arith.constant 0 : i32
        %add3A_53 = arith.addi %mul3A_51, %add3A_52 : i32
        %swap3A = arith.index_cast %add3A_53 : i32 to index
        %swap3A_54 = tpu.vector_load %arg26[%swap3A] {strides = array<i32>} : memref<8192xf32, #tpu.memory_space<vmem>>, vector<16xf32>,
        tpu.vector_store %arg26[%swap3A], %broadcast_in_dim3A_4 {strides = array<i32>} : memref<8192xf32, #tpu.memory_space<vmem>>, vector<16xf32>,
        %mul3A_55 = arith.constant 128 : i32
        %mul3A_56 = arith.muli %scan3A_49, %mul3A_55 : i32
        %add3A_57 = arith.constant 16 : i32
        %add3A_58 = arith.addi %mul3A_56, %add3A_57 : i32
        %swap3A_59 = arith.index_cast %add3A_58 : i32 to index
        %swap3A_60 = tpu.vector_load %arg26[%swap3A_59] {strides = array<i32>} : memref<8192xf32, #tpu.memory_space<vmem>>, vector<16xf32>,
        tpu.vector_store %arg26[%swap3A_59], %broadcast_in_dim3A_4 {strides = array<i32>} : memref<8192xf32, #tpu.memory_space<vmem>>, vector<16xf32>,
        %mul3A_61 = arith.constant 128 : i32
        %mul3A_62 = arith.muli %scan3A_49, %mul3A_61 : i32
        %add3A_63 = arith.constant 32 : i32
        %add3A_64 = arith.addi %mul3A_62, %add3A_63 : i32
        %swap3A_65 = arith.index_cast %add3A_64 : i32 to index
        %swap3A_66 = tpu.vector_load %arg26[%swap3A_65] {strides = array<i32>} : memref<8192xf32, #tpu.memory_space<vmem>>, vector<16xf32>,
        tpu.vector_store %arg26[%swap3A_65], %broadcast_in_dim3A_4 {strides = array<i32>} : memref<8192xf32, #tpu.memory_space<vmem>>, vector<16xf32>,
        %mul3A_67 = arith.constant 128 : i32
        %mul3A_68 = arith.muli %scan3A_49, %mul3A_67 : i32
        %add3A_69 = arith.constant 48 : i32
        %add3A_70 = arith.addi %mul3A_68, %add3A_69 : i32
        %swap3A_71 = arith.index_cast %add3A_70 : i32 to index
        %swap3A_72 = tpu.vector_load %arg26[%swap3A_71] {strides = array<i32>} : memref<8192xf32, #tpu.memory_space<vmem>>, vector<16xf32>,
        tpu.vector_store %arg26[%swap3A_71], %broadcast_in_dim3A_4 {strides = array<i32>} : memref<8192xf32, #tpu.memory_space<vmem>>, vector<16xf32>,
        %mul3A_73 = arith.constant 128 : i32
        %mul3A_74 = arith.muli %scan3A_49, %mul3A_73 : i32
        %add3A_75 = arith.constant 64 : i32
        %add3A_76 = arith.addi %mul3A_74, %add3A_75 : i32
        %swap3A_77 = arith.index_cast %add3A_76 : i32 to index
        %swap3A_78 = tpu.vector_load %arg26[%swap3A_77] {strides = array<i32>} : memref<8192xf32, #tpu.memory_space<vmem>>, vector<16xf32>,
        tpu.vector_store %arg26[%swap3A_77], %broadcast_in_dim3A_4 {strides = array<i32>} : memref<8192xf32, #tpu.memory_space<vmem>>, vector<16xf32>,
        %mul3A_79 = arith.constant 128 : i32
        %mul3A_80 = arith.muli %scan3A_49, %mul3A_79 : i32
        %add3A_81 = arith.constant 80 : i32
        %add3A_82 = arith.addi %mul3A_80, %add3A_81 : i32
        %swap3A_83 = arith.index_cast %add3A_82 : i32 to index
        %swap3A_84 = tpu.vector_load %arg26[%swap3A_83] {strides = array<i32>} : memref<8192xf32, #tpu.memory_space<vmem>>, vector<16xf32>,
        tpu.vector_store %arg26[%swap3A_83], %broadcast_in_dim3A_4 {strides = array<i32>} : memref<8192xf32, #tpu.memory_space<vmem>>, vector<16xf32>,
        %mul3A_85 = arith.constant 128 : i32
        %mul3A_86 = arith.muli %scan3A_49, %mul3A_85 : i32
        %add3A_87 = arith.constant 96 : i32
        %add3A_88 = arith.addi %mul3A_86, %add3A_87 : i32
        %swap3A_89 = arith.index_cast %add3A_88 : i32 to index
        %swap3A_90 = tpu.vector_load %arg26[%swap3A_89] {strides = array<i32>} : memref<8192xf32, #tpu.memory_space<vmem>>, vector<16xf32>,
        tpu.vector_store %arg26[%swap3A_89], %broadcast_in_dim3A_4 {strides = array<i32>} : memref<8192xf32, #tpu.memory_space<vmem>>, vector<16xf32>,
        %mul3A_91 = arith.constant 128 : i32
        %mul3A_92 = arith.muli %scan3A_49, %mul3A_91 : i32
        %add3A_93 = arith.constant 112 : i32
        %add3A_94 = arith.addi %mul3A_92, %add3A_93 : i32
        %swap3A_95 = arith.index_cast %add3A_94 : i32 to index
        %swap3A_96 = tpu.vector_load %arg26[%swap3A_95] {strides = array<i32>} : memref<8192xf32, #tpu.memory_space<vmem>>, vector<16xf32>,
        tpu.vector_store %arg26[%swap3A_95], %broadcast_in_dim3A_4 {strides = array<i32>} : memref<8192xf32, #tpu.memory_space<vmem>>, vector<16xf32>,
      }
      %scan3A_26 = arith.constant 64 : i32
      %and3A = arith.constant -16 : i32
      %and3A_27 = arith.andi %squeeze3A, %and3A : i32
      %sub3A = arith.subi %squeeze3A_20, %and3A_27 : i32
      %add3A_28 = arith.constant 15 : i32
      %add3A_29 = arith.addi %sub3A, %add3A_28 : i32
      %shift_right_arithmetic3A = arith.constant 4 : i32
      %shift_right_arithmetic3A_30 = arith.shrsi %add3A_29, %shift_right_arithmetic3A : i32
      %while3A = arith.constant 0 : i32
      %while3A_31 = arith.subi %shift_right_arithmetic3A_30, %while3A : i32
      %while3A_32 = arith.addi %while3A, %while3A_31 : i32
      %while3A_33 = arith.constant 1 : i32
      %while3A_34 = arith.divsi %while3A_31, %while3A_33 : i32
      %while3A_35 = arith.muli %while3A_34, %while3A_33 : i32
      %while3A_36 = arith.addi %while3A, %while3A_35 : i32
      %while3A_37 = arith.constant 1 : i32
      %while3A_38:2 = scf.for %while3A_49 = %while3A to %while3A_36 step %while3A_37 iter_args(%while3A_50 = %scan3A_12, %while3A_51 = %broadcast_in_dim3A_4) -> (i32, vector<16xf32>)  : i32 {
        %mul3A_52 = arith.constant 16 : i32
        %mul3A_53 = arith.muli %while3A_49, %mul3A_52 : i32
        %add3A_54 = arith.addi %and3A_27, %mul3A_53 : i32
        %multiple_of3A_55 = tpu.assume_multiple %add3A_54, 16 : i32
        %add3A_56 = arith.constant 16 : i32
        %add3A_57 = arith.addi %multiple_of3A_55, %add3A_56 : i32
        %add3A_58 = arith.constant 4096 : i32
        %add3A_59 = arith.addi %while3A_50, %add3A_58 : i32
        %gt3A = arith.cmpi sgt, %add3A_57, %add3A_59 : i32
        %convert_element_type3A = arith.extui %gt3A : i1 to i32
        %cond3A = arith.constant 0 : i32
        %cond3A_60 = arith.constant 0 : i32
        %cond3A_61 = arith.cmpi ne, %convert_element_type3A, %cond3A_60 : i32
        %cond3A_62 = scf.if %cond3A_61 -> (i32) {
          "tpu.region"() ({
            %run_scoped3A = tpu.sem_alloc : memref<!tpu.dma_semaphore, #tpu.memory_space<semaphore_mem>>
            %dma_start3A_320 = tpu.memref_slice %arg9[%multiple_of3A_55] : memref<324096xi32, #tpu.memory_space<hbm>> -> memref<4096xi32, #tpu.memory_space<hbm>>
            %dma_start3A_321 = tpu.memref_slice %arg9[%multiple_of3A_55] : memref<324096xi32, #tpu.memory_space<hbm>> -> memref<4096xi32, #tpu.memory_space<hbm>>
            tpu.enqueue_dma source(%dma_start3A_321 : memref<4096xi32, #tpu.memory_space<hbm>>) target(%arg23 : memref<4096xi32, #tpu.memory_space<vmem>>) target_semaphore(%run_scoped3A : memref<!tpu.dma_semaphore, #tpu.memory_space<semaphore_mem>>)
            %dma_wait3A_322 = tpu.memref_slice %arg9[%multiple_of3A_55] : memref<324096xi32, #tpu.memory_space<hbm>> -> memref<4096xi32, #tpu.memory_space<hbm>>
            %dma_wait3A_323 = tpu.memref_slice %arg9[%multiple_of3A_55] : memref<324096xi32, #tpu.memory_space<hbm>> -> memref<4096xi32, #tpu.memory_space<hbm>>
            tpu.wait_dma2 semaphore(%run_scoped3A : memref<!tpu.dma_semaphore, #tpu.memory_space<semaphore_mem>>) src(%dma_wait3A_323 : memref<4096xi32, #tpu.memory_space<hbm>>) dst(%arg23 : memref<4096xi32, #tpu.memory_space<vmem>>)
            tpu.yield
          }) : () -> ()
          "tpu.region"() ({
            %run_scoped3A = tpu.sem_alloc : memref<!tpu.dma_semaphore, #tpu.memory_space<semaphore_mem>>
            %dma_start3A_320 = tpu.memref_slice %arg10[%multiple_of3A_55] : memref<324096xf32, #tpu.memory_space<hbm>> -> memref<4096xf32, #tpu.memory_space<hbm>>
            %dma_start3A_321 = tpu.memref_slice %arg10[%multiple_of3A_55] : memref<324096xf32, #tpu.memory_space<hbm>> -> memref<4096xf32, #tpu.memory_space<hbm>>
            tpu.enqueue_dma source(%dma_start3A_321 : memref<4096xf32, #tpu.memory_space<hbm>>) target(%arg24 : memref<4096xf32, #tpu.memory_space<vmem>>) target_semaphore(%run_scoped3A : memref<!tpu.dma_semaphore, #tpu.memory_space<semaphore_mem>>)
            %dma_wait3A_322 = tpu.memref_slice %arg10[%multiple_of3A_55] : memref<324096xf32, #tpu.memory_space<hbm>> -> memref<4096xf32, #tpu.memory_space<hbm>>
            %dma_wait3A_323 = tpu.memref_slice %arg10[%multiple_of3A_55] : memref<324096xf32, #tpu.memory_space<hbm>> -> memref<4096xf32, #tpu.memory_space<hbm>>
            tpu.wait_dma2 semaphore(%run_scoped3A : memref<!tpu.dma_semaphore, #tpu.memory_space<semaphore_mem>>) src(%dma_wait3A_323 : memref<4096xf32, #tpu.memory_space<hbm>>) dst(%arg24 : memref<4096xf32, #tpu.memory_space<vmem>>)
            tpu.yield
          }) : () -> ()
          "tpu.region"() ({
            %run_scoped3A = tpu.sem_alloc : memref<!tpu.dma_semaphore, #tpu.memory_space<semaphore_mem>>
            %dma_start3A_320 = tpu.memref_slice %arg11[%multiple_of3A_55] : memref<324096xf32, #tpu.memory_space<hbm>> -> memref<4096xf32, #tpu.memory_space<hbm>>
            %dma_start3A_321 = tpu.memref_slice %arg11[%multiple_of3A_55] : memref<324096xf32, #tpu.memory_space<hbm>> -> memref<4096xf32, #tpu.memory_space<hbm>>
            tpu.enqueue_dma source(%dma_start3A_321 : memref<4096xf32, #tpu.memory_space<hbm>>) target(%arg25 : memref<4096xf32, #tpu.memory_space<vmem>>) target_semaphore(%run_scoped3A : memref<!tpu.dma_semaphore, #tpu.memory_space<semaphore_mem>>)
            %dma_wait3A_322 = tpu.memref_slice %arg11[%multiple_of3A_55] : memref<324096xf32, #tpu.memory_space<hbm>> -> memref<4096xf32, #tpu.memory_space<hbm>>
            %dma_wait3A_323 = tpu.memref_slice %arg11[%multiple_of3A_55] : memref<324096xf32, #tpu.memory_space<hbm>> -> memref<4096xf32, #tpu.memory_space<hbm>>
            tpu.wait_dma2 semaphore(%run_scoped3A : memref<!tpu.dma_semaphore, #tpu.memory_space<semaphore_mem>>) src(%dma_wait3A_323 : memref<4096xf32, #tpu.memory_space<hbm>>) dst(%arg25 : memref<4096xf32, #tpu.memory_space<vmem>>)
            tpu.yield
          }) : () -> ()
          scf.yield %multiple_of3A_55 : i32
        } else {
          scf.yield %while3A_50 : i32
        }
        %sub3A_63 = arith.subi %multiple_of3A_55, %cond3A_62 : i32
        %get3A_64 = arith.index_cast %sub3A_63 : i32 to index
        %get3A_65 = tpu.vector_load %arg23[%get3A_64] {strides = array<i32>} : memref<4096xi32, #tpu.memory_space<vmem>>, vector<16xi32>,
        %dma_start3A = arith.constant 0 : i32
        %dma_start3A_66 = arith.constant 0 : i32
        %dma_start3A_67 = tpu.memref_slice %arg12[%dma_start3A, %dma_start3A_66] : memref<10000x128xf32, #tpu.memory_space<hbm>> -> memref<10000x128xf32, #tpu.memory_space<hbm>>
        tpu.enqueue_indirect_dma source(%dma_start3A_67 : memref<10000x128xf32, #tpu.memory_space<hbm>>) target(%arg27 : memref<16x128xf32, #tpu.memory_space<vmem>>) offsets(%get3A_65 : vector<16xi32>) semaphore(%arg32 : memref<!tpu.dma_semaphore, #tpu.memory_space<semaphore_mem>>)
        %get3A_68 = arith.index_cast %sub3A_63 : i32 to index
        %get3A_69 = tpu.vector_load %arg24[%get3A_68] {strides = array<i32>} : memref<4096xf32, #tpu.memory_space<vmem>>, vector<16xf32>,
        %get3A_70 = arith.index_cast %sub3A_63 : i32 to index
        %get3A_71 = tpu.vector_load %arg25[%get3A_70] {strides = array<i32>} : memref<4096xf32, #tpu.memory_space<vmem>>, vector<16xf32>,
        %add3A_72 = vector.broadcast %multiple_of3A_55 : i32 to vector<16xi32>
        %add3A_73 = arith.addi %iota3A, %add3A_72 : vector<16xi32>
        %ge3A = vector.broadcast %squeeze3A : i32 to vector<16xi32>
        %ge3A_74 = arith.cmpi sge, %add3A_73, %ge3A : vector<16xi32>
        %lt3A = vector.broadcast %squeeze3A_20 : i32 to vector<16xi32>
        %lt3A_75 = arith.cmpi slt, %add3A_73, %lt3A : vector<16xi32>
        %and3A_76 = arith.andi %ge3A_74, %lt3A_75 : vector<16xi1>
        %mul3A_77 = arith.mulf %get3A_71, %get3A_71 : vector<16xf32>
        %sub3A_78 = arith.constant 1.000000e+00 : f32
        %sub3A_79 = vector.broadcast %sub3A_78 : f32 to vector<16xf32>
        %sub3A_80 = arith.subf %sub3A_79, %mul3A_77 : vector<16xf32>
        %mul3A_81 = arith.mulf %sub3A_80, %sub3A_80 : vector<16xf32>
        %mul3A_82 = arith.mulf %mul3A_81, %sub3A_80 : vector<16xf32>
        %jit3A = arith.constant 0.000000e+00 : f32
        %jit3A_83 = arith.constant 1.000000e+00 : f32
        %max3A = vector.broadcast %jit3A : f32 to vector<16xf32>
        %max3A_84 = arith.maximumf %max3A, %mul3A_82 : vector<16xf32>
        %min3A = vector.broadcast %jit3A_83 : f32 to vector<16xf32>
        %min3A_85 = arith.minimumf %min3A, %max3A_84 : vector<16xf32>
        %mul3A_86 = arith.mulf %get3A_69, %min3A_85 : vector<16xf32>
        %jit3A_87 = arith.constant 0.000000e+00 : f32
        %broadcast_in_dim3A_88 = vector.broadcast %jit3A_87 : f32 to vector<16xf32>
        %select_n3A = arith.select %and3A_76, %mul3A_86, %broadcast_in_dim3A_88 : vector<16xi1>, vector<16xf32>
        %add3A_89 = arith.addf %while3A_51, %select_n3A : vector<16xf32>
        %gather3A = tpu.vector_load_idx %arg16[%get3A_65] : memref<10000xf32, #tpu.memory_space<vmem>>[vector<16xi32>], vector<16xf32>,
        %gather3A_90 = tpu.vector_load_idx %arg17[%get3A_65] : memref<10000xf32, #tpu.memory_space<vmem>>[vector<16xi32>], vector<16xf32>,
        %gather3A_91 = tpu.vector_load_idx %arg18[%get3A_65] : memref<10000xf32, #tpu.memory_space<vmem>>[vector<16xi32>], vector<16xf32>,
        %get3A_92 = arith.index_cast %scan3A_11 : i32 to index
        %get3A_93 = tpu.vector_load %arg19[%get3A_92] {strides = array<i32>} : memref<336xf32, #tpu.memory_space<vmem>>, vector<16xf32>,
        %slice3A_94 = vector.extract_strided_slice %get3A_93 {offsets = [0], sizes = [1], strides = [1]} : vector<16xf32> to vector<1xf32>
        %squeeze3A_95 = vector.extract %slice3A_94[0] : f32 from vector<1xf32>
        %broadcast_in_dim3A_96 = vector.broadcast %squeeze3A_95 : f32 to vector<16xf32>
        %get3A_97 = arith.index_cast %scan3A_11 : i32 to index
        %get3A_98 = tpu.vector_load %arg20[%get3A_97] {strides = array<i32>} : memref<336xf32, #tpu.memory_space<vmem>>, vector<16xf32>,
        %slice3A_99 = vector.extract_strided_slice %get3A_98 {offsets = [0], sizes = [1], strides = [1]} : vector<16xf32> to vector<1xf32>
        %squeeze3A_100 = vector.extract %slice3A_99[0] : f32 from vector<1xf32>
        %broadcast_in_dim3A_101 = vector.broadcast %squeeze3A_100 : f32 to vector<16xf32>
        %get3A_102 = arith.index_cast %scan3A_11 : i32 to index
        %get3A_103 = tpu.vector_load %arg21[%get3A_102] {strides = array<i32>} : memref<336xf32, #tpu.memory_space<vmem>>, vector<16xf32>,
        %slice3A_104 = vector.extract_strided_slice %get3A_103 {offsets = [0], sizes = [1], strides = [1]} : vector<16xf32> to vector<1xf32>
        %squeeze3A_105 = vector.extract %slice3A_104[0] : f32 from vector<1xf32>
        %broadcast_in_dim3A_106 = vector.broadcast %squeeze3A_105 : f32 to vector<16xf32>
        %sub3A_107 = arith.subf %gather3A, %broadcast_in_dim3A_96 : vector<16xf32>
        %mul3A_108 = arith.mulf %sub3A_107, %get3A_3 : vector<16xf32>
        %sub3A_109 = arith.subf %gather3A_90, %broadcast_in_dim3A_101 : vector<16xf32>
        %mul3A_110 = arith.mulf %sub3A_109, %get3A_3 : vector<16xf32>
        %sub3A_111 = arith.subf %gather3A_91, %broadcast_in_dim3A_106 : vector<16xf32>
        %mul3A_112 = arith.mulf %sub3A_111, %get3A_3 : vector<16xf32>
        %mul3A_113 = arith.mulf %mul3A_108, %mul3A_108 : vector<16xf32>
        %mul3A_114 = arith.mulf %mul3A_110, %mul3A_110 : vector<16xf32>
        %add3A_115 = arith.addf %mul3A_113, %mul3A_114 : vector<16xf32>
        %mul3A_116 = arith.mulf %mul3A_112, %mul3A_112 : vector<16xf32>
        %add3A_117 = arith.addf %add3A_115, %mul3A_116 : vector<16xf32>
        %add3A_118 = arith.constant 9.99999996E-13 : f32
        %add3A_119 = vector.broadcast %add3A_118 : f32 to vector<16xf32>
        %add3A_120 = arith.addf %add3A_117, %add3A_119 : vector<16xf32>
        %bitcast_convert_type3A = tpu.bitcast %add3A_120 : vector<16xf32> -> vector<16xi32>
        %shift_right_arithmetic3A_121 = arith.constant 1 : i32
        %shift_right_arithmetic3A_122 = vector.broadcast %shift_right_arithmetic3A_121 : i32 to vector<16xi32>
        %shift_right_arithmetic3A_123 = arith.shrsi %bitcast_convert_type3A, %shift_right_arithmetic3A_122 : vector<16xi32>
        %sub3A_124 = arith.constant 1597463007 : i32
        %sub3A_125 = vector.broadcast %sub3A_124 : i32 to vector<16xi32>
        %sub3A_126 = arith.subi %sub3A_125, %shift_right_arithmetic3A_123 : vector<16xi32>
        %bitcast_convert_type3A_127 = tpu.bitcast %sub3A_126 : vector<16xi32> -> vector<16xf32>
        %mul3A_128 = arith.constant 5.000000e-01 : f32
        %mul3A_129 = vector.broadcast %mul3A_128 : f32 to vector<16xf32>
        %mul3A_130 = arith.mulf %mul3A_129, %add3A_120 : vector<16xf32>
        %mul3A_131 = arith.mulf %mul3A_130, %bitcast_convert_type3A_127 : vector<16xf32>
        %mul3A_132 = arith.mulf %mul3A_131, %bitcast_convert_type3A_127 : vector<16xf32>
        %sub3A_133 = arith.constant 1.500000e+00 : f32
        %sub3A_134 = vector.broadcast %sub3A_133 : f32 to vector<16xf32>
        %sub3A_135 = arith.subf %sub3A_134, %mul3A_132 : vector<16xf32>
        %mul3A_136 = arith.mulf %bitcast_convert_type3A_127, %sub3A_135 : vector<16xf32>
        %mul3A_137 = arith.constant 5.000000e-01 : f32
        %mul3A_138 = vector.broadcast %mul3A_137 : f32 to vector<16xf32>
        %mul3A_139 = arith.mulf %mul3A_138, %add3A_120 : vector<16xf32>
        %mul3A_140 = arith.mulf %mul3A_139, %mul3A_136 : vector<16xf32>
        %mul3A_141 = arith.mulf %mul3A_140, %mul3A_136 : vector<16xf32>
        %sub3A_142 = arith.constant 1.500000e+00 : f32
        %sub3A_143 = vector.broadcast %sub3A_142 : f32 to vector<16xf32>
        %sub3A_144 = arith.subf %sub3A_143, %mul3A_141 : vector<16xf32>
        %mul3A_145 = arith.mulf %mul3A_136, %sub3A_144 : vector<16xf32>
        %mul3A_146 = arith.constant 5.000000e-01 : f32
        %mul3A_147 = vector.broadcast %mul3A_146 : f32 to vector<16xf32>
        %mul3A_148 = arith.mulf %mul3A_147, %add3A_120 : vector<16xf32>
        %mul3A_149 = arith.mulf %mul3A_148, %mul3A_145 : vector<16xf32>
        %mul3A_150 = arith.mulf %mul3A_149, %mul3A_145 : vector<16xf32>
        %sub3A_151 = arith.constant 1.500000e+00 : f32
        %sub3A_152 = vector.broadcast %sub3A_151 : f32 to vector<16xf32>
        %sub3A_153 = arith.subf %sub3A_152, %mul3A_150 : vector<16xf32>
        %mul3A_154 = arith.mulf %mul3A_145, %sub3A_153 : vector<16xf32>
        %mul3A_155 = arith.mulf %add3A_120, %mul3A_154 : vector<16xf32>
        %abs3A = math.absf %mul3A_108 : vector<16xf32>
        %abs3A_156 = math.absf %mul3A_110 : vector<16xf32>
        %max3A_157 = arith.maximumf %abs3A, %abs3A_156 : vector<16xf32>
        %abs3A_158 = math.absf %mul3A_112 : vector<16xf32>
        %max3A_159 = arith.maximumf %max3A_157, %abs3A_158 : vector<16xf32>
        %gt3A_160 = arith.constant 9.99999993E-9 : f32
        %gt3A_161 = vector.broadcast %gt3A_160 : f32 to vector<16xf32>
        %gt3A_162 = arith.cmpf ogt, %max3A_159, %gt3A_161 : vector<16xf32>
        %max3A_163 = arith.constant 9.99999993E-9 : f32
        %max3A_164 = vector.broadcast %max3A_163 : f32 to vector<16xf32>
        %max3A_165 = arith.maximumf %max3A_159, %max3A_164 : vector<16xf32>
        %div3A = arith.divf %mul3A_155, %max3A_165 : vector<16xf32>
        %jit3A_166 = arith.constant 0.000000e+00 : f32
        %broadcast_in_dim3A_167 = vector.broadcast %jit3A_166 : f32 to vector<16xf32>
        %select_n3A_168 = arith.select %gt3A_162, %div3A, %broadcast_in_dim3A_167 : vector<16xi1>, vector<16xf32>
        %mul3A_169 = arith.mulf %mul3A_108, %select_n3A_168 : vector<16xf32>
        %jit3A_170 = arith.constant -1.000000e+00 : f32
        %jit3A_171 = arith.constant 1.000000e+00 : f32
        %max3A_172 = vector.broadcast %jit3A_170 : f32 to vector<16xf32>
        %max3A_173 = arith.maximumf %max3A_172, %mul3A_169 : vector<16xf32>
        %min3A_174 = vector.broadcast %jit3A_171 : f32 to vector<16xf32>
        %min3A_175 = arith.minimumf %min3A_174, %max3A_173 : vector<16xf32>
        %mul3A_176 = arith.constant 5.000000e-01 : f32
        %mul3A_177 = vector.broadcast %mul3A_176 : f32 to vector<16xf32>
        %mul3A_178 = arith.mulf %min3A_175, %mul3A_177 : vector<16xf32>
        %add3A_179 = arith.constant 5.000000e-01 : f32
        %add3A_180 = vector.broadcast %add3A_179 : f32 to vector<16xf32>
        %add3A_181 = arith.addf %mul3A_178, %add3A_180 : vector<16xf32>
        %mul3A_182 = arith.constant 3.000000e+00 : f32
        %mul3A_183 = vector.broadcast %mul3A_182 : f32 to vector<16xf32>
        %mul3A_184 = arith.mulf %add3A_181, %mul3A_183 : vector<16xf32>
        %mul3A_185 = arith.mulf %mul3A_110, %select_n3A_168 : vector<16xf32>
        %jit3A_186 = arith.constant -1.000000e+00 : f32
        %jit3A_187 = arith.constant 1.000000e+00 : f32
        %max3A_188 = vector.broadcast %jit3A_186 : f32 to vector<16xf32>
        %max3A_189 = arith.maximumf %max3A_188, %mul3A_185 : vector<16xf32>
        %min3A_190 = vector.broadcast %jit3A_187 : f32 to vector<16xf32>
        %min3A_191 = arith.minimumf %min3A_190, %max3A_189 : vector<16xf32>
        %mul3A_192 = arith.constant 5.000000e-01 : f32
        %mul3A_193 = vector.broadcast %mul3A_192 : f32 to vector<16xf32>
        %mul3A_194 = arith.mulf %min3A_191, %mul3A_193 : vector<16xf32>
        %add3A_195 = arith.constant 5.000000e-01 : f32
        %add3A_196 = vector.broadcast %add3A_195 : f32 to vector<16xf32>
        %add3A_197 = arith.addf %mul3A_194, %add3A_196 : vector<16xf32>
        %mul3A_198 = arith.constant 3.000000e+00 : f32
        %mul3A_199 = vector.broadcast %mul3A_198 : f32 to vector<16xf32>
        %mul3A_200 = arith.mulf %add3A_197, %mul3A_199 : vector<16xf32>
        %mul3A_201 = arith.mulf %mul3A_112, %select_n3A_168 : vector<16xf32>
        %jit3A_202 = arith.constant -1.000000e+00 : f32
        %jit3A_203 = arith.constant 1.000000e+00 : f32
        %max3A_204 = vector.broadcast %jit3A_202 : f32 to vector<16xf32>
        %max3A_205 = arith.maximumf %max3A_204, %mul3A_201 : vector<16xf32>
        %min3A_206 = vector.broadcast %jit3A_203 : f32 to vector<16xf32>
        %min3A_207 = arith.minimumf %min3A_206, %max3A_205 : vector<16xf32>
        %mul3A_208 = arith.constant 5.000000e-01 : f32
        %mul3A_209 = vector.broadcast %mul3A_208 : f32 to vector<16xf32>
        %mul3A_210 = arith.mulf %min3A_207, %mul3A_209 : vector<16xf32>
        %add3A_211 = arith.constant 5.000000e-01 : f32
        %add3A_212 = vector.broadcast %add3A_211 : f32 to vector<16xf32>
        %add3A_213 = arith.addf %mul3A_210, %add3A_212 : vector<16xf32>
        %mul3A_214 = arith.constant 3.000000e+00 : f32
        %mul3A_215 = vector.broadcast %mul3A_214 : f32 to vector<16xf32>
        %mul3A_216 = arith.mulf %add3A_213, %mul3A_215 : vector<16xf32>
        %convert_element_type3A_217 = arith.fptosi %mul3A_184 : vector<16xf32> to vector<16xi32>
        %min3A_218 = arith.constant 2 : i32
        %min3A_219 = vector.broadcast %min3A_218 : i32 to vector<16xi32>
        %min3A_220 = arith.minsi %convert_element_type3A_217, %min3A_219 : vector<16xi32>
        %convert_element_type3A_221 = arith.fptosi %mul3A_200 : vector<16xf32> to vector<16xi32>
        %min3A_222 = arith.constant 2 : i32
        %min3A_223 = vector.broadcast %min3A_222 : i32 to vector<16xi32>
        %min3A_224 = arith.minsi %convert_element_type3A_221, %min3A_223 : vector<16xi32>
        %convert_element_type3A_225 = arith.fptosi %mul3A_216 : vector<16xf32> to vector<16xi32>
        %min3A_226 = arith.constant 2 : i32
        %min3A_227 = vector.broadcast %min3A_226 : i32 to vector<16xi32>
        %min3A_228 = arith.minsi %convert_element_type3A_225, %min3A_227 : vector<16xi32>
        %convert_element_type3A_229 = arith.sitofp %min3A_220 : vector<16xi32> to vector<16xf32>
        %sub3A_230 = arith.subf %mul3A_184, %convert_element_type3A_229 : vector<16xf32>
        %convert_element_type3A_231 = arith.sitofp %min3A_224 : vector<16xi32> to vector<16xf32>
        %sub3A_232 = arith.subf %mul3A_200, %convert_element_type3A_231 : vector<16xf32>
        %convert_element_type3A_233 = arith.sitofp %min3A_228 : vector<16xi32> to vector<16xf32>
        %sub3A_234 = arith.subf %mul3A_216, %convert_element_type3A_233 : vector<16xf32>
        %mul3A_235 = arith.constant 4 : i32
        %mul3A_236 = vector.broadcast %mul3A_235 : i32 to vector<16xi32>
        %mul3A_237 = arith.muli %min3A_220, %mul3A_236 : vector<16xi32>
        %add3A_238 = arith.addi %mul3A_237, %min3A_224 : vector<16xi32>
        %mul3A_239 = arith.constant 4 : i32
        %mul3A_240 = vector.broadcast %mul3A_239 : i32 to vector<16xi32>
        %mul3A_241 = arith.muli %add3A_238, %mul3A_240 : vector<16xi32>
        %add3A_242 = arith.addi %mul3A_241, %min3A_228 : vector<16xi32>
        %mul3A_243 = arith.constant 128 : i32
        %mul3A_244 = vector.broadcast %mul3A_243 : i32 to vector<16xi32>
        %mul3A_245 = arith.muli %add3A_242, %mul3A_244 : vector<16xi32>
        %swap3A = arith.constant 0 : index
        %swap3A_246 = tpu.vector_load %arg29[%swap3A] {strides = array<i32>} : memref<32xi32, #tpu.memory_space<vmem>>, vector<16xi32>,
        tpu.vector_store %arg29[%swap3A], %mul3A_245 {strides = array<i32>} : memref<32xi32, #tpu.memory_space<vmem>>, vector<16xi32>,
        %sub3A_247 = arith.constant 1.000000e+00 : f32
        %sub3A_248 = vector.broadcast %sub3A_247 : f32 to vector<16xf32>
        %sub3A_249 = arith.subf %sub3A_248, %sub3A_230 : vector<16xf32>
        %sub3A_250 = arith.constant 1.000000e+00 : f32
        %sub3A_251 = vector.broadcast %sub3A_250 : f32 to vector<16xf32>
        %sub3A_252 = arith.subf %sub3A_251, %sub3A_232 : vector<16xf32>
        %sub3A_253 = arith.constant 1.000000e+00 : f32
        %sub3A_254 = vector.broadcast %sub3A_253 : f32 to vector<16xf32>
        %sub3A_255 = arith.subf %sub3A_254, %sub3A_234 : vector<16xf32>
        %mul3A_256 = arith.mulf %sub3A_249, %sub3A_252 : vector<16xf32>
        %mul3A_257 = arith.mulf %mul3A_256, %sub3A_255 : vector<16xf32>
        %mul3A_258 = arith.mulf %mul3A_257, %select_n3A : vector<16xf32>
        %swap3A_259 = arith.constant 0 : i32
        %swap3A_260 = arith.index_cast %swap3A_259 : i32 to index
        %swap3A_261 = arith.constant 0 : index
        %swap3A_262 = tpu.vector_load %arg28[%swap3A_260, %swap3A_261] {strides = array<i32>} : memref<8x32xf32, #tpu.memory_space<vmem>>, vector<16xf32>,
        tpu.vector_store %arg28[%swap3A_260, %swap3A_261], %mul3A_258 {strides = array<i32>} : memref<8x32xf32, #tpu.memory_space<vmem>>, vector<16xf32>,
        %mul3A_263 = arith.mulf %sub3A_249, %sub3A_252 : vector<16xf32>
        %mul3A_264 = arith.mulf %mul3A_263, %sub3A_234 : vector<16xf32>
        %mul3A_265 = arith.mulf %mul3A_264, %select_n3A : vector<16xf32>
        %swap3A_266 = arith.constant 1 : i32
        %swap3A_267 = arith.index_cast %swap3A_266 : i32 to index
        %swap3A_268 = arith.constant 0 : index
        %swap3A_269 = tpu.vector_load %arg28[%swap3A_267, %swap3A_268] {strides = array<i32>} : memref<8x32xf32, #tpu.memory_space<vmem>>, vector<16xf32>,
        tpu.vector_store %arg28[%swap3A_267, %swap3A_268], %mul3A_265 {strides = array<i32>} : memref<8x32xf32, #tpu.memory_space<vmem>>, vector<16xf32>,
        %mul3A_270 = arith.mulf %sub3A_249, %sub3A_232 : vector<16xf32>
        %mul3A_271 = arith.mulf %mul3A_270, %sub3A_255 : vector<16xf32>
        %mul3A_272 = arith.mulf %mul3A_271, %select_n3A : vector<16xf32>
        %swap3A_273 = arith.constant 2 : i32
        %swap3A_274 = arith.index_cast %swap3A_273 : i32 to index
        %swap3A_275 = arith.constant 0 : index
        %swap3A_276 = tpu.vector_load %arg28[%swap3A_274, %swap3A_275] {strides = array<i32>} : memref<8x32xf32, #tpu.memory_space<vmem>>, vector<16xf32>,
        tpu.vector_store %arg28[%swap3A_274, %swap3A_275], %mul3A_272 {strides = array<i32>} : memref<8x32xf32, #tpu.memory_space<vmem>>, vector<16xf32>,
        %mul3A_277 = arith.mulf %sub3A_249, %sub3A_232 : vector<16xf32>
        %mul3A_278 = arith.mulf %mul3A_277, %sub3A_234 : vector<16xf32>
        %mul3A_279 = arith.mulf %mul3A_278, %select_n3A : vector<16xf32>
        %swap3A_280 = arith.constant 3 : i32
        %swap3A_281 = arith.index_cast %swap3A_280 : i32 to index
        %swap3A_282 = arith.constant 0 : index
        %swap3A_283 = tpu.vector_load %arg28[%swap3A_281, %swap3A_282] {strides = array<i32>} : memref<8x32xf32, #tpu.memory_space<vmem>>, vector<16xf32>,
        tpu.vector_store %arg28[%swap3A_281, %swap3A_282], %mul3A_279 {strides = array<i32>} : memref<8x32xf32, #tpu.memory_space<vmem>>, vector<16xf32>,
        %mul3A_284 = arith.mulf %sub3A_230, %sub3A_252 : vector<16xf32>
        %mul3A_285 = arith.mulf %mul3A_284, %sub3A_255 : vector<16xf32>
        %mul3A_286 = arith.mulf %mul3A_285, %select_n3A : vector<16xf32>
        %swap3A_287 = arith.constant 4 : i32
        %swap3A_288 = arith.index_cast %swap3A_287 : i32 to index
        %swap3A_289 = arith.constant 0 : index
        %swap3A_290 = tpu.vector_load %arg28[%swap3A_288, %swap3A_289] {strides = array<i32>} : memref<8x32xf32, #tpu.memory_space<vmem>>, vector<16xf32>,
        tpu.vector_store %arg28[%swap3A_288, %swap3A_289], %mul3A_286 {strides = array<i32>} : memref<8x32xf32, #tpu.memory_space<vmem>>, vector<16xf32>,
        %mul3A_291 = arith.mulf %sub3A_230, %sub3A_252 : vector<16xf32>
        %mul3A_292 = arith.mulf %mul3A_291, %sub3A_234 : vector<16xf32>
        %mul3A_293 = arith.mulf %mul3A_292, %select_n3A : vector<16xf32>
        %swap3A_294 = arith.constant 5 : i32
        %swap3A_295 = arith.index_cast %swap3A_294 : i32 to index
        %swap3A_296 = arith.constant 0 : index
        %swap3A_297 = tpu.vector_load %arg28[%swap3A_295, %swap3A_296] {strides = array<i32>} : memref<8x32xf32, #tpu.memory_space<vmem>>, vector<16xf32>,
        tpu.vector_store %arg28[%swap3A_295, %swap3A_296], %mul3A_293 {strides = array<i32>} : memref<8x32xf32, #tpu.memory_space<vmem>>, vector<16xf32>,
        %mul3A_298 = arith.mulf %sub3A_230, %sub3A_232 : vector<16xf32>
        %mul3A_299 = arith.mulf %mul3A_298, %sub3A_255 : vector<16xf32>
        %mul3A_300 = arith.mulf %mul3A_299, %select_n3A : vector<16xf32>
        %swap3A_301 = arith.constant 6 : i32
        %swap3A_302 = arith.index_cast %swap3A_301 : i32 to index
        %swap3A_303 = arith.constant 0 : index
        %swap3A_304 = tpu.vector_load %arg28[%swap3A_302, %swap3A_303] {strides = array<i32>} : memref<8x32xf32, #tpu.memory_space<vmem>>, vector<16xf32>,
        tpu.vector_store %arg28[%swap3A_302, %swap3A_303], %mul3A_300 {strides = array<i32>} : memref<8x32xf32, #tpu.memory_space<vmem>>, vector<16xf32>,
        %mul3A_305 = arith.mulf %sub3A_230, %sub3A_232 : vector<16xf32>
        %mul3A_306 = arith.mulf %mul3A_305, %sub3A_234 : vector<16xf32>
        %mul3A_307 = arith.mulf %mul3A_306, %select_n3A : vector<16xf32>
        %swap3A_308 = arith.constant 7 : i32
        %swap3A_309 = arith.index_cast %swap3A_308 : i32 to index
        %swap3A_310 = arith.constant 0 : index
        %swap3A_311 = tpu.vector_load %arg28[%swap3A_309, %swap3A_310] {strides = array<i32>} : memref<8x32xf32, #tpu.memory_space<vmem>>, vector<16xf32>,
        tpu.vector_store %arg28[%swap3A_309, %swap3A_310], %mul3A_307 {strides = array<i32>} : memref<8x32xf32, #tpu.memory_space<vmem>>, vector<16xf32>,
        %dma_wait3A = arith.constant 0 : i32
        %dma_wait3A_312 = arith.constant 0 : i32
        %dma_wait3A_313 = tpu.memref_slice %arg12[%dma_wait3A, %dma_wait3A_312] : memref<10000x128xf32, #tpu.memory_space<hbm>> -> memref<10000x128xf32, #tpu.memory_space<hbm>>
        tpu.wait_indirect_dma semaphore(%arg32 : memref<!tpu.dma_semaphore, #tpu.memory_space<semaphore_mem>>) src(%dma_wait3A_313 : memref<10000x128xf32, #tpu.memory_space<hbm>>) dst(%arg27 : memref<16x128xf32, #tpu.memory_space<vmem>>)
        %scan3A_314 = arith.constant 0 : i32
        %scan3A_315 = arith.constant 0 : i32
        %scan3A_316 = arith.constant 16 : i32
        %scan3A_317 = arith.addi %scan3A_315, %scan3A_316 : i32
        %scan3A_318 = arith.constant 1 : i32
        scf.for %scan3A_320 = %scan3A_315 to %scan3A_317 step %scan3A_318  : i32 {
          %get3A_321 = arith.index_cast %scan3A_320 : i32 to index
          %get3A_322 = tpu.vector_load %arg29[%get3A_321] {strides = array<i32>} : memref<32xi32, #tpu.memory_space<vmem>>, vector<16xi32>,
          %slice3A_323 = vector.extract_strided_slice %get3A_322 {offsets = [0], sizes = [1], strides = [1]} : vector<16xi32> to vector<1xi32>
          %squeeze3A_324 = vector.extract %slice3A_323[0] : i32 from vector<1xi32>
          %get3A_325 = arith.index_cast %scan3A_320 : i32 to index
          %get3A_326 = arith.constant 0 : index
          %get3A_327 = tpu.vector_load %arg27[%get3A_325, %get3A_326] {strides = array<i32>} : memref<16x128xf32, #tpu.memory_space<vmem>>, vector<16xf32>,
          %get3A_328 = arith.index_cast %scan3A_320 : i32 to index
          %get3A_329 = arith.constant 16 : index
          %get3A_330 = tpu.vector_load %arg27[%get3A_328, %get3A_329] {strides = array<i32>} : memref<16x128xf32, #tpu.memory_space<vmem>>, vector<16xf32>,
          %get3A_331 = arith.index_cast %scan3A_320 : i32 to index
          %get3A_332 = arith.constant 32 : index
          %get3A_333 = tpu.vector_load %arg27[%get3A_331, %get3A_332] {strides = array<i32>} : memref<16x128xf32, #tpu.memory_space<vmem>>, vector<16xf32>,
          %get3A_334 = arith.index_cast %scan3A_320 : i32 to index
          %get3A_335 = arith.constant 48 : index
          %get3A_336 = tpu.vector_load %arg27[%get3A_334, %get3A_335] {strides = array<i32>} : memref<16x128xf32, #tpu.memory_space<vmem>>, vector<16xf32>,
          %get3A_337 = arith.index_cast %scan3A_320 : i32 to index
          %get3A_338 = arith.constant 64 : index
          %get3A_339 = tpu.vector_load %arg27[%get3A_337, %get3A_338] {strides = array<i32>} : memref<16x128xf32, #tpu.memory_space<vmem>>, vector<16xf32>,
          %get3A_340 = arith.index_cast %scan3A_320 : i32 to index
          %get3A_341 = arith.constant 80 : index
          %get3A_342 = tpu.vector_load %arg27[%get3A_340, %get3A_341] {strides = array<i32>} : memref<16x128xf32, #tpu.memory_space<vmem>>, vector<16xf32>,
          %get3A_343 = arith.index_cast %scan3A_320 : i32 to index
          %get3A_344 = arith.constant 96 : index
          %get3A_345 = tpu.vector_load %arg27[%get3A_343, %get3A_344] {strides = array<i32>} : memref<16x128xf32, #tpu.memory_space<vmem>>, vector<16xf32>,
          %get3A_346 = arith.index_cast %scan3A_320 : i32 to index
          %get3A_347 = arith.constant 112 : index
          %get3A_348 = tpu.vector_load %arg27[%get3A_346, %get3A_347] {strides = array<i32>} : memref<16x128xf32, #tpu.memory_space<vmem>>, vector<16xf32>,
          %get3A_349 = arith.constant 0 : i32
          %get3A_350 = arith.index_cast %get3A_349 : i32 to index
          %get3A_351 = arith.index_cast %scan3A_320 : i32 to index
          %get3A_352 = tpu.vector_load %arg28[%get3A_350, %get3A_351] {strides = array<i32>} : memref<8x32xf32, #tpu.memory_space<vmem>>, vector<16xf32>,
          %slice3A_353 = vector.extract_strided_slice %get3A_352 {offsets = [0], sizes = [1], strides = [1]} : vector<16xf32> to vector<1xf32>
          %squeeze3A_354 = vector.extract %slice3A_353[0] : f32 from vector<1xf32>
          %broadcast_in_dim3A_355 = vector.broadcast %squeeze3A_354 : f32 to vector<16xf32>
          %add3A_356 = arith.constant 0 : i32
          %add3A_357 = arith.addi %squeeze3A_324, %add3A_356 : i32
          %add3A_358 = arith.constant 0 : i32
          %add3A_359 = arith.addi %add3A_357, %add3A_358 : i32
          %mul3A_360 = arith.mulf %broadcast_in_dim3A_355, %get3A_327 : vector<16xf32>
          %swap3A_361 = arith.index_cast %add3A_359 : i32 to index
          %swap3A_362 = tpu.vector_load %arg26[%swap3A_361] {strides = array<i32>} : memref<8192xf32, #tpu.memory_space<vmem>>, vector<16xf32>,
          tpu.vector_store %arg26[%swap3A_361], %mul3A_360 {add = true, strides = array<i32>} : memref<8192xf32, #tpu.memory_space<vmem>>, vector<16xf32>,
          %add3A_363 = arith.constant 16 : i32
          %add3A_364 = arith.addi %add3A_357, %add3A_363 : i32
          %mul3A_365 = arith.mulf %broadcast_in_dim3A_355, %get3A_330 : vector<16xf32>
          %swap3A_366 = arith.index_cast %add3A_364 : i32 to index
          %swap3A_367 = tpu.vector_load %arg26[%swap3A_366] {strides = array<i32>} : memref<8192xf32, #tpu.memory_space<vmem>>, vector<16xf32>,
          tpu.vector_store %arg26[%swap3A_366], %mul3A_365 {add = true, strides = array<i32>} : memref<8192xf32, #tpu.memory_space<vmem>>, vector<16xf32>,
          %add3A_368 = arith.constant 32 : i32
          %add3A_369 = arith.addi %add3A_357, %add3A_368 : i32
          %mul3A_370 = arith.mulf %broadcast_in_dim3A_355, %get3A_333 : vector<16xf32>
          %swap3A_371 = arith.index_cast %add3A_369 : i32 to index
          %swap3A_372 = tpu.vector_load %arg26[%swap3A_371] {strides = array<i32>} : memref<8192xf32, #tpu.memory_space<vmem>>, vector<16xf32>,
          tpu.vector_store %arg26[%swap3A_371], %mul3A_370 {add = true, strides = array<i32>} : memref<8192xf32, #tpu.memory_space<vmem>>, vector<16xf32>,
          %add3A_373 = arith.constant 48 : i32
          %add3A_374 = arith.addi %add3A_357, %add3A_373 : i32
          %mul3A_375 = arith.mulf %broadcast_in_dim3A_355, %get3A_336 : vector<16xf32>
          %swap3A_376 = arith.index_cast %add3A_374 : i32 to index
          %swap3A_377 = tpu.vector_load %arg26[%swap3A_376] {strides = array<i32>} : memref<8192xf32, #tpu.memory_space<vmem>>, vector<16xf32>,
          tpu.vector_store %arg26[%swap3A_376], %mul3A_375 {add = true, strides = array<i32>} : memref<8192xf32, #tpu.memory_space<vmem>>, vector<16xf32>,
          %add3A_378 = arith.constant 64 : i32
          %add3A_379 = arith.addi %add3A_357, %add3A_378 : i32
          %mul3A_380 = arith.mulf %broadcast_in_dim3A_355, %get3A_339 : vector<16xf32>
          %swap3A_381 = arith.index_cast %add3A_379 : i32 to index
          %swap3A_382 = tpu.vector_load %arg26[%swap3A_381] {strides = array<i32>} : memref<8192xf32, #tpu.memory_space<vmem>>, vector<16xf32>,
          tpu.vector_store %arg26[%swap3A_381], %mul3A_380 {add = true, strides = array<i32>} : memref<8192xf32, #tpu.memory_space<vmem>>, vector<16xf32>,
          %add3A_383 = arith.constant 80 : i32
          %add3A_384 = arith.addi %add3A_357, %add3A_383 : i32
          %mul3A_385 = arith.mulf %broadcast_in_dim3A_355, %get3A_342 : vector<16xf32>
          %swap3A_386 = arith.index_cast %add3A_384 : i32 to index
          %swap3A_387 = tpu.vector_load %arg26[%swap3A_386] {strides = array<i32>} : memref<8192xf32, #tpu.memory_space<vmem>>, vector<16xf32>,
          tpu.vector_store %arg26[%swap3A_386], %mul3A_385 {add = true, strides = array<i32>} : memref<8192xf32, #tpu.memory_space<vmem>>, vector<16xf32>,
          %add3A_388 = arith.constant 96 : i32
          %add3A_389 = arith.addi %add3A_357, %add3A_388 : i32
          %mul3A_390 = arith.mulf %broadcast_in_dim3A_355, %get3A_345 : vector<16xf32>
          %swap3A_391 = arith.index_cast %add3A_389 : i32 to index
          %swap3A_392 = tpu.vector_load %arg26[%swap3A_391] {strides = array<i32>} : memref<8192xf32, #tpu.memory_space<vmem>>, vector<16xf32>,
          tpu.vector_store %arg26[%swap3A_391], %mul3A_390 {add = true, strides = array<i32>} : memref<8192xf32, #tpu.memory_space<vmem>>, vector<16xf32>,
          %add3A_393 = arith.constant 112 : i32
          %add3A_394 = arith.addi %add3A_357, %add3A_393 : i32
          %mul3A_395 = arith.mulf %broadcast_in_dim3A_355, %get3A_348 : vector<16xf32>
          %swap3A_396 = arith.index_cast %add3A_394 : i32 to index
          %swap3A_397 = tpu.vector_load %arg26[%swap3A_396] {strides = array<i32>} : memref<8192xf32, #tpu.memory_space<vmem>>, vector<16xf32>,
          tpu.vector_store %arg26[%swap3A_396], %mul3A_395 {add = true, strides = array<i32>} : memref<8192xf32, #tpu.memory_space<vmem>>, vector<16xf32>,
          %get3A_398 = arith.constant 1 : i32
          %get3A_399 = arith.index_cast %get3A_398 : i32 to index
          %get3A_400 = arith.index_cast %scan3A_320 : i32 to index
          %get3A_401 = tpu.vector_load %arg28[%get3A_399, %get3A_400] {strides = array<i32>} : memref<8x32xf32, #tpu.memory_space<vmem>>, vector<16xf32>,
          %slice3A_402 = vector.extract_strided_slice %get3A_401 {offsets = [0], sizes = [1], strides = [1]} : vector<16xf32> to vector<1xf32>
          %squeeze3A_403 = vector.extract %slice3A_402[0] : f32 from vector<1xf32>
          %broadcast_in_dim3A_404 = vector.broadcast %squeeze3A_403 : f32 to vector<16xf32>
          %add3A_405 = arith.constant 128 : i32
          %add3A_406 = arith.addi %squeeze3A_324, %add3A_405 : i32
          %add3A_407 = arith.constant 0 : i32
          %add3A_408 = arith.addi %add3A_406, %add3A_407 : i32
          %mul3A_409 = arith.mulf %broadcast_in_dim3A_404, %get3A_327 : vector<16xf32>
          %swap3A_410 = arith.index_cast %add3A_408 : i32 to index
          %swap3A_411 = tpu.vector_load %arg26[%swap3A_410] {strides = array<i32>} : memref<8192xf32, #tpu.memory_space<vmem>>, vector<16xf32>,
          tpu.vector_store %arg26[%swap3A_410], %mul3A_409 {add = true, strides = array<i32>} : memref<8192xf32, #tpu.memory_space<vmem>>, vector<16xf32>,
          %add3A_412 = arith.constant 16 : i32
          %add3A_413 = arith.addi %add3A_406, %add3A_412 : i32
          %mul3A_414 = arith.mulf %broadcast_in_dim3A_404, %get3A_330 : vector<16xf32>
          %swap3A_415 = arith.index_cast %add3A_413 : i32 to index
          %swap3A_416 = tpu.vector_load %arg26[%swap3A_415] {strides = array<i32>} : memref<8192xf32, #tpu.memory_space<vmem>>, vector<16xf32>,
          tpu.vector_store %arg26[%swap3A_415], %mul3A_414 {add = true, strides = array<i32>} : memref<8192xf32, #tpu.memory_space<vmem>>, vector<16xf32>,
          %add3A_417 = arith.constant 32 : i32
          %add3A_418 = arith.addi %add3A_406, %add3A_417 : i32
          %mul3A_419 = arith.mulf %broadcast_in_dim3A_404, %get3A_333 : vector<16xf32>
          %swap3A_420 = arith.index_cast %add3A_418 : i32 to index
          %swap3A_421 = tpu.vector_load %arg26[%swap3A_420] {strides = array<i32>} : memref<8192xf32, #tpu.memory_space<vmem>>, vector<16xf32>,
          tpu.vector_store %arg26[%swap3A_420], %mul3A_419 {add = true, strides = array<i32>} : memref<8192xf32, #tpu.memory_space<vmem>>, vector<16xf32>,
          %add3A_422 = arith.constant 48 : i32
          %add3A_423 = arith.addi %add3A_406, %add3A_422 : i32
          %mul3A_424 = arith.mulf %broadcast_in_dim3A_404, %get3A_336 : vector<16xf32>
          %swap3A_425 = arith.index_cast %add3A_423 : i32 to index
          %swap3A_426 = tpu.vector_load %arg26[%swap3A_425] {strides = array<i32>} : memref<8192xf32, #tpu.memory_space<vmem>>, vector<16xf32>,
          tpu.vector_store %arg26[%swap3A_425], %mul3A_424 {add = true, strides = array<i32>} : memref<8192xf32, #tpu.memory_space<vmem>>, vector<16xf32>,
          %add3A_427 = arith.constant 64 : i32
          %add3A_428 = arith.addi %add3A_406, %add3A_427 : i32
          %mul3A_429 = arith.mulf %broadcast_in_dim3A_404, %get3A_339 : vector<16xf32>
          %swap3A_430 = arith.index_cast %add3A_428 : i32 to index
          %swap3A_431 = tpu.vector_load %arg26[%swap3A_430] {strides = array<i32>} : memref<8192xf32, #tpu.memory_space<vmem>>, vector<16xf32>,
          tpu.vector_store %arg26[%swap3A_430], %mul3A_429 {add = true, strides = array<i32>} : memref<8192xf32, #tpu.memory_space<vmem>>, vector<16xf32>,
          %add3A_432 = arith.constant 80 : i32
          %add3A_433 = arith.addi %add3A_406, %add3A_432 : i32
          %mul3A_434 = arith.mulf %broadcast_in_dim3A_404, %get3A_342 : vector<16xf32>
          %swap3A_435 = arith.index_cast %add3A_433 : i32 to index
          %swap3A_436 = tpu.vector_load %arg26[%swap3A_435] {strides = array<i32>} : memref<8192xf32, #tpu.memory_space<vmem>>, vector<16xf32>,
          tpu.vector_store %arg26[%swap3A_435], %mul3A_434 {add = true, strides = array<i32>} : memref<8192xf32, #tpu.memory_space<vmem>>, vector<16xf32>,
          %add3A_437 = arith.constant 96 : i32
          %add3A_438 = arith.addi %add3A_406, %add3A_437 : i32
          %mul3A_439 = arith.mulf %broadcast_in_dim3A_404, %get3A_345 : vector<16xf32>
          %swap3A_440 = arith.index_cast %add3A_438 : i32 to index
          %swap3A_441 = tpu.vector_load %arg26[%swap3A_440] {strides = array<i32>} : memref<8192xf32, #tpu.memory_space<vmem>>, vector<16xf32>,
          tpu.vector_store %arg26[%swap3A_440], %mul3A_439 {add = true, strides = array<i32>} : memref<8192xf32, #tpu.memory_space<vmem>>, vector<16xf32>,
          %add3A_442 = arith.constant 112 : i32
          %add3A_443 = arith.addi %add3A_406, %add3A_442 : i32
          %mul3A_444 = arith.mulf %broadcast_in_dim3A_404, %get3A_348 : vector<16xf32>
          %swap3A_445 = arith.index_cast %add3A_443 : i32 to index
          %swap3A_446 = tpu.vector_load %arg26[%swap3A_445] {strides = array<i32>} : memref<8192xf32, #tpu.memory_space<vmem>>, vector<16xf32>,
          tpu.vector_store %arg26[%swap3A_445], %mul3A_444 {add = true, strides = array<i32>} : memref<8192xf32, #tpu.memory_space<vmem>>, vector<16xf32>,
          %get3A_447 = arith.constant 2 : i32
          %get3A_448 = arith.index_cast %get3A_447 : i32 to index
          %get3A_449 = arith.index_cast %scan3A_320 : i32 to index
          %get3A_450 = tpu.vector_load %arg28[%get3A_448, %get3A_449] {strides = array<i32>} : memref<8x32xf32, #tpu.memory_space<vmem>>, vector<16xf32>,
          %slice3A_451 = vector.extract_strided_slice %get3A_450 {offsets = [0], sizes = [1], strides = [1]} : vector<16xf32> to vector<1xf32>
          %squeeze3A_452 = vector.extract %slice3A_451[0] : f32 from vector<1xf32>
          %broadcast_in_dim3A_453 = vector.broadcast %squeeze3A_452 : f32 to vector<16xf32>
          %add3A_454 = arith.constant 512 : i32
          %add3A_455 = arith.addi %squeeze3A_324, %add3A_454 : i32
          %add3A_456 = arith.constant 0 : i32
          %add3A_457 = arith.addi %add3A_455, %add3A_456 : i32
          %mul3A_458 = arith.mulf %broadcast_in_dim3A_453, %get3A_327 : vector<16xf32>
          %swap3A_459 = arith.index_cast %add3A_457 : i32 to index
          %swap3A_460 = tpu.vector_load %arg26[%swap3A_459] {strides = array<i32>} : memref<8192xf32, #tpu.memory_space<vmem>>, vector<16xf32>,
          tpu.vector_store %arg26[%swap3A_459], %mul3A_458 {add = true, strides = array<i32>} : memref<8192xf32, #tpu.memory_space<vmem>>, vector<16xf32>,
          %add3A_461 = arith.constant 16 : i32
          %add3A_462 = arith.addi %add3A_455, %add3A_461 : i32
          %mul3A_463 = arith.mulf %broadcast_in_dim3A_453, %get3A_330 : vector<16xf32>
          %swap3A_464 = arith.index_cast %add3A_462 : i32 to index
          %swap3A_465 = tpu.vector_load %arg26[%swap3A_464] {strides = array<i32>} : memref<8192xf32, #tpu.memory_space<vmem>>, vector<16xf32>,
          tpu.vector_store %arg26[%swap3A_464], %mul3A_463 {add = true, strides = array<i32>} : memref<8192xf32, #tpu.memory_space<vmem>>, vector<16xf32>,
          %add3A_466 = arith.constant 32 : i32
          %add3A_467 = arith.addi %add3A_455, %add3A_466 : i32
          %mul3A_468 = arith.mulf %broadcast_in_dim3A_453, %get3A_333 : vector<16xf32>
          %swap3A_469 = arith.index_cast %add3A_467 : i32 to index
          %swap3A_470 = tpu.vector_load %arg26[%swap3A_469] {strides = array<i32>} : memref<8192xf32, #tpu.memory_space<vmem>>, vector<16xf32>,
          tpu.vector_store %arg26[%swap3A_469], %mul3A_468 {add = true, strides = array<i32>} : memref<8192xf32, #tpu.memory_space<vmem>>, vector<16xf32>,
          %add3A_471 = arith.constant 48 : i32
          %add3A_472 = arith.addi %add3A_455, %add3A_471 : i32
          %mul3A_473 = arith.mulf %broadcast_in_dim3A_453, %get3A_336 : vector<16xf32>
          %swap3A_474 = arith.index_cast %add3A_472 : i32 to index
          %swap3A_475 = tpu.vector_load %arg26[%swap3A_474] {strides = array<i32>} : memref<8192xf32, #tpu.memory_space<vmem>>, vector<16xf32>,
          tpu.vector_store %arg26[%swap3A_474], %mul3A_473 {add = true, strides = array<i32>} : memref<8192xf32, #tpu.memory_space<vmem>>, vector<16xf32>,
          %add3A_476 = arith.constant 64 : i32
          %add3A_477 = arith.addi %add3A_455, %add3A_476 : i32
          %mul3A_478 = arith.mulf %broadcast_in_dim3A_453, %get3A_339 : vector<16xf32>
          %swap3A_479 = arith.index_cast %add3A_477 : i32 to index
          %swap3A_480 = tpu.vector_load %arg26[%swap3A_479] {strides = array<i32>} : memref<8192xf32, #tpu.memory_space<vmem>>, vector<16xf32>,
          tpu.vector_store %arg26[%swap3A_479], %mul3A_478 {add = true, strides = array<i32>} : memref<8192xf32, #tpu.memory_space<vmem>>, vector<16xf32>,
          %add3A_481 = arith.constant 80 : i32
          %add3A_482 = arith.addi %add3A_455, %add3A_481 : i32
          %mul3A_483 = arith.mulf %broadcast_in_dim3A_453, %get3A_342 : vector<16xf32>
          %swap3A_484 = arith.index_cast %add3A_482 : i32 to index
          %swap3A_485 = tpu.vector_load %arg26[%swap3A_484] {strides = array<i32>} : memref<8192xf32, #tpu.memory_space<vmem>>, vector<16xf32>,
          tpu.vector_store %arg26[%swap3A_484], %mul3A_483 {add = true, strides = array<i32>} : memref<8192xf32, #tpu.memory_space<vmem>>, vector<16xf32>,
          %add3A_486 = arith.constant 96 : i32
          %add3A_487 = arith.addi %add3A_455, %add3A_486 : i32
          %mul3A_488 = arith.mulf %broadcast_in_dim3A_453, %get3A_345 : vector<16xf32>
          %swap3A_489 = arith.index_cast %add3A_487 : i32 to index
          %swap3A_490 = tpu.vector_load %arg26[%swap3A_489] {strides = array<i32>} : memref<8192xf32, #tpu.memory_space<vmem>>, vector<16xf32>,
          tpu.vector_store %arg26[%swap3A_489], %mul3A_488 {add = true, strides = array<i32>} : memref<8192xf32, #tpu.memory_space<vmem>>, vector<16xf32>,
          %add3A_491 = arith.constant 112 : i32
          %add3A_492 = arith.addi %add3A_455, %add3A_491 : i32
          %mul3A_493 = arith.mulf %broadcast_in_dim3A_453, %get3A_348 : vector<16xf32>
          %swap3A_494 = arith.index_cast %add3A_492 : i32 to index
          %swap3A_495 = tpu.vector_load %arg26[%swap3A_494] {strides = array<i32>} : memref<8192xf32, #tpu.memory_space<vmem>>, vector<16xf32>,
          tpu.vector_store %arg26[%swap3A_494], %mul3A_493 {add = true, strides = array<i32>} : memref<8192xf32, #tpu.memory_space<vmem>>, vector<16xf32>,
          %get3A_496 = arith.constant 3 : i32
          %get3A_497 = arith.index_cast %get3A_496 : i32 to index
          %get3A_498 = arith.index_cast %scan3A_320 : i32 to index
          %get3A_499 = tpu.vector_load %arg28[%get3A_497, %get3A_498] {strides = array<i32>} : memref<8x32xf32, #tpu.memory_space<vmem>>, vector<16xf32>,
          %slice3A_500 = vector.extract_strided_slice %get3A_499 {offsets = [0], sizes = [1], strides = [1]} : vector<16xf32> to vector<1xf32>
          %squeeze3A_501 = vector.extract %slice3A_500[0] : f32 from vector<1xf32>
          %broadcast_in_dim3A_502 = vector.broadcast %squeeze3A_501 : f32 to vector<16xf32>
          %add3A_503 = arith.constant 640 : i32
          %add3A_504 = arith.addi %squeeze3A_324, %add3A_503 : i32
          %add3A_505 = arith.constant 0 : i32
          %add3A_506 = arith.addi %add3A_504, %add3A_505 : i32
          %mul3A_507 = arith.mulf %broadcast_in_dim3A_502, %get3A_327 : vector<16xf32>
          %swap3A_508 = arith.index_cast %add3A_506 : i32 to index
          %swap3A_509 = tpu.vector_load %arg26[%swap3A_508] {strides = array<i32>} : memref<8192xf32, #tpu.memory_space<vmem>>, vector<16xf32>,
          tpu.vector_store %arg26[%swap3A_508], %mul3A_507 {add = true, strides = array<i32>} : memref<8192xf32, #tpu.memory_space<vmem>>, vector<16xf32>,
          %add3A_510 = arith.constant 16 : i32
          %add3A_511 = arith.addi %add3A_504, %add3A_510 : i32
          %mul3A_512 = arith.mulf %broadcast_in_dim3A_502, %get3A_330 : vector<16xf32>
          %swap3A_513 = arith.index_cast %add3A_511 : i32 to index
          %swap3A_514 = tpu.vector_load %arg26[%swap3A_513] {strides = array<i32>} : memref<8192xf32, #tpu.memory_space<vmem>>, vector<16xf32>,
          tpu.vector_store %arg26[%swap3A_513], %mul3A_512 {add = true, strides = array<i32>} : memref<8192xf32, #tpu.memory_space<vmem>>, vector<16xf32>,
          %add3A_515 = arith.constant 32 : i32
          %add3A_516 = arith.addi %add3A_504, %add3A_515 : i32
          %mul3A_517 = arith.mulf %broadcast_in_dim3A_502, %get3A_333 : vector<16xf32>
          %swap3A_518 = arith.index_cast %add3A_516 : i32 to index
          %swap3A_519 = tpu.vector_load %arg26[%swap3A_518] {strides = array<i32>} : memref<8192xf32, #tpu.memory_space<vmem>>, vector<16xf32>,
          tpu.vector_store %arg26[%swap3A_518], %mul3A_517 {add = true, strides = array<i32>} : memref<8192xf32, #tpu.memory_space<vmem>>, vector<16xf32>,
          %add3A_520 = arith.constant 48 : i32
          %add3A_521 = arith.addi %add3A_504, %add3A_520 : i32
          %mul3A_522 = arith.mulf %broadcast_in_dim3A_502, %get3A_336 : vector<16xf32>
          %swap3A_523 = arith.index_cast %add3A_521 : i32 to index
          %swap3A_524 = tpu.vector_load %arg26[%swap3A_523] {strides = array<i32>} : memref<8192xf32, #tpu.memory_space<vmem>>, vector<16xf32>,
          tpu.vector_store %arg26[%swap3A_523], %mul3A_522 {add = true, strides = array<i32>} : memref<8192xf32, #tpu.memory_space<vmem>>, vector<16xf32>,
          %add3A_525 = arith.constant 64 : i32
          %add3A_526 = arith.addi %add3A_504, %add3A_525 : i32
          %mul3A_527 = arith.mulf %broadcast_in_dim3A_502, %get3A_339 : vector<16xf32>
          %swap3A_528 = arith.index_cast %add3A_526 : i32 to index
          %swap3A_529 = tpu.vector_load %arg26[%swap3A_528] {strides = array<i32>} : memref<8192xf32, #tpu.memory_space<vmem>>, vector<16xf32>,
          tpu.vector_store %arg26[%swap3A_528], %mul3A_527 {add = true, strides = array<i32>} : memref<8192xf32, #tpu.memory_space<vmem>>, vector<16xf32>,
          %add3A_530 = arith.constant 80 : i32
          %add3A_531 = arith.addi %add3A_504, %add3A_530 : i32
          %mul3A_532 = arith.mulf %broadcast_in_dim3A_502, %get3A_342 : vector<16xf32>
          %swap3A_533 = arith.index_cast %add3A_531 : i32 to index
          %swap3A_534 = tpu.vector_load %arg26[%swap3A_533] {strides = array<i32>} : memref<8192xf32, #tpu.memory_space<vmem>>, vector<16xf32>,
          tpu.vector_store %arg26[%swap3A_533], %mul3A_532 {add = true, strides = array<i32>} : memref<8192xf32, #tpu.memory_space<vmem>>, vector<16xf32>,
          %add3A_535 = arith.constant 96 : i32
          %add3A_536 = arith.addi %add3A_504, %add3A_535 : i32
          %mul3A_537 = arith.mulf %broadcast_in_dim3A_502, %get3A_345 : vector<16xf32>
          %swap3A_538 = arith.index_cast %add3A_536 : i32 to index
          %swap3A_539 = tpu.vector_load %arg26[%swap3A_538] {strides = array<i32>} : memref<8192xf32, #tpu.memory_space<vmem>>, vector<16xf32>,
          tpu.vector_store %arg26[%swap3A_538], %mul3A_537 {add = true, strides = array<i32>} : memref<8192xf32, #tpu.memory_space<vmem>>, vector<16xf32>,
          %add3A_540 = arith.constant 112 : i32
          %add3A_541 = arith.addi %add3A_504, %add3A_540 : i32
          %mul3A_542 = arith.mulf %broadcast_in_dim3A_502, %get3A_348 : vector<16xf32>
          %swap3A_543 = arith.index_cast %add3A_541 : i32 to index
          %swap3A_544 = tpu.vector_load %arg26[%swap3A_543] {strides = array<i32>} : memref<8192xf32, #tpu.memory_space<vmem>>, vector<16xf32>,
          tpu.vector_store %arg26[%swap3A_543], %mul3A_542 {add = true, strides = array<i32>} : memref<8192xf32, #tpu.memory_space<vmem>>, vector<16xf32>,
          %get3A_545 = arith.constant 4 : i32
          %get3A_546 = arith.index_cast %get3A_545 : i32 to index
          %get3A_547 = arith.index_cast %scan3A_320 : i32 to index
          %get3A_548 = tpu.vector_load %arg28[%get3A_546, %get3A_547] {strides = array<i32>} : memref<8x32xf32, #tpu.memory_space<vmem>>, vector<16xf32>,
          %slice3A_549 = vector.extract_strided_slice %get3A_548 {offsets = [0], sizes = [1], strides = [1]} : vector<16xf32> to vector<1xf32>
          %squeeze3A_550 = vector.extract %slice3A_549[0] : f32 from vector<1xf32>
          %broadcast_in_dim3A_551 = vector.broadcast %squeeze3A_550 : f32 to vector<16xf32>
          %add3A_552 = arith.constant 2048 : i32
          %add3A_553 = arith.addi %squeeze3A_324, %add3A_552 : i32
          %add3A_554 = arith.constant 0 : i32
          %add3A_555 = arith.addi %add3A_553, %add3A_554 : i32
          %mul3A_556 = arith.mulf %broadcast_in_dim3A_551, %get3A_327 : vector<16xf32>
          %swap3A_557 = arith.index_cast %add3A_555 : i32 to index
          %swap3A_558 = tpu.vector_load %arg26[%swap3A_557] {strides = array<i32>} : memref<8192xf32, #tpu.memory_space<vmem>>, vector<16xf32>,
          tpu.vector_store %arg26[%swap3A_557], %mul3A_556 {add = true, strides = array<i32>} : memref<8192xf32, #tpu.memory_space<vmem>>, vector<16xf32>,
          %add3A_559 = arith.constant 16 : i32
          %add3A_560 = arith.addi %add3A_553, %add3A_559 : i32
          %mul3A_561 = arith.mulf %broadcast_in_dim3A_551, %get3A_330 : vector<16xf32>
          %swap3A_562 = arith.index_cast %add3A_560 : i32 to index
          %swap3A_563 = tpu.vector_load %arg26[%swap3A_562] {strides = array<i32>} : memref<8192xf32, #tpu.memory_space<vmem>>, vector<16xf32>,
          tpu.vector_store %arg26[%swap3A_562], %mul3A_561 {add = true, strides = array<i32>} : memref<8192xf32, #tpu.memory_space<vmem>>, vector<16xf32>,
          %add3A_564 = arith.constant 32 : i32
          %add3A_565 = arith.addi %add3A_553, %add3A_564 : i32
          %mul3A_566 = arith.mulf %broadcast_in_dim3A_551, %get3A_333 : vector<16xf32>
          %swap3A_567 = arith.index_cast %add3A_565 : i32 to index
          %swap3A_568 = tpu.vector_load %arg26[%swap3A_567] {strides = array<i32>} : memref<8192xf32, #tpu.memory_space<vmem>>, vector<16xf32>,
          tpu.vector_store %arg26[%swap3A_567], %mul3A_566 {add = true, strides = array<i32>} : memref<8192xf32, #tpu.memory_space<vmem>>, vector<16xf32>,
          %add3A_569 = arith.constant 48 : i32
          %add3A_570 = arith.addi %add3A_553, %add3A_569 : i32
          %mul3A_571 = arith.mulf %broadcast_in_dim3A_551, %get3A_336 : vector<16xf32>
          %swap3A_572 = arith.index_cast %add3A_570 : i32 to index
          %swap3A_573 = tpu.vector_load %arg26[%swap3A_572] {strides = array<i32>} : memref<8192xf32, #tpu.memory_space<vmem>>, vector<16xf32>,
          tpu.vector_store %arg26[%swap3A_572], %mul3A_571 {add = true, strides = array<i32>} : memref<8192xf32, #tpu.memory_space<vmem>>, vector<16xf32>,
          %add3A_574 = arith.constant 64 : i32
          %add3A_575 = arith.addi %add3A_553, %add3A_574 : i32
          %mul3A_576 = arith.mulf %broadcast_in_dim3A_551, %get3A_339 : vector<16xf32>
          %swap3A_577 = arith.index_cast %add3A_575 : i32 to index
          %swap3A_578 = tpu.vector_load %arg26[%swap3A_577] {strides = array<i32>} : memref<8192xf32, #tpu.memory_space<vmem>>, vector<16xf32>,
          tpu.vector_store %arg26[%swap3A_577], %mul3A_576 {add = true, strides = array<i32>} : memref<8192xf32, #tpu.memory_space<vmem>>, vector<16xf32>,
          %add3A_579 = arith.constant 80 : i32
          %add3A_580 = arith.addi %add3A_553, %add3A_579 : i32
          %mul3A_581 = arith.mulf %broadcast_in_dim3A_551, %get3A_342 : vector<16xf32>
          %swap3A_582 = arith.index_cast %add3A_580 : i32 to index
          %swap3A_583 = tpu.vector_load %arg26[%swap3A_582] {strides = array<i32>} : memref<8192xf32, #tpu.memory_space<vmem>>, vector<16xf32>,
          tpu.vector_store %arg26[%swap3A_582], %mul3A_581 {add = true, strides = array<i32>} : memref<8192xf32, #tpu.memory_space<vmem>>, vector<16xf32>,
          %add3A_584 = arith.constant 96 : i32
          %add3A_585 = arith.addi %add3A_553, %add3A_584 : i32
          %mul3A_586 = arith.mulf %broadcast_in_dim3A_551, %get3A_345 : vector<16xf32>
          %swap3A_587 = arith.index_cast %add3A_585 : i32 to index
          %swap3A_588 = tpu.vector_load %arg26[%swap3A_587] {strides = array<i32>} : memref<8192xf32, #tpu.memory_space<vmem>>, vector<16xf32>,
          tpu.vector_store %arg26[%swap3A_587], %mul3A_586 {add = true, strides = array<i32>} : memref<8192xf32, #tpu.memory_space<vmem>>, vector<16xf32>,
          %add3A_589 = arith.constant 112 : i32
          %add3A_590 = arith.addi %add3A_553, %add3A_589 : i32
          %mul3A_591 = arith.mulf %broadcast_in_dim3A_551, %get3A_348 : vector<16xf32>
          %swap3A_592 = arith.index_cast %add3A_590 : i32 to index
          %swap3A_593 = tpu.vector_load %arg26[%swap3A_592] {strides = array<i32>} : memref<8192xf32, #tpu.memory_space<vmem>>, vector<16xf32>,
          tpu.vector_store %arg26[%swap3A_592], %mul3A_591 {add = true, strides = array<i32>} : memref<8192xf32, #tpu.memory_space<vmem>>, vector<16xf32>,
          %get3A_594 = arith.constant 5 : i32
          %get3A_595 = arith.index_cast %get3A_594 : i32 to index
          %get3A_596 = arith.index_cast %scan3A_320 : i32 to index
          %get3A_597 = tpu.vector_load %arg28[%get3A_595, %get3A_596] {strides = array<i32>} : memref<8x32xf32, #tpu.memory_space<vmem>>, vector<16xf32>,
          %slice3A_598 = vector.extract_strided_slice %get3A_597 {offsets = [0], sizes = [1], strides = [1]} : vector<16xf32> to vector<1xf32>
          %squeeze3A_599 = vector.extract %slice3A_598[0] : f32 from vector<1xf32>
          %broadcast_in_dim3A_600 = vector.broadcast %squeeze3A_599 : f32 to vector<16xf32>
          %add3A_601 = arith.constant 2176 : i32
          %add3A_602 = arith.addi %squeeze3A_324, %add3A_601 : i32
          %add3A_603 = arith.constant 0 : i32
          %add3A_604 = arith.addi %add3A_602, %add3A_603 : i32
          %mul3A_605 = arith.mulf %broadcast_in_dim3A_600, %get3A_327 : vector<16xf32>
          %swap3A_606 = arith.index_cast %add3A_604 : i32 to index
          %swap3A_607 = tpu.vector_load %arg26[%swap3A_606] {strides = array<i32>} : memref<8192xf32, #tpu.memory_space<vmem>>, vector<16xf32>,
          tpu.vector_store %arg26[%swap3A_606], %mul3A_605 {add = true, strides = array<i32>} : memref<8192xf32, #tpu.memory_space<vmem>>, vector<16xf32>,
          %add3A_608 = arith.constant 16 : i32
          %add3A_609 = arith.addi %add3A_602, %add3A_608 : i32
          %mul3A_610 = arith.mulf %broadcast_in_dim3A_600, %get3A_330 : vector<16xf32>
          %swap3A_611 = arith.index_cast %add3A_609 : i32 to index
          %swap3A_612 = tpu.vector_load %arg26[%swap3A_611] {strides = array<i32>} : memref<8192xf32, #tpu.memory_space<vmem>>, vector<16xf32>,
          tpu.vector_store %arg26[%swap3A_611], %mul3A_610 {add = true, strides = array<i32>} : memref<8192xf32, #tpu.memory_space<vmem>>, vector<16xf32>,
          %add3A_613 = arith.constant 32 : i32
          %add3A_614 = arith.addi %add3A_602, %add3A_613 : i32
          %mul3A_615 = arith.mulf %broadcast_in_dim3A_600, %get3A_333 : vector<16xf32>
          %swap3A_616 = arith.index_cast %add3A_614 : i32 to index
          %swap3A_617 = tpu.vector_load %arg26[%swap3A_616] {strides = array<i32>} : memref<8192xf32, #tpu.memory_space<vmem>>, vector<16xf32>,
          tpu.vector_store %arg26[%swap3A_616], %mul3A_615 {add = true, strides = array<i32>} : memref<8192xf32, #tpu.memory_space<vmem>>, vector<16xf32>,
          %add3A_618 = arith.constant 48 : i32
          %add3A_619 = arith.addi %add3A_602, %add3A_618 : i32
          %mul3A_620 = arith.mulf %broadcast_in_dim3A_600, %get3A_336 : vector<16xf32>
          %swap3A_621 = arith.index_cast %add3A_619 : i32 to index
          %swap3A_622 = tpu.vector_load %arg26[%swap3A_621] {strides = array<i32>} : memref<8192xf32, #tpu.memory_space<vmem>>, vector<16xf32>,
          tpu.vector_store %arg26[%swap3A_621], %mul3A_620 {add = true, strides = array<i32>} : memref<8192xf32, #tpu.memory_space<vmem>>, vector<16xf32>,
          %add3A_623 = arith.constant 64 : i32
          %add3A_624 = arith.addi %add3A_602, %add3A_623 : i32
          %mul3A_625 = arith.mulf %broadcast_in_dim3A_600, %get3A_339 : vector<16xf32>
          %swap3A_626 = arith.index_cast %add3A_624 : i32 to index
          %swap3A_627 = tpu.vector_load %arg26[%swap3A_626] {strides = array<i32>} : memref<8192xf32, #tpu.memory_space<vmem>>, vector<16xf32>,
          tpu.vector_store %arg26[%swap3A_626], %mul3A_625 {add = true, strides = array<i32>} : memref<8192xf32, #tpu.memory_space<vmem>>, vector<16xf32>,
          %add3A_628 = arith.constant 80 : i32
          %add3A_629 = arith.addi %add3A_602, %add3A_628 : i32
          %mul3A_630 = arith.mulf %broadcast_in_dim3A_600, %get3A_342 : vector<16xf32>
          %swap3A_631 = arith.index_cast %add3A_629 : i32 to index
          %swap3A_632 = tpu.vector_load %arg26[%swap3A_631] {strides = array<i32>} : memref<8192xf32, #tpu.memory_space<vmem>>, vector<16xf32>,
          tpu.vector_store %arg26[%swap3A_631], %mul3A_630 {add = true, strides = array<i32>} : memref<8192xf32, #tpu.memory_space<vmem>>, vector<16xf32>,
          %add3A_633 = arith.constant 96 : i32
          %add3A_634 = arith.addi %add3A_602, %add3A_633 : i32
          %mul3A_635 = arith.mulf %broadcast_in_dim3A_600, %get3A_345 : vector<16xf32>
          %swap3A_636 = arith.index_cast %add3A_634 : i32 to index
          %swap3A_637 = tpu.vector_load %arg26[%swap3A_636] {strides = array<i32>} : memref<8192xf32, #tpu.memory_space<vmem>>, vector<16xf32>,
          tpu.vector_store %arg26[%swap3A_636], %mul3A_635 {add = true, strides = array<i32>} : memref<8192xf32, #tpu.memory_space<vmem>>, vector<16xf32>,
          %add3A_638 = arith.constant 112 : i32
          %add3A_639 = arith.addi %add3A_602, %add3A_638 : i32
          %mul3A_640 = arith.mulf %broadcast_in_dim3A_600, %get3A_348 : vector<16xf32>
          %swap3A_641 = arith.index_cast %add3A_639 : i32 to index
          %swap3A_642 = tpu.vector_load %arg26[%swap3A_641] {strides = array<i32>} : memref<8192xf32, #tpu.memory_space<vmem>>, vector<16xf32>,
          tpu.vector_store %arg26[%swap3A_641], %mul3A_640 {add = true, strides = array<i32>} : memref<8192xf32, #tpu.memory_space<vmem>>, vector<16xf32>,
          %get3A_643 = arith.constant 6 : i32
          %get3A_644 = arith.index_cast %get3A_643 : i32 to index
          %get3A_645 = arith.index_cast %scan3A_320 : i32 to index
          %get3A_646 = tpu.vector_load %arg28[%get3A_644, %get3A_645] {strides = array<i32>} : memref<8x32xf32, #tpu.memory_space<vmem>>, vector<16xf32>,
          %slice3A_647 = vector.extract_strided_slice %get3A_646 {offsets = [0], sizes = [1], strides = [1]} : vector<16xf32> to vector<1xf32>
          %squeeze3A_648 = vector.extract %slice3A_647[0] : f32 from vector<1xf32>
          %broadcast_in_dim3A_649 = vector.broadcast %squeeze3A_648 : f32 to vector<16xf32>
          %add3A_650 = arith.constant 2560 : i32
          %add3A_651 = arith.addi %squeeze3A_324, %add3A_650 : i32
          %add3A_652 = arith.constant 0 : i32
          %add3A_653 = arith.addi %add3A_651, %add3A_652 : i32
          %mul3A_654 = arith.mulf %broadcast_in_dim3A_649, %get3A_327 : vector<16xf32>
          %swap3A_655 = arith.index_cast %add3A_653 : i32 to index
          %swap3A_656 = tpu.vector_load %arg26[%swap3A_655] {strides = array<i32>} : memref<8192xf32, #tpu.memory_space<vmem>>, vector<16xf32>,
          tpu.vector_store %arg26[%swap3A_655], %mul3A_654 {add = true, strides = array<i32>} : memref<8192xf32, #tpu.memory_space<vmem>>, vector<16xf32>,
          %add3A_657 = arith.constant 16 : i32
          %add3A_658 = arith.addi %add3A_651, %add3A_657 : i32
          %mul3A_659 = arith.mulf %broadcast_in_dim3A_649, %get3A_330 : vector<16xf32>
          %swap3A_660 = arith.index_cast %add3A_658 : i32 to index
          %swap3A_661 = tpu.vector_load %arg26[%swap3A_660] {strides = array<i32>} : memref<8192xf32, #tpu.memory_space<vmem>>, vector<16xf32>,
          tpu.vector_store %arg26[%swap3A_660], %mul3A_659 {add = true, strides = array<i32>} : memref<8192xf32, #tpu.memory_space<vmem>>, vector<16xf32>,
          %add3A_662 = arith.constant 32 : i32
          %add3A_663 = arith.addi %add3A_651, %add3A_662 : i32
          %mul3A_664 = arith.mulf %broadcast_in_dim3A_649, %get3A_333 : vector<16xf32>
          %swap3A_665 = arith.index_cast %add3A_663 : i32 to index
          %swap3A_666 = tpu.vector_load %arg26[%swap3A_665] {strides = array<i32>} : memref<8192xf32, #tpu.memory_space<vmem>>, vector<16xf32>,
          tpu.vector_store %arg26[%swap3A_665], %mul3A_664 {add = true, strides = array<i32>} : memref<8192xf32, #tpu.memory_space<vmem>>, vector<16xf32>,
          %add3A_667 = arith.constant 48 : i32
          %add3A_668 = arith.addi %add3A_651, %add3A_667 : i32
          %mul3A_669 = arith.mulf %broadcast_in_dim3A_649, %get3A_336 : vector<16xf32>
          %swap3A_670 = arith.index_cast %add3A_668 : i32 to index
          %swap3A_671 = tpu.vector_load %arg26[%swap3A_670] {strides = array<i32>} : memref<8192xf32, #tpu.memory_space<vmem>>, vector<16xf32>,
          tpu.vector_store %arg26[%swap3A_670], %mul3A_669 {add = true, strides = array<i32>} : memref<8192xf32, #tpu.memory_space<vmem>>, vector<16xf32>,
          %add3A_672 = arith.constant 64 : i32
          %add3A_673 = arith.addi %add3A_651, %add3A_672 : i32
          %mul3A_674 = arith.mulf %broadcast_in_dim3A_649, %get3A_339 : vector<16xf32>
          %swap3A_675 = arith.index_cast %add3A_673 : i32 to index
          %swap3A_676 = tpu.vector_load %arg26[%swap3A_675] {strides = array<i32>} : memref<8192xf32, #tpu.memory_space<vmem>>, vector<16xf32>,
          tpu.vector_store %arg26[%swap3A_675], %mul3A_674 {add = true, strides = array<i32>} : memref<8192xf32, #tpu.memory_space<vmem>>, vector<16xf32>,
          %add3A_677 = arith.constant 80 : i32
          %add3A_678 = arith.addi %add3A_651, %add3A_677 : i32
          %mul3A_679 = arith.mulf %broadcast_in_dim3A_649, %get3A_342 : vector<16xf32>
          %swap3A_680 = arith.index_cast %add3A_678 : i32 to index
          %swap3A_681 = tpu.vector_load %arg26[%swap3A_680] {strides = array<i32>} : memref<8192xf32, #tpu.memory_space<vmem>>, vector<16xf32>,
          tpu.vector_store %arg26[%swap3A_680], %mul3A_679 {add = true, strides = array<i32>} : memref<8192xf32, #tpu.memory_space<vmem>>, vector<16xf32>,
          %add3A_682 = arith.constant 96 : i32
          %add3A_683 = arith.addi %add3A_651, %add3A_682 : i32
          %mul3A_684 = arith.mulf %broadcast_in_dim3A_649, %get3A_345 : vector<16xf32>
          %swap3A_685 = arith.index_cast %add3A_683 : i32 to index
          %swap3A_686 = tpu.vector_load %arg26[%swap3A_685] {strides = array<i32>} : memref<8192xf32, #tpu.memory_space<vmem>>, vector<16xf32>,
          tpu.vector_store %arg26[%swap3A_685], %mul3A_684 {add = true, strides = array<i32>} : memref<8192xf32, #tpu.memory_space<vmem>>, vector<16xf32>,
          %add3A_687 = arith.constant 112 : i32
          %add3A_688 = arith.addi %add3A_651, %add3A_687 : i32
          %mul3A_689 = arith.mulf %broadcast_in_dim3A_649, %get3A_348 : vector<16xf32>
          %swap3A_690 = arith.index_cast %add3A_688 : i32 to index
          %swap3A_691 = tpu.vector_load %arg26[%swap3A_690] {strides = array<i32>} : memref<8192xf32, #tpu.memory_space<vmem>>, vector<16xf32>,
          tpu.vector_store %arg26[%swap3A_690], %mul3A_689 {add = true, strides = array<i32>} : memref<8192xf32, #tpu.memory_space<vmem>>, vector<16xf32>,
          %get3A_692 = arith.constant 7 : i32
          %get3A_693 = arith.index_cast %get3A_692 : i32 to index
          %get3A_694 = arith.index_cast %scan3A_320 : i32 to index
          %get3A_695 = tpu.vector_load %arg28[%get3A_693, %get3A_694] {strides = array<i32>} : memref<8x32xf32, #tpu.memory_space<vmem>>, vector<16xf32>,
          %slice3A_696 = vector.extract_strided_slice %get3A_695 {offsets = [0], sizes = [1], strides = [1]} : vector<16xf32> to vector<1xf32>
          %squeeze3A_697 = vector.extract %slice3A_696[0] : f32 from vector<1xf32>
          %broadcast_in_dim3A_698 = vector.broadcast %squeeze3A_697 : f32 to vector<16xf32>
          %add3A_699 = arith.constant 2688 : i32
          %add3A_700 = arith.addi %squeeze3A_324, %add3A_699 : i32
          %add3A_701 = arith.constant 0 : i32
          %add3A_702 = arith.addi %add3A_700, %add3A_701 : i32
          %mul3A_703 = arith.mulf %broadcast_in_dim3A_698, %get3A_327 : vector<16xf32>
          %swap3A_704 = arith.index_cast %add3A_702 : i32 to index
          %swap3A_705 = tpu.vector_load %arg26[%swap3A_704] {strides = array<i32>} : memref<8192xf32, #tpu.memory_space<vmem>>, vector<16xf32>,
          tpu.vector_store %arg26[%swap3A_704], %mul3A_703 {add = true, strides = array<i32>} : memref<8192xf32, #tpu.memory_space<vmem>>, vector<16xf32>,
          %add3A_706 = arith.constant 16 : i32
          %add3A_707 = arith.addi %add3A_700, %add3A_706 : i32
          %mul3A_708 = arith.mulf %broadcast_in_dim3A_698, %get3A_330 : vector<16xf32>
          %swap3A_709 = arith.index_cast %add3A_707 : i32 to index
          %swap3A_710 = tpu.vector_load %arg26[%swap3A_709] {strides = array<i32>} : memref<8192xf32, #tpu.memory_space<vmem>>, vector<16xf32>,
          tpu.vector_store %arg26[%swap3A_709], %mul3A_708 {add = true, strides = array<i32>} : memref<8192xf32, #tpu.memory_space<vmem>>, vector<16xf32>,
          %add3A_711 = arith.constant 32 : i32
          %add3A_712 = arith.addi %add3A_700, %add3A_711 : i32
          %mul3A_713 = arith.mulf %broadcast_in_dim3A_698, %get3A_333 : vector<16xf32>
          %swap3A_714 = arith.index_cast %add3A_712 : i32 to index
          %swap3A_715 = tpu.vector_load %arg26[%swap3A_714] {strides = array<i32>} : memref<8192xf32, #tpu.memory_space<vmem>>, vector<16xf32>,
          tpu.vector_store %arg26[%swap3A_714], %mul3A_713 {add = true, strides = array<i32>} : memref<8192xf32, #tpu.memory_space<vmem>>, vector<16xf32>,
          %add3A_716 = arith.constant 48 : i32
          %add3A_717 = arith.addi %add3A_700, %add3A_716 : i32
          %mul3A_718 = arith.mulf %broadcast_in_dim3A_698, %get3A_336 : vector<16xf32>
          %swap3A_719 = arith.index_cast %add3A_717 : i32 to index
          %swap3A_720 = tpu.vector_load %arg26[%swap3A_719] {strides = array<i32>} : memref<8192xf32, #tpu.memory_space<vmem>>, vector<16xf32>,
          tpu.vector_store %arg26[%swap3A_719], %mul3A_718 {add = true, strides = array<i32>} : memref<8192xf32, #tpu.memory_space<vmem>>, vector<16xf32>,
          %add3A_721 = arith.constant 64 : i32
          %add3A_722 = arith.addi %add3A_700, %add3A_721 : i32
          %mul3A_723 = arith.mulf %broadcast_in_dim3A_698, %get3A_339 : vector<16xf32>
          %swap3A_724 = arith.index_cast %add3A_722 : i32 to index
          %swap3A_725 = tpu.vector_load %arg26[%swap3A_724] {strides = array<i32>} : memref<8192xf32, #tpu.memory_space<vmem>>, vector<16xf32>,
          tpu.vector_store %arg26[%swap3A_724], %mul3A_723 {add = true, strides = array<i32>} : memref<8192xf32, #tpu.memory_space<vmem>>, vector<16xf32>,
          %add3A_726 = arith.constant 80 : i32
          %add3A_727 = arith.addi %add3A_700, %add3A_726 : i32
          %mul3A_728 = arith.mulf %broadcast_in_dim3A_698, %get3A_342 : vector<16xf32>
          %swap3A_729 = arith.index_cast %add3A_727 : i32 to index
          %swap3A_730 = tpu.vector_load %arg26[%swap3A_729] {strides = array<i32>} : memref<8192xf32, #tpu.memory_space<vmem>>, vector<16xf32>,
          tpu.vector_store %arg26[%swap3A_729], %mul3A_728 {add = true, strides = array<i32>} : memref<8192xf32, #tpu.memory_space<vmem>>, vector<16xf32>,
          %add3A_731 = arith.constant 96 : i32
          %add3A_732 = arith.addi %add3A_700, %add3A_731 : i32
          %mul3A_733 = arith.mulf %broadcast_in_dim3A_698, %get3A_345 : vector<16xf32>
          %swap3A_734 = arith.index_cast %add3A_732 : i32 to index
          %swap3A_735 = tpu.vector_load %arg26[%swap3A_734] {strides = array<i32>} : memref<8192xf32, #tpu.memory_space<vmem>>, vector<16xf32>,
          tpu.vector_store %arg26[%swap3A_734], %mul3A_733 {add = true, strides = array<i32>} : memref<8192xf32, #tpu.memory_space<vmem>>, vector<16xf32>,
          %add3A_736 = arith.constant 112 : i32
          %add3A_737 = arith.addi %add3A_700, %add3A_736 : i32
          %mul3A_738 = arith.mulf %broadcast_in_dim3A_698, %get3A_348 : vector<16xf32>
          %swap3A_739 = arith.index_cast %add3A_737 : i32 to index
          %swap3A_740 = tpu.vector_load %arg26[%swap3A_739] {strides = array<i32>} : memref<8192xf32, #tpu.memory_space<vmem>>, vector<16xf32>,
          tpu.vector_store %arg26[%swap3A_739], %mul3A_738 {add = true, strides = array<i32>} : memref<8192xf32, #tpu.memory_space<vmem>>, vector<16xf32>,
        }
        %scan3A_319 = arith.constant 16 : i32
        scf.yield %cond3A_62, %add3A_89 : i32, vector<16xf32>
      }
      %while3A_39 = arith.constant 1 : i32
      %while3A_40:2 = scf.for %while3A_49 = %while3A_36 to %while3A_32 step %while3A_39 iter_args(%while3A_50 = %while3A_38#0, %while3A_51 = %while3A_38#1) -> (i32, vector<16xf32>)  : i32 {
        %mul3A_52 = arith.constant 16 : i32
        %mul3A_53 = arith.muli %while3A_49, %mul3A_52 : i32
        %add3A_54 = arith.addi %and3A_27, %mul3A_53 : i32
        %multiple_of3A_55 = tpu.assume_multiple %add3A_54, 16 : i32
        %add3A_56 = arith.constant 16 : i32
        %add3A_57 = arith.addi %multiple_of3A_55, %add3A_56 : i32
        %add3A_58 = arith.constant 4096 : i32
        %add3A_59 = arith.addi %while3A_50, %add3A_58 : i32
        %gt3A = arith.cmpi sgt, %add3A_57, %add3A_59 : i32
        %convert_element_type3A = arith.extui %gt3A : i1 to i32
        %cond3A = arith.constant 0 : i32
        %cond3A_60 = arith.constant 0 : i32
        %cond3A_61 = arith.cmpi ne, %convert_element_type3A, %cond3A_60 : i32
        %cond3A_62 = scf.if %cond3A_61 -> (i32) {
          "tpu.region"() ({
            %run_scoped3A = tpu.sem_alloc : memref<!tpu.dma_semaphore, #tpu.memory_space<semaphore_mem>>
            %dma_start3A_320 = tpu.memref_slice %arg9[%multiple_of3A_55] : memref<324096xi32, #tpu.memory_space<hbm>> -> memref<4096xi32, #tpu.memory_space<hbm>>
            %dma_start3A_321 = tpu.memref_slice %arg9[%multiple_of3A_55] : memref<324096xi32, #tpu.memory_space<hbm>> -> memref<4096xi32, #tpu.memory_space<hbm>>
            tpu.enqueue_dma source(%dma_start3A_321 : memref<4096xi32, #tpu.memory_space<hbm>>) target(%arg23 : memref<4096xi32, #tpu.memory_space<vmem>>) target_semaphore(%run_scoped3A : memref<!tpu.dma_semaphore, #tpu.memory_space<semaphore_mem>>)
            %dma_wait3A_322 = tpu.memref_slice %arg9[%multiple_of3A_55] : memref<324096xi32, #tpu.memory_space<hbm>> -> memref<4096xi32, #tpu.memory_space<hbm>>
            %dma_wait3A_323 = tpu.memref_slice %arg9[%multiple_of3A_55] : memref<324096xi32, #tpu.memory_space<hbm>> -> memref<4096xi32, #tpu.memory_space<hbm>>
            tpu.wait_dma2 semaphore(%run_scoped3A : memref<!tpu.dma_semaphore, #tpu.memory_space<semaphore_mem>>) src(%dma_wait3A_323 : memref<4096xi32, #tpu.memory_space<hbm>>) dst(%arg23 : memref<4096xi32, #tpu.memory_space<vmem>>)
            tpu.yield
          }) : () -> ()
          "tpu.region"() ({
            %run_scoped3A = tpu.sem_alloc : memref<!tpu.dma_semaphore, #tpu.memory_space<semaphore_mem>>
            %dma_start3A_320 = tpu.memref_slice %arg10[%multiple_of3A_55] : memref<324096xf32, #tpu.memory_space<hbm>> -> memref<4096xf32, #tpu.memory_space<hbm>>
            %dma_start3A_321 = tpu.memref_slice %arg10[%multiple_of3A_55] : memref<324096xf32, #tpu.memory_space<hbm>> -> memref<4096xf32, #tpu.memory_space<hbm>>
            tpu.enqueue_dma source(%dma_start3A_321 : memref<4096xf32, #tpu.memory_space<hbm>>) target(%arg24 : memref<4096xf32, #tpu.memory_space<vmem>>) target_semaphore(%run_scoped3A : memref<!tpu.dma_semaphore, #tpu.memory_space<semaphore_mem>>)
            %dma_wait3A_322 = tpu.memref_slice %arg10[%multiple_of3A_55] : memref<324096xf32, #tpu.memory_space<hbm>> -> memref<4096xf32, #tpu.memory_space<hbm>>
            %dma_wait3A_323 = tpu.memref_slice %arg10[%multiple_of3A_55] : memref<324096xf32, #tpu.memory_space<hbm>> -> memref<4096xf32, #tpu.memory_space<hbm>>
            tpu.wait_dma2 semaphore(%run_scoped3A : memref<!tpu.dma_semaphore, #tpu.memory_space<semaphore_mem>>) src(%dma_wait3A_323 : memref<4096xf32, #tpu.memory_space<hbm>>) dst(%arg24 : memref<4096xf32, #tpu.memory_space<vmem>>)
            tpu.yield
          }) : () -> ()
          "tpu.region"() ({
            %run_scoped3A = tpu.sem_alloc : memref<!tpu.dma_semaphore, #tpu.memory_space<semaphore_mem>>
            %dma_start3A_320 = tpu.memref_slice %arg11[%multiple_of3A_55] : memref<324096xf32, #tpu.memory_space<hbm>> -> memref<4096xf32, #tpu.memory_space<hbm>>
            %dma_start3A_321 = tpu.memref_slice %arg11[%multiple_of3A_55] : memref<324096xf32, #tpu.memory_space<hbm>> -> memref<4096xf32, #tpu.memory_space<hbm>>
            tpu.enqueue_dma source(%dma_start3A_321 : memref<4096xf32, #tpu.memory_space<hbm>>) target(%arg25 : memref<4096xf32, #tpu.memory_space<vmem>>) target_semaphore(%run_scoped3A : memref<!tpu.dma_semaphore, #tpu.memory_space<semaphore_mem>>)
            %dma_wait3A_322 = tpu.memref_slice %arg11[%multiple_of3A_55] : memref<324096xf32, #tpu.memory_space<hbm>> -> memref<4096xf32, #tpu.memory_space<hbm>>
            %dma_wait3A_323 = tpu.memref_slice %arg11[%multiple_of3A_55] : memref<324096xf32, #tpu.memory_space<hbm>> -> memref<4096xf32, #tpu.memory_space<hbm>>
            tpu.wait_dma2 semaphore(%run_scoped3A : memref<!tpu.dma_semaphore, #tpu.memory_space<semaphore_mem>>) src(%dma_wait3A_323 : memref<4096xf32, #tpu.memory_space<hbm>>) dst(%arg25 : memref<4096xf32, #tpu.memory_space<vmem>>)
            tpu.yield
          }) : () -> ()
          scf.yield %multiple_of3A_55 : i32
        } else {
          scf.yield %while3A_50 : i32
        }
        %sub3A_63 = arith.subi %multiple_of3A_55, %cond3A_62 : i32
        %get3A_64 = arith.index_cast %sub3A_63 : i32 to index
        %get3A_65 = tpu.vector_load %arg23[%get3A_64] {strides = array<i32>} : memref<4096xi32, #tpu.memory_space<vmem>>, vector<16xi32>,
        %dma_start3A = arith.constant 0 : i32
        %dma_start3A_66 = arith.constant 0 : i32
        %dma_start3A_67 = tpu.memref_slice %arg12[%dma_start3A, %dma_start3A_66] : memref<10000x128xf32, #tpu.memory_space<hbm>> -> memref<10000x128xf32, #tpu.memory_space<hbm>>
        tpu.enqueue_indirect_dma source(%dma_start3A_67 : memref<10000x128xf32, #tpu.memory_space<hbm>>) target(%arg27 : memref<16x128xf32, #tpu.memory_space<vmem>>) offsets(%get3A_65 : vector<16xi32>) semaphore(%arg32 : memref<!tpu.dma_semaphore, #tpu.memory_space<semaphore_mem>>)
        %get3A_68 = arith.index_cast %sub3A_63 : i32 to index
        %get3A_69 = tpu.vector_load %arg24[%get3A_68] {strides = array<i32>} : memref<4096xf32, #tpu.memory_space<vmem>>, vector<16xf32>,
        %get3A_70 = arith.index_cast %sub3A_63 : i32 to index
        %get3A_71 = tpu.vector_load %arg25[%get3A_70] {strides = array<i32>} : memref<4096xf32, #tpu.memory_space<vmem>>, vector<16xf32>,
        %add3A_72 = vector.broadcast %multiple_of3A_55 : i32 to vector<16xi32>
        %add3A_73 = arith.addi %iota3A, %add3A_72 : vector<16xi32>
        %ge3A = vector.broadcast %squeeze3A : i32 to vector<16xi32>
        %ge3A_74 = arith.cmpi sge, %add3A_73, %ge3A : vector<16xi32>
        %lt3A = vector.broadcast %squeeze3A_20 : i32 to vector<16xi32>
        %lt3A_75 = arith.cmpi slt, %add3A_73, %lt3A : vector<16xi32>
        %and3A_76 = arith.andi %ge3A_74, %lt3A_75 : vector<16xi1>
        %mul3A_77 = arith.mulf %get3A_71, %get3A_71 : vector<16xf32>
        %sub3A_78 = arith.constant 1.000000e+00 : f32
        %sub3A_79 = vector.broadcast %sub3A_78 : f32 to vector<16xf32>
        %sub3A_80 = arith.subf %sub3A_79, %mul3A_77 : vector<16xf32>
        %mul3A_81 = arith.mulf %sub3A_80, %sub3A_80 : vector<16xf32>
        %mul3A_82 = arith.mulf %mul3A_81, %sub3A_80 : vector<16xf32>
        %jit3A = arith.constant 0.000000e+00 : f32
        %jit3A_83 = arith.constant 1.000000e+00 : f32
        %max3A = vector.broadcast %jit3A : f32 to vector<16xf32>
        %max3A_84 = arith.maximumf %max3A, %mul3A_82 : vector<16xf32>
        %min3A = vector.broadcast %jit3A_83 : f32 to vector<16xf32>
        %min3A_85 = arith.minimumf %min3A, %max3A_84 : vector<16xf32>
        %mul3A_86 = arith.mulf %get3A_69, %min3A_85 : vector<16xf32>
        %jit3A_87 = arith.constant 0.000000e+00 : f32
        %broadcast_in_dim3A_88 = vector.broadcast %jit3A_87 : f32 to vector<16xf32>
        %select_n3A = arith.select %and3A_76, %mul3A_86, %broadcast_in_dim3A_88 : vector<16xi1>, vector<16xf32>
        %add3A_89 = arith.addf %while3A_51, %select_n3A : vector<16xf32>
        %gather3A = tpu.vector_load_idx %arg16[%get3A_65] : memref<10000xf32, #tpu.memory_space<vmem>>[vector<16xi32>], vector<16xf32>,
        %gather3A_90 = tpu.vector_load_idx %arg17[%get3A_65] : memref<10000xf32, #tpu.memory_space<vmem>>[vector<16xi32>], vector<16xf32>,
        %gather3A_91 = tpu.vector_load_idx %arg18[%get3A_65] : memref<10000xf32, #tpu.memory_space<vmem>>[vector<16xi32>], vector<16xf32>,
        %get3A_92 = arith.index_cast %scan3A_11 : i32 to index
        %get3A_93 = tpu.vector_load %arg19[%get3A_92] {strides = array<i32>} : memref<336xf32, #tpu.memory_space<vmem>>, vector<16xf32>,
        %slice3A_94 = vector.extract_strided_slice %get3A_93 {offsets = [0], sizes = [1], strides = [1]} : vector<16xf32> to vector<1xf32>
        %squeeze3A_95 = vector.extract %slice3A_94[0] : f32 from vector<1xf32>
        %broadcast_in_dim3A_96 = vector.broadcast %squeeze3A_95 : f32 to vector<16xf32>
        %get3A_97 = arith.index_cast %scan3A_11 : i32 to index
        %get3A_98 = tpu.vector_load %arg20[%get3A_97] {strides = array<i32>} : memref<336xf32, #tpu.memory_space<vmem>>, vector<16xf32>,
        %slice3A_99 = vector.extract_strided_slice %get3A_98 {offsets = [0], sizes = [1], strides = [1]} : vector<16xf32> to vector<1xf32>
        %squeeze3A_100 = vector.extract %slice3A_99[0] : f32 from vector<1xf32>
        %broadcast_in_dim3A_101 = vector.broadcast %squeeze3A_100 : f32 to vector<16xf32>
        %get3A_102 = arith.index_cast %scan3A_11 : i32 to index
        %get3A_103 = tpu.vector_load %arg21[%get3A_102] {strides = array<i32>} : memref<336xf32, #tpu.memory_space<vmem>>, vector<16xf32>,
        %slice3A_104 = vector.extract_strided_slice %get3A_103 {offsets = [0], sizes = [1], strides = [1]} : vector<16xf32> to vector<1xf32>
        %squeeze3A_105 = vector.extract %slice3A_104[0] : f32 from vector<1xf32>
        %broadcast_in_dim3A_106 = vector.broadcast %squeeze3A_105 : f32 to vector<16xf32>
        %sub3A_107 = arith.subf %gather3A, %broadcast_in_dim3A_96 : vector<16xf32>
        %mul3A_108 = arith.mulf %sub3A_107, %get3A_3 : vector<16xf32>
        %sub3A_109 = arith.subf %gather3A_90, %broadcast_in_dim3A_101 : vector<16xf32>
        %mul3A_110 = arith.mulf %sub3A_109, %get3A_3 : vector<16xf32>
        %sub3A_111 = arith.subf %gather3A_91, %broadcast_in_dim3A_106 : vector<16xf32>
        %mul3A_112 = arith.mulf %sub3A_111, %get3A_3 : vector<16xf32>
        %mul3A_113 = arith.mulf %mul3A_108, %mul3A_108 : vector<16xf32>
        %mul3A_114 = arith.mulf %mul3A_110, %mul3A_110 : vector<16xf32>
        %add3A_115 = arith.addf %mul3A_113, %mul3A_114 : vector<16xf32>
        %mul3A_116 = arith.mulf %mul3A_112, %mul3A_112 : vector<16xf32>
        %add3A_117 = arith.addf %add3A_115, %mul3A_116 : vector<16xf32>
        %add3A_118 = arith.constant 9.99999996E-13 : f32
        %add3A_119 = vector.broadcast %add3A_118 : f32 to vector<16xf32>
        %add3A_120 = arith.addf %add3A_117, %add3A_119 : vector<16xf32>
        %bitcast_convert_type3A = tpu.bitcast %add3A_120 : vector<16xf32> -> vector<16xi32>
        %shift_right_arithmetic3A_121 = arith.constant 1 : i32
        %shift_right_arithmetic3A_122 = vector.broadcast %shift_right_arithmetic3A_121 : i32 to vector<16xi32>
        %shift_right_arithmetic3A_123 = arith.shrsi %bitcast_convert_type3A, %shift_right_arithmetic3A_122 : vector<16xi32>
        %sub3A_124 = arith.constant 1597463007 : i32
        %sub3A_125 = vector.broadcast %sub3A_124 : i32 to vector<16xi32>
        %sub3A_126 = arith.subi %sub3A_125, %shift_right_arithmetic3A_123 : vector<16xi32>
        %bitcast_convert_type3A_127 = tpu.bitcast %sub3A_126 : vector<16xi32> -> vector<16xf32>
        %mul3A_128 = arith.constant 5.000000e-01 : f32
        %mul3A_129 = vector.broadcast %mul3A_128 : f32 to vector<16xf32>
        %mul3A_130 = arith.mulf %mul3A_129, %add3A_120 : vector<16xf32>
        %mul3A_131 = arith.mulf %mul3A_130, %bitcast_convert_type3A_127 : vector<16xf32>
        %mul3A_132 = arith.mulf %mul3A_131, %bitcast_convert_type3A_127 : vector<16xf32>
        %sub3A_133 = arith.constant 1.500000e+00 : f32
        %sub3A_134 = vector.broadcast %sub3A_133 : f32 to vector<16xf32>
        %sub3A_135 = arith.subf %sub3A_134, %mul3A_132 : vector<16xf32>
        %mul3A_136 = arith.mulf %bitcast_convert_type3A_127, %sub3A_135 : vector<16xf32>
        %mul3A_137 = arith.constant 5.000000e-01 : f32
        %mul3A_138 = vector.broadcast %mul3A_137 : f32 to vector<16xf32>
        %mul3A_139 = arith.mulf %mul3A_138, %add3A_120 : vector<16xf32>
        %mul3A_140 = arith.mulf %mul3A_139, %mul3A_136 : vector<16xf32>
        %mul3A_141 = arith.mulf %mul3A_140, %mul3A_136 : vector<16xf32>
        %sub3A_142 = arith.constant 1.500000e+00 : f32
        %sub3A_143 = vector.broadcast %sub3A_142 : f32 to vector<16xf32>
        %sub3A_144 = arith.subf %sub3A_143, %mul3A_141 : vector<16xf32>
        %mul3A_145 = arith.mulf %mul3A_136, %sub3A_144 : vector<16xf32>
        %mul3A_146 = arith.constant 5.000000e-01 : f32
        %mul3A_147 = vector.broadcast %mul3A_146 : f32 to vector<16xf32>
        %mul3A_148 = arith.mulf %mul3A_147, %add3A_120 : vector<16xf32>
        %mul3A_149 = arith.mulf %mul3A_148, %mul3A_145 : vector<16xf32>
        %mul3A_150 = arith.mulf %mul3A_149, %mul3A_145 : vector<16xf32>
        %sub3A_151 = arith.constant 1.500000e+00 : f32
        %sub3A_152 = vector.broadcast %sub3A_151 : f32 to vector<16xf32>
        %sub3A_153 = arith.subf %sub3A_152, %mul3A_150 : vector<16xf32>
        %mul3A_154 = arith.mulf %mul3A_145, %sub3A_153 : vector<16xf32>
        %mul3A_155 = arith.mulf %add3A_120, %mul3A_154 : vector<16xf32>
        %abs3A = math.absf %mul3A_108 : vector<16xf32>
        %abs3A_156 = math.absf %mul3A_110 : vector<16xf32>
        %max3A_157 = arith.maximumf %abs3A, %abs3A_156 : vector<16xf32>
        %abs3A_158 = math.absf %mul3A_112 : vector<16xf32>
        %max3A_159 = arith.maximumf %max3A_157, %abs3A_158 : vector<16xf32>
        %gt3A_160 = arith.constant 9.99999993E-9 : f32
        %gt3A_161 = vector.broadcast %gt3A_160 : f32 to vector<16xf32>
        %gt3A_162 = arith.cmpf ogt, %max3A_159, %gt3A_161 : vector<16xf32>
        %max3A_163 = arith.constant 9.99999993E-9 : f32
        %max3A_164 = vector.broadcast %max3A_163 : f32 to vector<16xf32>
        %max3A_165 = arith.maximumf %max3A_159, %max3A_164 : vector<16xf32>
        %div3A = arith.divf %mul3A_155, %max3A_165 : vector<16xf32>
        %jit3A_166 = arith.constant 0.000000e+00 : f32
        %broadcast_in_dim3A_167 = vector.broadcast %jit3A_166 : f32 to vector<16xf32>
        %select_n3A_168 = arith.select %gt3A_162, %div3A, %broadcast_in_dim3A_167 : vector<16xi1>, vector<16xf32>
        %mul3A_169 = arith.mulf %mul3A_108, %select_n3A_168 : vector<16xf32>
        %jit3A_170 = arith.constant -1.000000e+00 : f32
        %jit3A_171 = arith.constant 1.000000e+00 : f32
        %max3A_172 = vector.broadcast %jit3A_170 : f32 to vector<16xf32>
        %max3A_173 = arith.maximumf %max3A_172, %mul3A_169 : vector<16xf32>
        %min3A_174 = vector.broadcast %jit3A_171 : f32 to vector<16xf32>
        %min3A_175 = arith.minimumf %min3A_174, %max3A_173 : vector<16xf32>
        %mul3A_176 = arith.constant 5.000000e-01 : f32
        %mul3A_177 = vector.broadcast %mul3A_176 : f32 to vector<16xf32>
        %mul3A_178 = arith.mulf %min3A_175, %mul3A_177 : vector<16xf32>
        %add3A_179 = arith.constant 5.000000e-01 : f32
        %add3A_180 = vector.broadcast %add3A_179 : f32 to vector<16xf32>
        %add3A_181 = arith.addf %mul3A_178, %add3A_180 : vector<16xf32>
        %mul3A_182 = arith.constant 3.000000e+00 : f32
        %mul3A_183 = vector.broadcast %mul3A_182 : f32 to vector<16xf32>
        %mul3A_184 = arith.mulf %add3A_181, %mul3A_183 : vector<16xf32>
        %mul3A_185 = arith.mulf %mul3A_110, %select_n3A_168 : vector<16xf32>
        %jit3A_186 = arith.constant -1.000000e+00 : f32
        %jit3A_187 = arith.constant 1.000000e+00 : f32
        %max3A_188 = vector.broadcast %jit3A_186 : f32 to vector<16xf32>
        %max3A_189 = arith.maximumf %max3A_188, %mul3A_185 : vector<16xf32>
        %min3A_190 = vector.broadcast %jit3A_187 : f32 to vector<16xf32>
        %min3A_191 = arith.minimumf %min3A_190, %max3A_189 : vector<16xf32>
        %mul3A_192 = arith.constant 5.000000e-01 : f32
        %mul3A_193 = vector.broadcast %mul3A_192 : f32 to vector<16xf32>
        %mul3A_194 = arith.mulf %min3A_191, %mul3A_193 : vector<16xf32>
        %add3A_195 = arith.constant 5.000000e-01 : f32
        %add3A_196 = vector.broadcast %add3A_195 : f32 to vector<16xf32>
        %add3A_197 = arith.addf %mul3A_194, %add3A_196 : vector<16xf32>
        %mul3A_198 = arith.constant 3.000000e+00 : f32
        %mul3A_199 = vector.broadcast %mul3A_198 : f32 to vector<16xf32>
        %mul3A_200 = arith.mulf %add3A_197, %mul3A_199 : vector<16xf32>
        %mul3A_201 = arith.mulf %mul3A_112, %select_n3A_168 : vector<16xf32>
        %jit3A_202 = arith.constant -1.000000e+00 : f32
        %jit3A_203 = arith.constant 1.000000e+00 : f32
        %max3A_204 = vector.broadcast %jit3A_202 : f32 to vector<16xf32>
        %max3A_205 = arith.maximumf %max3A_204, %mul3A_201 : vector<16xf32>
        %min3A_206 = vector.broadcast %jit3A_203 : f32 to vector<16xf32>
        %min3A_207 = arith.minimumf %min3A_206, %max3A_205 : vector<16xf32>
        %mul3A_208 = arith.constant 5.000000e-01 : f32
        %mul3A_209 = vector.broadcast %mul3A_208 : f32 to vector<16xf32>
        %mul3A_210 = arith.mulf %min3A_207, %mul3A_209 : vector<16xf32>
        %add3A_211 = arith.constant 5.000000e-01 : f32
        %add3A_212 = vector.broadcast %add3A_211 : f32 to vector<16xf32>
        %add3A_213 = arith.addf %mul3A_210, %add3A_212 : vector<16xf32>
        %mul3A_214 = arith.constant 3.000000e+00 : f32
        %mul3A_215 = vector.broadcast %mul3A_214 : f32 to vector<16xf32>
        %mul3A_216 = arith.mulf %add3A_213, %mul3A_215 : vector<16xf32>
        %convert_element_type3A_217 = arith.fptosi %mul3A_184 : vector<16xf32> to vector<16xi32>
        %min3A_218 = arith.constant 2 : i32
        %min3A_219 = vector.broadcast %min3A_218 : i32 to vector<16xi32>
        %min3A_220 = arith.minsi %convert_element_type3A_217, %min3A_219 : vector<16xi32>
        %convert_element_type3A_221 = arith.fptosi %mul3A_200 : vector<16xf32> to vector<16xi32>
        %min3A_222 = arith.constant 2 : i32
        %min3A_223 = vector.broadcast %min3A_222 : i32 to vector<16xi32>
        %min3A_224 = arith.minsi %convert_element_type3A_221, %min3A_223 : vector<16xi32>
        %convert_element_type3A_225 = arith.fptosi %mul3A_216 : vector<16xf32> to vector<16xi32>
        %min3A_226 = arith.constant 2 : i32
        %min3A_227 = vector.broadcast %min3A_226 : i32 to vector<16xi32>
        %min3A_228 = arith.minsi %convert_element_type3A_225, %min3A_227 : vector<16xi32>
        %convert_element_type3A_229 = arith.sitofp %min3A_220 : vector<16xi32> to vector<16xf32>
        %sub3A_230 = arith.subf %mul3A_184, %convert_element_type3A_229 : vector<16xf32>
        %convert_element_type3A_231 = arith.sitofp %min3A_224 : vector<16xi32> to vector<16xf32>
        %sub3A_232 = arith.subf %mul3A_200, %convert_element_type3A_231 : vector<16xf32>
        %convert_element_type3A_233 = arith.sitofp %min3A_228 : vector<16xi32> to vector<16xf32>
        %sub3A_234 = arith.subf %mul3A_216, %convert_element_type3A_233 : vector<16xf32>
        %mul3A_235 = arith.constant 4 : i32
        %mul3A_236 = vector.broadcast %mul3A_235 : i32 to vector<16xi32>
        %mul3A_237 = arith.muli %min3A_220, %mul3A_236 : vector<16xi32>
        %add3A_238 = arith.addi %mul3A_237, %min3A_224 : vector<16xi32>
        %mul3A_239 = arith.constant 4 : i32
        %mul3A_240 = vector.broadcast %mul3A_239 : i32 to vector<16xi32>
        %mul3A_241 = arith.muli %add3A_238, %mul3A_240 : vector<16xi32>
        %add3A_242 = arith.addi %mul3A_241, %min3A_228 : vector<16xi32>
        %mul3A_243 = arith.constant 128 : i32
        %mul3A_244 = vector.broadcast %mul3A_243 : i32 to vector<16xi32>
        %mul3A_245 = arith.muli %add3A_242, %mul3A_244 : vector<16xi32>
        %swap3A = arith.constant 0 : index
        %swap3A_246 = tpu.vector_load %arg29[%swap3A] {strides = array<i32>} : memref<32xi32, #tpu.memory_space<vmem>>, vector<16xi32>,
        tpu.vector_store %arg29[%swap3A], %mul3A_245 {strides = array<i32>} : memref<32xi32, #tpu.memory_space<vmem>>, vector<16xi32>,
        %sub3A_247 = arith.constant 1.000000e+00 : f32
        %sub3A_248 = vector.broadcast %sub3A_247 : f32 to vector<16xf32>
        %sub3A_249 = arith.subf %sub3A_248, %sub3A_230 : vector<16xf32>
        %sub3A_250 = arith.constant 1.000000e+00 : f32
        %sub3A_251 = vector.broadcast %sub3A_250 : f32 to vector<16xf32>
        %sub3A_252 = arith.subf %sub3A_251, %sub3A_232 : vector<16xf32>
        %sub3A_253 = arith.constant 1.000000e+00 : f32
        %sub3A_254 = vector.broadcast %sub3A_253 : f32 to vector<16xf32>
        %sub3A_255 = arith.subf %sub3A_254, %sub3A_234 : vector<16xf32>
        %mul3A_256 = arith.mulf %sub3A_249, %sub3A_252 : vector<16xf32>
        %mul3A_257 = arith.mulf %mul3A_256, %sub3A_255 : vector<16xf32>
        %mul3A_258 = arith.mulf %mul3A_257, %select_n3A : vector<16xf32>
        %swap3A_259 = arith.constant 0 : i32
        %swap3A_260 = arith.index_cast %swap3A_259 : i32 to index
        %swap3A_261 = arith.constant 0 : index
        %swap3A_262 = tpu.vector_load %arg28[%swap3A_260, %swap3A_261] {strides = array<i32>} : memref<8x32xf32, #tpu.memory_space<vmem>>, vector<16xf32>,
        tpu.vector_store %arg28[%swap3A_260, %swap3A_261], %mul3A_258 {strides = array<i32>} : memref<8x32xf32, #tpu.memory_space<vmem>>, vector<16xf32>,
        %mul3A_263 = arith.mulf %sub3A_249, %sub3A_252 : vector<16xf32>
        %mul3A_264 = arith.mulf %mul3A_263, %sub3A_234 : vector<16xf32>
        %mul3A_265 = arith.mulf %mul3A_264, %select_n3A : vector<16xf32>
        %swap3A_266 = arith.constant 1 : i32
        %swap3A_267 = arith.index_cast %swap3A_266 : i32 to index
        %swap3A_268 = arith.constant 0 : index
        %swap3A_269 = tpu.vector_load %arg28[%swap3A_267, %swap3A_268] {strides = array<i32>} : memref<8x32xf32, #tpu.memory_space<vmem>>, vector<16xf32>,
        tpu.vector_store %arg28[%swap3A_267, %swap3A_268], %mul3A_265 {strides = array<i32>} : memref<8x32xf32, #tpu.memory_space<vmem>>, vector<16xf32>,
        %mul3A_270 = arith.mulf %sub3A_249, %sub3A_232 : vector<16xf32>
        %mul3A_271 = arith.mulf %mul3A_270, %sub3A_255 : vector<16xf32>
        %mul3A_272 = arith.mulf %mul3A_271, %select_n3A : vector<16xf32>
        %swap3A_273 = arith.constant 2 : i32
        %swap3A_274 = arith.index_cast %swap3A_273 : i32 to index
        %swap3A_275 = arith.constant 0 : index
        %swap3A_276 = tpu.vector_load %arg28[%swap3A_274, %swap3A_275] {strides = array<i32>} : memref<8x32xf32, #tpu.memory_space<vmem>>, vector<16xf32>,
        tpu.vector_store %arg28[%swap3A_274, %swap3A_275], %mul3A_272 {strides = array<i32>} : memref<8x32xf32, #tpu.memory_space<vmem>>, vector<16xf32>,
        %mul3A_277 = arith.mulf %sub3A_249, %sub3A_232 : vector<16xf32>
        %mul3A_278 = arith.mulf %mul3A_277, %sub3A_234 : vector<16xf32>
        %mul3A_279 = arith.mulf %mul3A_278, %select_n3A : vector<16xf32>
        %swap3A_280 = arith.constant 3 : i32
        %swap3A_281 = arith.index_cast %swap3A_280 : i32 to index
        %swap3A_282 = arith.constant 0 : index
        %swap3A_283 = tpu.vector_load %arg28[%swap3A_281, %swap3A_282] {strides = array<i32>} : memref<8x32xf32, #tpu.memory_space<vmem>>, vector<16xf32>,
        tpu.vector_store %arg28[%swap3A_281, %swap3A_282], %mul3A_279 {strides = array<i32>} : memref<8x32xf32, #tpu.memory_space<vmem>>, vector<16xf32>,
        %mul3A_284 = arith.mulf %sub3A_230, %sub3A_252 : vector<16xf32>
        %mul3A_285 = arith.mulf %mul3A_284, %sub3A_255 : vector<16xf32>
        %mul3A_286 = arith.mulf %mul3A_285, %select_n3A : vector<16xf32>
        %swap3A_287 = arith.constant 4 : i32
        %swap3A_288 = arith.index_cast %swap3A_287 : i32 to index
        %swap3A_289 = arith.constant 0 : index
        %swap3A_290 = tpu.vector_load %arg28[%swap3A_288, %swap3A_289] {strides = array<i32>} : memref<8x32xf32, #tpu.memory_space<vmem>>, vector<16xf32>,
        tpu.vector_store %arg28[%swap3A_288, %swap3A_289], %mul3A_286 {strides = array<i32>} : memref<8x32xf32, #tpu.memory_space<vmem>>, vector<16xf32>,
        %mul3A_291 = arith.mulf %sub3A_230, %sub3A_252 : vector<16xf32>
        %mul3A_292 = arith.mulf %mul3A_291, %sub3A_234 : vector<16xf32>
        %mul3A_293 = arith.mulf %mul3A_292, %select_n3A : vector<16xf32>
        %swap3A_294 = arith.constant 5 : i32
        %swap3A_295 = arith.index_cast %swap3A_294 : i32 to index
        %swap3A_296 = arith.constant 0 : index
        %swap3A_297 = tpu.vector_load %arg28[%swap3A_295, %swap3A_296] {strides = array<i32>} : memref<8x32xf32, #tpu.memory_space<vmem>>, vector<16xf32>,
        tpu.vector_store %arg28[%swap3A_295, %swap3A_296], %mul3A_293 {strides = array<i32>} : memref<8x32xf32, #tpu.memory_space<vmem>>, vector<16xf32>,
        %mul3A_298 = arith.mulf %sub3A_230, %sub3A_232 : vector<16xf32>
        %mul3A_299 = arith.mulf %mul3A_298, %sub3A_255 : vector<16xf32>
        %mul3A_300 = arith.mulf %mul3A_299, %select_n3A : vector<16xf32>
        %swap3A_301 = arith.constant 6 : i32
        %swap3A_302 = arith.index_cast %swap3A_301 : i32 to index
        %swap3A_303 = arith.constant 0 : index
        %swap3A_304 = tpu.vector_load %arg28[%swap3A_302, %swap3A_303] {strides = array<i32>} : memref<8x32xf32, #tpu.memory_space<vmem>>, vector<16xf32>,
        tpu.vector_store %arg28[%swap3A_302, %swap3A_303], %mul3A_300 {strides = array<i32>} : memref<8x32xf32, #tpu.memory_space<vmem>>, vector<16xf32>,
        %mul3A_305 = arith.mulf %sub3A_230, %sub3A_232 : vector<16xf32>
        %mul3A_306 = arith.mulf %mul3A_305, %sub3A_234 : vector<16xf32>
        %mul3A_307 = arith.mulf %mul3A_306, %select_n3A : vector<16xf32>
        %swap3A_308 = arith.constant 7 : i32
        %swap3A_309 = arith.index_cast %swap3A_308 : i32 to index
        %swap3A_310 = arith.constant 0 : index
        %swap3A_311 = tpu.vector_load %arg28[%swap3A_309, %swap3A_310] {strides = array<i32>} : memref<8x32xf32, #tpu.memory_space<vmem>>, vector<16xf32>,
        tpu.vector_store %arg28[%swap3A_309, %swap3A_310], %mul3A_307 {strides = array<i32>} : memref<8x32xf32, #tpu.memory_space<vmem>>, vector<16xf32>,
        %dma_wait3A = arith.constant 0 : i32
        %dma_wait3A_312 = arith.constant 0 : i32
        %dma_wait3A_313 = tpu.memref_slice %arg12[%dma_wait3A, %dma_wait3A_312] : memref<10000x128xf32, #tpu.memory_space<hbm>> -> memref<10000x128xf32, #tpu.memory_space<hbm>>
        tpu.wait_indirect_dma semaphore(%arg32 : memref<!tpu.dma_semaphore, #tpu.memory_space<semaphore_mem>>) src(%dma_wait3A_313 : memref<10000x128xf32, #tpu.memory_space<hbm>>) dst(%arg27 : memref<16x128xf32, #tpu.memory_space<vmem>>)
        %scan3A_314 = arith.constant 0 : i32
        %scan3A_315 = arith.constant 0 : i32
        %scan3A_316 = arith.constant 16 : i32
        %scan3A_317 = arith.addi %scan3A_315, %scan3A_316 : i32
        %scan3A_318 = arith.constant 1 : i32
        scf.for %scan3A_320 = %scan3A_315 to %scan3A_317 step %scan3A_318  : i32 {
          %get3A_321 = arith.index_cast %scan3A_320 : i32 to index
          %get3A_322 = tpu.vector_load %arg29[%get3A_321] {strides = array<i32>} : memref<32xi32, #tpu.memory_space<vmem>>, vector<16xi32>,
          %slice3A_323 = vector.extract_strided_slice %get3A_322 {offsets = [0], sizes = [1], strides = [1]} : vector<16xi32> to vector<1xi32>
          %squeeze3A_324 = vector.extract %slice3A_323[0] : i32 from vector<1xi32>
          %get3A_325 = arith.index_cast %scan3A_320 : i32 to index
          %get3A_326 = arith.constant 0 : index
          %get3A_327 = tpu.vector_load %arg27[%get3A_325, %get3A_326] {strides = array<i32>} : memref<16x128xf32, #tpu.memory_space<vmem>>, vector<16xf32>,
          %get3A_328 = arith.index_cast %scan3A_320 : i32 to index
          %get3A_329 = arith.constant 16 : index
          %get3A_330 = tpu.vector_load %arg27[%get3A_328, %get3A_329] {strides = array<i32>} : memref<16x128xf32, #tpu.memory_space<vmem>>, vector<16xf32>,
          %get3A_331 = arith.index_cast %scan3A_320 : i32 to index
          %get3A_332 = arith.constant 32 : index
          %get3A_333 = tpu.vector_load %arg27[%get3A_331, %get3A_332] {strides = array<i32>} : memref<16x128xf32, #tpu.memory_space<vmem>>, vector<16xf32>,
          %get3A_334 = arith.index_cast %scan3A_320 : i32 to index
          %get3A_335 = arith.constant 48 : index
          %get3A_336 = tpu.vector_load %arg27[%get3A_334, %get3A_335] {strides = array<i32>} : memref<16x128xf32, #tpu.memory_space<vmem>>, vector<16xf32>,
          %get3A_337 = arith.index_cast %scan3A_320 : i32 to index
          %get3A_338 = arith.constant 64 : index
          %get3A_339 = tpu.vector_load %arg27[%get3A_337, %get3A_338] {strides = array<i32>} : memref<16x128xf32, #tpu.memory_space<vmem>>, vector<16xf32>,
          %get3A_340 = arith.index_cast %scan3A_320 : i32 to index
          %get3A_341 = arith.constant 80 : index
          %get3A_342 = tpu.vector_load %arg27[%get3A_340, %get3A_341] {strides = array<i32>} : memref<16x128xf32, #tpu.memory_space<vmem>>, vector<16xf32>,
          %get3A_343 = arith.index_cast %scan3A_320 : i32 to index
          %get3A_344 = arith.constant 96 : index
          %get3A_345 = tpu.vector_load %arg27[%get3A_343, %get3A_344] {strides = array<i32>} : memref<16x128xf32, #tpu.memory_space<vmem>>, vector<16xf32>,
          %get3A_346 = arith.index_cast %scan3A_320 : i32 to index
          %get3A_347 = arith.constant 112 : index
          %get3A_348 = tpu.vector_load %arg27[%get3A_346, %get3A_347] {strides = array<i32>} : memref<16x128xf32, #tpu.memory_space<vmem>>, vector<16xf32>,
          %get3A_349 = arith.constant 0 : i32
          %get3A_350 = arith.index_cast %get3A_349 : i32 to index
          %get3A_351 = arith.index_cast %scan3A_320 : i32 to index
          %get3A_352 = tpu.vector_load %arg28[%get3A_350, %get3A_351] {strides = array<i32>} : memref<8x32xf32, #tpu.memory_space<vmem>>, vector<16xf32>,
          %slice3A_353 = vector.extract_strided_slice %get3A_352 {offsets = [0], sizes = [1], strides = [1]} : vector<16xf32> to vector<1xf32>
          %squeeze3A_354 = vector.extract %slice3A_353[0] : f32 from vector<1xf32>
          %broadcast_in_dim3A_355 = vector.broadcast %squeeze3A_354 : f32 to vector<16xf32>
          %add3A_356 = arith.constant 0 : i32
          %add3A_357 = arith.addi %squeeze3A_324, %add3A_356 : i32
          %add3A_358 = arith.constant 0 : i32
          %add3A_359 = arith.addi %add3A_357, %add3A_358 : i32
          %mul3A_360 = arith.mulf %broadcast_in_dim3A_355, %get3A_327 : vector<16xf32>
          %swap3A_361 = arith.index_cast %add3A_359 : i32 to index
          %swap3A_362 = tpu.vector_load %arg26[%swap3A_361] {strides = array<i32>} : memref<8192xf32, #tpu.memory_space<vmem>>, vector<16xf32>,
          tpu.vector_store %arg26[%swap3A_361], %mul3A_360 {add = true, strides = array<i32>} : memref<8192xf32, #tpu.memory_space<vmem>>, vector<16xf32>,
          %add3A_363 = arith.constant 16 : i32
          %add3A_364 = arith.addi %add3A_357, %add3A_363 : i32
          %mul3A_365 = arith.mulf %broadcast_in_dim3A_355, %get3A_330 : vector<16xf32>
          %swap3A_366 = arith.index_cast %add3A_364 : i32 to index
          %swap3A_367 = tpu.vector_load %arg26[%swap3A_366] {strides = array<i32>} : memref<8192xf32, #tpu.memory_space<vmem>>, vector<16xf32>,
          tpu.vector_store %arg26[%swap3A_366], %mul3A_365 {add = true, strides = array<i32>} : memref<8192xf32, #tpu.memory_space<vmem>>, vector<16xf32>,
          %add3A_368 = arith.constant 32 : i32
          %add3A_369 = arith.addi %add3A_357, %add3A_368 : i32
          %mul3A_370 = arith.mulf %broadcast_in_dim3A_355, %get3A_333 : vector<16xf32>
          %swap3A_371 = arith.index_cast %add3A_369 : i32 to index
          %swap3A_372 = tpu.vector_load %arg26[%swap3A_371] {strides = array<i32>} : memref<8192xf32, #tpu.memory_space<vmem>>, vector<16xf32>,
          tpu.vector_store %arg26[%swap3A_371], %mul3A_370 {add = true, strides = array<i32>} : memref<8192xf32, #tpu.memory_space<vmem>>, vector<16xf32>,
          %add3A_373 = arith.constant 48 : i32
          %add3A_374 = arith.addi %add3A_357, %add3A_373 : i32
          %mul3A_375 = arith.mulf %broadcast_in_dim3A_355, %get3A_336 : vector<16xf32>
          %swap3A_376 = arith.index_cast %add3A_374 : i32 to index
          %swap3A_377 = tpu.vector_load %arg26[%swap3A_376] {strides = array<i32>} : memref<8192xf32, #tpu.memory_space<vmem>>, vector<16xf32>,
          tpu.vector_store %arg26[%swap3A_376], %mul3A_375 {add = true, strides = array<i32>} : memref<8192xf32, #tpu.memory_space<vmem>>, vector<16xf32>,
          %add3A_378 = arith.constant 64 : i32
          %add3A_379 = arith.addi %add3A_357, %add3A_378 : i32
          %mul3A_380 = arith.mulf %broadcast_in_dim3A_355, %get3A_339 : vector<16xf32>
          %swap3A_381 = arith.index_cast %add3A_379 : i32 to index
          %swap3A_382 = tpu.vector_load %arg26[%swap3A_381] {strides = array<i32>} : memref<8192xf32, #tpu.memory_space<vmem>>, vector<16xf32>,
          tpu.vector_store %arg26[%swap3A_381], %mul3A_380 {add = true, strides = array<i32>} : memref<8192xf32, #tpu.memory_space<vmem>>, vector<16xf32>,
          %add3A_383 = arith.constant 80 : i32
          %add3A_384 = arith.addi %add3A_357, %add3A_383 : i32
          %mul3A_385 = arith.mulf %broadcast_in_dim3A_355, %get3A_342 : vector<16xf32>
          %swap3A_386 = arith.index_cast %add3A_384 : i32 to index
          %swap3A_387 = tpu.vector_load %arg26[%swap3A_386] {strides = array<i32>} : memref<8192xf32, #tpu.memory_space<vmem>>, vector<16xf32>,
          tpu.vector_store %arg26[%swap3A_386], %mul3A_385 {add = true, strides = array<i32>} : memref<8192xf32, #tpu.memory_space<vmem>>, vector<16xf32>,
          %add3A_388 = arith.constant 96 : i32
          %add3A_389 = arith.addi %add3A_357, %add3A_388 : i32
          %mul3A_390 = arith.mulf %broadcast_in_dim3A_355, %get3A_345 : vector<16xf32>
          %swap3A_391 = arith.index_cast %add3A_389 : i32 to index
          %swap3A_392 = tpu.vector_load %arg26[%swap3A_391] {strides = array<i32>} : memref<8192xf32, #tpu.memory_space<vmem>>, vector<16xf32>,
          tpu.vector_store %arg26[%swap3A_391], %mul3A_390 {add = true, strides = array<i32>} : memref<8192xf32, #tpu.memory_space<vmem>>, vector<16xf32>,
          %add3A_393 = arith.constant 112 : i32
          %add3A_394 = arith.addi %add3A_357, %add3A_393 : i32
          %mul3A_395 = arith.mulf %broadcast_in_dim3A_355, %get3A_348 : vector<16xf32>
          %swap3A_396 = arith.index_cast %add3A_394 : i32 to index
          %swap3A_397 = tpu.vector_load %arg26[%swap3A_396] {strides = array<i32>} : memref<8192xf32, #tpu.memory_space<vmem>>, vector<16xf32>,
          tpu.vector_store %arg26[%swap3A_396], %mul3A_395 {add = true, strides = array<i32>} : memref<8192xf32, #tpu.memory_space<vmem>>, vector<16xf32>,
          %get3A_398 = arith.constant 1 : i32
          %get3A_399 = arith.index_cast %get3A_398 : i32 to index
          %get3A_400 = arith.index_cast %scan3A_320 : i32 to index
          %get3A_401 = tpu.vector_load %arg28[%get3A_399, %get3A_400] {strides = array<i32>} : memref<8x32xf32, #tpu.memory_space<vmem>>, vector<16xf32>,
          %slice3A_402 = vector.extract_strided_slice %get3A_401 {offsets = [0], sizes = [1], strides = [1]} : vector<16xf32> to vector<1xf32>
          %squeeze3A_403 = vector.extract %slice3A_402[0] : f32 from vector<1xf32>
          %broadcast_in_dim3A_404 = vector.broadcast %squeeze3A_403 : f32 to vector<16xf32>
          %add3A_405 = arith.constant 128 : i32
          %add3A_406 = arith.addi %squeeze3A_324, %add3A_405 : i32
          %add3A_407 = arith.constant 0 : i32
          %add3A_408 = arith.addi %add3A_406, %add3A_407 : i32
          %mul3A_409 = arith.mulf %broadcast_in_dim3A_404, %get3A_327 : vector<16xf32>
          %swap3A_410 = arith.index_cast %add3A_408 : i32 to index
          %swap3A_411 = tpu.vector_load %arg26[%swap3A_410] {strides = array<i32>} : memref<8192xf32, #tpu.memory_space<vmem>>, vector<16xf32>,
          tpu.vector_store %arg26[%swap3A_410], %mul3A_409 {add = true, strides = array<i32>} : memref<8192xf32, #tpu.memory_space<vmem>>, vector<16xf32>,
          %add3A_412 = arith.constant 16 : i32
          %add3A_413 = arith.addi %add3A_406, %add3A_412 : i32
          %mul3A_414 = arith.mulf %broadcast_in_dim3A_404, %get3A_330 : vector<16xf32>
          %swap3A_415 = arith.index_cast %add3A_413 : i32 to index
          %swap3A_416 = tpu.vector_load %arg26[%swap3A_415] {strides = array<i32>} : memref<8192xf32, #tpu.memory_space<vmem>>, vector<16xf32>,
          tpu.vector_store %arg26[%swap3A_415], %mul3A_414 {add = true, strides = array<i32>} : memref<8192xf32, #tpu.memory_space<vmem>>, vector<16xf32>,
          %add3A_417 = arith.constant 32 : i32
          %add3A_418 = arith.addi %add3A_406, %add3A_417 : i32
          %mul3A_419 = arith.mulf %broadcast_in_dim3A_404, %get3A_333 : vector<16xf32>
          %swap3A_420 = arith.index_cast %add3A_418 : i32 to index
          %swap3A_421 = tpu.vector_load %arg26[%swap3A_420] {strides = array<i32>} : memref<8192xf32, #tpu.memory_space<vmem>>, vector<16xf32>,
          tpu.vector_store %arg26[%swap3A_420], %mul3A_419 {add = true, strides = array<i32>} : memref<8192xf32, #tpu.memory_space<vmem>>, vector<16xf32>,
          %add3A_422 = arith.constant 48 : i32
          %add3A_423 = arith.addi %add3A_406, %add3A_422 : i32
          %mul3A_424 = arith.mulf %broadcast_in_dim3A_404, %get3A_336 : vector<16xf32>
          %swap3A_425 = arith.index_cast %add3A_423 : i32 to index
          %swap3A_426 = tpu.vector_load %arg26[%swap3A_425] {strides = array<i32>} : memref<8192xf32, #tpu.memory_space<vmem>>, vector<16xf32>,
          tpu.vector_store %arg26[%swap3A_425], %mul3A_424 {add = true, strides = array<i32>} : memref<8192xf32, #tpu.memory_space<vmem>>, vector<16xf32>,
          %add3A_427 = arith.constant 64 : i32
          %add3A_428 = arith.addi %add3A_406, %add3A_427 : i32
          %mul3A_429 = arith.mulf %broadcast_in_dim3A_404, %get3A_339 : vector<16xf32>
          %swap3A_430 = arith.index_cast %add3A_428 : i32 to index
          %swap3A_431 = tpu.vector_load %arg26[%swap3A_430] {strides = array<i32>} : memref<8192xf32, #tpu.memory_space<vmem>>, vector<16xf32>,
          tpu.vector_store %arg26[%swap3A_430], %mul3A_429 {add = true, strides = array<i32>} : memref<8192xf32, #tpu.memory_space<vmem>>, vector<16xf32>,
          %add3A_432 = arith.constant 80 : i32
          %add3A_433 = arith.addi %add3A_406, %add3A_432 : i32
          %mul3A_434 = arith.mulf %broadcast_in_dim3A_404, %get3A_342 : vector<16xf32>
          %swap3A_435 = arith.index_cast %add3A_433 : i32 to index
          %swap3A_436 = tpu.vector_load %arg26[%swap3A_435] {strides = array<i32>} : memref<8192xf32, #tpu.memory_space<vmem>>, vector<16xf32>,
          tpu.vector_store %arg26[%swap3A_435], %mul3A_434 {add = true, strides = array<i32>} : memref<8192xf32, #tpu.memory_space<vmem>>, vector<16xf32>,
          %add3A_437 = arith.constant 96 : i32
          %add3A_438 = arith.addi %add3A_406, %add3A_437 : i32
          %mul3A_439 = arith.mulf %broadcast_in_dim3A_404, %get3A_345 : vector<16xf32>
          %swap3A_440 = arith.index_cast %add3A_438 : i32 to index
          %swap3A_441 = tpu.vector_load %arg26[%swap3A_440] {strides = array<i32>} : memref<8192xf32, #tpu.memory_space<vmem>>, vector<16xf32>,
          tpu.vector_store %arg26[%swap3A_440], %mul3A_439 {add = true, strides = array<i32>} : memref<8192xf32, #tpu.memory_space<vmem>>, vector<16xf32>,
          %add3A_442 = arith.constant 112 : i32
          %add3A_443 = arith.addi %add3A_406, %add3A_442 : i32
          %mul3A_444 = arith.mulf %broadcast_in_dim3A_404, %get3A_348 : vector<16xf32>
          %swap3A_445 = arith.index_cast %add3A_443 : i32 to index
          %swap3A_446 = tpu.vector_load %arg26[%swap3A_445] {strides = array<i32>} : memref<8192xf32, #tpu.memory_space<vmem>>, vector<16xf32>,
          tpu.vector_store %arg26[%swap3A_445], %mul3A_444 {add = true, strides = array<i32>} : memref<8192xf32, #tpu.memory_space<vmem>>, vector<16xf32>,
          %get3A_447 = arith.constant 2 : i32
          %get3A_448 = arith.index_cast %get3A_447 : i32 to index
          %get3A_449 = arith.index_cast %scan3A_320 : i32 to index
          %get3A_450 = tpu.vector_load %arg28[%get3A_448, %get3A_449] {strides = array<i32>} : memref<8x32xf32, #tpu.memory_space<vmem>>, vector<16xf32>,
          %slice3A_451 = vector.extract_strided_slice %get3A_450 {offsets = [0], sizes = [1], strides = [1]} : vector<16xf32> to vector<1xf32>
          %squeeze3A_452 = vector.extract %slice3A_451[0] : f32 from vector<1xf32>
          %broadcast_in_dim3A_453 = vector.broadcast %squeeze3A_452 : f32 to vector<16xf32>
          %add3A_454 = arith.constant 512 : i32
          %add3A_455 = arith.addi %squeeze3A_324, %add3A_454 : i32
          %add3A_456 = arith.constant 0 : i32
          %add3A_457 = arith.addi %add3A_455, %add3A_456 : i32
          %mul3A_458 = arith.mulf %broadcast_in_dim3A_453, %get3A_327 : vector<16xf32>
          %swap3A_459 = arith.index_cast %add3A_457 : i32 to index
          %swap3A_460 = tpu.vector_load %arg26[%swap3A_459] {strides = array<i32>} : memref<8192xf32, #tpu.memory_space<vmem>>, vector<16xf32>,
          tpu.vector_store %arg26[%swap3A_459], %mul3A_458 {add = true, strides = array<i32>} : memref<8192xf32, #tpu.memory_space<vmem>>, vector<16xf32>,
          %add3A_461 = arith.constant 16 : i32
          %add3A_462 = arith.addi %add3A_455, %add3A_461 : i32
          %mul3A_463 = arith.mulf %broadcast_in_dim3A_453, %get3A_330 : vector<16xf32>
          %swap3A_464 = arith.index_cast %add3A_462 : i32 to index
          %swap3A_465 = tpu.vector_load %arg26[%swap3A_464] {strides = array<i32>} : memref<8192xf32, #tpu.memory_space<vmem>>, vector<16xf32>,
          tpu.vector_store %arg26[%swap3A_464], %mul3A_463 {add = true, strides = array<i32>} : memref<8192xf32, #tpu.memory_space<vmem>>, vector<16xf32>,
          %add3A_466 = arith.constant 32 : i32
          %add3A_467 = arith.addi %add3A_455, %add3A_466 : i32
          %mul3A_468 = arith.mulf %broadcast_in_dim3A_453, %get3A_333 : vector<16xf32>
          %swap3A_469 = arith.index_cast %add3A_467 : i32 to index
          %swap3A_470 = tpu.vector_load %arg26[%swap3A_469] {strides = array<i32>} : memref<8192xf32, #tpu.memory_space<vmem>>, vector<16xf32>,
          tpu.vector_store %arg26[%swap3A_469], %mul3A_468 {add = true, strides = array<i32>} : memref<8192xf32, #tpu.memory_space<vmem>>, vector<16xf32>,
          %add3A_471 = arith.constant 48 : i32
          %add3A_472 = arith.addi %add3A_455, %add3A_471 : i32
          %mul3A_473 = arith.mulf %broadcast_in_dim3A_453, %get3A_336 : vector<16xf32>
          %swap3A_474 = arith.index_cast %add3A_472 : i32 to index
          %swap3A_475 = tpu.vector_load %arg26[%swap3A_474] {strides = array<i32>} : memref<8192xf32, #tpu.memory_space<vmem>>, vector<16xf32>,
          tpu.vector_store %arg26[%swap3A_474], %mul3A_473 {add = true, strides = array<i32>} : memref<8192xf32, #tpu.memory_space<vmem>>, vector<16xf32>,
          %add3A_476 = arith.constant 64 : i32
          %add3A_477 = arith.addi %add3A_455, %add3A_476 : i32
          %mul3A_478 = arith.mulf %broadcast_in_dim3A_453, %get3A_339 : vector<16xf32>
          %swap3A_479 = arith.index_cast %add3A_477 : i32 to index
          %swap3A_480 = tpu.vector_load %arg26[%swap3A_479] {strides = array<i32>} : memref<8192xf32, #tpu.memory_space<vmem>>, vector<16xf32>,
          tpu.vector_store %arg26[%swap3A_479], %mul3A_478 {add = true, strides = array<i32>} : memref<8192xf32, #tpu.memory_space<vmem>>, vector<16xf32>,
          %add3A_481 = arith.constant 80 : i32
          %add3A_482 = arith.addi %add3A_455, %add3A_481 : i32
          %mul3A_483 = arith.mulf %broadcast_in_dim3A_453, %get3A_342 : vector<16xf32>
          %swap3A_484 = arith.index_cast %add3A_482 : i32 to index
          %swap3A_485 = tpu.vector_load %arg26[%swap3A_484] {strides = array<i32>} : memref<8192xf32, #tpu.memory_space<vmem>>, vector<16xf32>,
          tpu.vector_store %arg26[%swap3A_484], %mul3A_483 {add = true, strides = array<i32>} : memref<8192xf32, #tpu.memory_space<vmem>>, vector<16xf32>,
          %add3A_486 = arith.constant 96 : i32
          %add3A_487 = arith.addi %add3A_455, %add3A_486 : i32
          %mul3A_488 = arith.mulf %broadcast_in_dim3A_453, %get3A_345 : vector<16xf32>
          %swap3A_489 = arith.index_cast %add3A_487 : i32 to index
          %swap3A_490 = tpu.vector_load %arg26[%swap3A_489] {strides = array<i32>} : memref<8192xf32, #tpu.memory_space<vmem>>, vector<16xf32>,
          tpu.vector_store %arg26[%swap3A_489], %mul3A_488 {add = true, strides = array<i32>} : memref<8192xf32, #tpu.memory_space<vmem>>, vector<16xf32>,
          %add3A_491 = arith.constant 112 : i32
          %add3A_492 = arith.addi %add3A_455, %add3A_491 : i32
          %mul3A_493 = arith.mulf %broadcast_in_dim3A_453, %get3A_348 : vector<16xf32>
          %swap3A_494 = arith.index_cast %add3A_492 : i32 to index
          %swap3A_495 = tpu.vector_load %arg26[%swap3A_494] {strides = array<i32>} : memref<8192xf32, #tpu.memory_space<vmem>>, vector<16xf32>,
          tpu.vector_store %arg26[%swap3A_494], %mul3A_493 {add = true, strides = array<i32>} : memref<8192xf32, #tpu.memory_space<vmem>>, vector<16xf32>,
          %get3A_496 = arith.constant 3 : i32
          %get3A_497 = arith.index_cast %get3A_496 : i32 to index
          %get3A_498 = arith.index_cast %scan3A_320 : i32 to index
          %get3A_499 = tpu.vector_load %arg28[%get3A_497, %get3A_498] {strides = array<i32>} : memref<8x32xf32, #tpu.memory_space<vmem>>, vector<16xf32>,
          %slice3A_500 = vector.extract_strided_slice %get3A_499 {offsets = [0], sizes = [1], strides = [1]} : vector<16xf32> to vector<1xf32>
          %squeeze3A_501 = vector.extract %slice3A_500[0] : f32 from vector<1xf32>
          %broadcast_in_dim3A_502 = vector.broadcast %squeeze3A_501 : f32 to vector<16xf32>
          %add3A_503 = arith.constant 640 : i32
          %add3A_504 = arith.addi %squeeze3A_324, %add3A_503 : i32
          %add3A_505 = arith.constant 0 : i32
          %add3A_506 = arith.addi %add3A_504, %add3A_505 : i32
          %mul3A_507 = arith.mulf %broadcast_in_dim3A_502, %get3A_327 : vector<16xf32>
          %swap3A_508 = arith.index_cast %add3A_506 : i32 to index
          %swap3A_509 = tpu.vector_load %arg26[%swap3A_508] {strides = array<i32>} : memref<8192xf32, #tpu.memory_space<vmem>>, vector<16xf32>,
          tpu.vector_store %arg26[%swap3A_508], %mul3A_507 {add = true, strides = array<i32>} : memref<8192xf32, #tpu.memory_space<vmem>>, vector<16xf32>,
          %add3A_510 = arith.constant 16 : i32
          %add3A_511 = arith.addi %add3A_504, %add3A_510 : i32
          %mul3A_512 = arith.mulf %broadcast_in_dim3A_502, %get3A_330 : vector<16xf32>
          %swap3A_513 = arith.index_cast %add3A_511 : i32 to index
          %swap3A_514 = tpu.vector_load %arg26[%swap3A_513] {strides = array<i32>} : memref<8192xf32, #tpu.memory_space<vmem>>, vector<16xf32>,
          tpu.vector_store %arg26[%swap3A_513], %mul3A_512 {add = true, strides = array<i32>} : memref<8192xf32, #tpu.memory_space<vmem>>, vector<16xf32>,
          %add3A_515 = arith.constant 32 : i32
          %add3A_516 = arith.addi %add3A_504, %add3A_515 : i32
          %mul3A_517 = arith.mulf %broadcast_in_dim3A_502, %get3A_333 : vector<16xf32>
          %swap3A_518 = arith.index_cast %add3A_516 : i32 to index
          %swap3A_519 = tpu.vector_load %arg26[%swap3A_518] {strides = array<i32>} : memref<8192xf32, #tpu.memory_space<vmem>>, vector<16xf32>,
          tpu.vector_store %arg26[%swap3A_518], %mul3A_517 {add = true, strides = array<i32>} : memref<8192xf32, #tpu.memory_space<vmem>>, vector<16xf32>,
          %add3A_520 = arith.constant 48 : i32
          %add3A_521 = arith.addi %add3A_504, %add3A_520 : i32
          %mul3A_522 = arith.mulf %broadcast_in_dim3A_502, %get3A_336 : vector<16xf32>
          %swap3A_523 = arith.index_cast %add3A_521 : i32 to index
          %swap3A_524 = tpu.vector_load %arg26[%swap3A_523] {strides = array<i32>} : memref<8192xf32, #tpu.memory_space<vmem>>, vector<16xf32>,
          tpu.vector_store %arg26[%swap3A_523], %mul3A_522 {add = true, strides = array<i32>} : memref<8192xf32, #tpu.memory_space<vmem>>, vector<16xf32>,
          %add3A_525 = arith.constant 64 : i32
          %add3A_526 = arith.addi %add3A_504, %add3A_525 : i32
          %mul3A_527 = arith.mulf %broadcast_in_dim3A_502, %get3A_339 : vector<16xf32>
          %swap3A_528 = arith.index_cast %add3A_526 : i32 to index
          %swap3A_529 = tpu.vector_load %arg26[%swap3A_528] {strides = array<i32>} : memref<8192xf32, #tpu.memory_space<vmem>>, vector<16xf32>,
          tpu.vector_store %arg26[%swap3A_528], %mul3A_527 {add = true, strides = array<i32>} : memref<8192xf32, #tpu.memory_space<vmem>>, vector<16xf32>,
          %add3A_530 = arith.constant 80 : i32
          %add3A_531 = arith.addi %add3A_504, %add3A_530 : i32
          %mul3A_532 = arith.mulf %broadcast_in_dim3A_502, %get3A_342 : vector<16xf32>
          %swap3A_533 = arith.index_cast %add3A_531 : i32 to index
          %swap3A_534 = tpu.vector_load %arg26[%swap3A_533] {strides = array<i32>} : memref<8192xf32, #tpu.memory_space<vmem>>, vector<16xf32>,
          tpu.vector_store %arg26[%swap3A_533], %mul3A_532 {add = true, strides = array<i32>} : memref<8192xf32, #tpu.memory_space<vmem>>, vector<16xf32>,
          %add3A_535 = arith.constant 96 : i32
          %add3A_536 = arith.addi %add3A_504, %add3A_535 : i32
          %mul3A_537 = arith.mulf %broadcast_in_dim3A_502, %get3A_345 : vector<16xf32>
          %swap3A_538 = arith.index_cast %add3A_536 : i32 to index
          %swap3A_539 = tpu.vector_load %arg26[%swap3A_538] {strides = array<i32>} : memref<8192xf32, #tpu.memory_space<vmem>>, vector<16xf32>,
          tpu.vector_store %arg26[%swap3A_538], %mul3A_537 {add = true, strides = array<i32>} : memref<8192xf32, #tpu.memory_space<vmem>>, vector<16xf32>,
          %add3A_540 = arith.constant 112 : i32
          %add3A_541 = arith.addi %add3A_504, %add3A_540 : i32
          %mul3A_542 = arith.mulf %broadcast_in_dim3A_502, %get3A_348 : vector<16xf32>
          %swap3A_543 = arith.index_cast %add3A_541 : i32 to index
          %swap3A_544 = tpu.vector_load %arg26[%swap3A_543] {strides = array<i32>} : memref<8192xf32, #tpu.memory_space<vmem>>, vector<16xf32>,
          tpu.vector_store %arg26[%swap3A_543], %mul3A_542 {add = true, strides = array<i32>} : memref<8192xf32, #tpu.memory_space<vmem>>, vector<16xf32>,
          %get3A_545 = arith.constant 4 : i32
          %get3A_546 = arith.index_cast %get3A_545 : i32 to index
          %get3A_547 = arith.index_cast %scan3A_320 : i32 to index
          %get3A_548 = tpu.vector_load %arg28[%get3A_546, %get3A_547] {strides = array<i32>} : memref<8x32xf32, #tpu.memory_space<vmem>>, vector<16xf32>,
          %slice3A_549 = vector.extract_strided_slice %get3A_548 {offsets = [0], sizes = [1], strides = [1]} : vector<16xf32> to vector<1xf32>
          %squeeze3A_550 = vector.extract %slice3A_549[0] : f32 from vector<1xf32>
          %broadcast_in_dim3A_551 = vector.broadcast %squeeze3A_550 : f32 to vector<16xf32>
          %add3A_552 = arith.constant 2048 : i32
          %add3A_553 = arith.addi %squeeze3A_324, %add3A_552 : i32
          %add3A_554 = arith.constant 0 : i32
          %add3A_555 = arith.addi %add3A_553, %add3A_554 : i32
          %mul3A_556 = arith.mulf %broadcast_in_dim3A_551, %get3A_327 : vector<16xf32>
          %swap3A_557 = arith.index_cast %add3A_555 : i32 to index
          %swap3A_558 = tpu.vector_load %arg26[%swap3A_557] {strides = array<i32>} : memref<8192xf32, #tpu.memory_space<vmem>>, vector<16xf32>,
          tpu.vector_store %arg26[%swap3A_557], %mul3A_556 {add = true, strides = array<i32>} : memref<8192xf32, #tpu.memory_space<vmem>>, vector<16xf32>,
          %add3A_559 = arith.constant 16 : i32
          %add3A_560 = arith.addi %add3A_553, %add3A_559 : i32
          %mul3A_561 = arith.mulf %broadcast_in_dim3A_551, %get3A_330 : vector<16xf32>
          %swap3A_562 = arith.index_cast %add3A_560 : i32 to index
          %swap3A_563 = tpu.vector_load %arg26[%swap3A_562] {strides = array<i32>} : memref<8192xf32, #tpu.memory_space<vmem>>, vector<16xf32>,
          tpu.vector_store %arg26[%swap3A_562], %mul3A_561 {add = true, strides = array<i32>} : memref<8192xf32, #tpu.memory_space<vmem>>, vector<16xf32>,
          %add3A_564 = arith.constant 32 : i32
          %add3A_565 = arith.addi %add3A_553, %add3A_564 : i32
          %mul3A_566 = arith.mulf %broadcast_in_dim3A_551, %get3A_333 : vector<16xf32>
          %swap3A_567 = arith.index_cast %add3A_565 : i32 to index
          %swap3A_568 = tpu.vector_load %arg26[%swap3A_567] {strides = array<i32>} : memref<8192xf32, #tpu.memory_space<vmem>>, vector<16xf32>,
          tpu.vector_store %arg26[%swap3A_567], %mul3A_566 {add = true, strides = array<i32>} : memref<8192xf32, #tpu.memory_space<vmem>>, vector<16xf32>,
          %add3A_569 = arith.constant 48 : i32
          %add3A_570 = arith.addi %add3A_553, %add3A_569 : i32
          %mul3A_571 = arith.mulf %broadcast_in_dim3A_551, %get3A_336 : vector<16xf32>
          %swap3A_572 = arith.index_cast %add3A_570 : i32 to index
          %swap3A_573 = tpu.vector_load %arg26[%swap3A_572] {strides = array<i32>} : memref<8192xf32, #tpu.memory_space<vmem>>, vector<16xf32>,
          tpu.vector_store %arg26[%swap3A_572], %mul3A_571 {add = true, strides = array<i32>} : memref<8192xf32, #tpu.memory_space<vmem>>, vector<16xf32>,
          %add3A_574 = arith.constant 64 : i32
          %add3A_575 = arith.addi %add3A_553, %add3A_574 : i32
          %mul3A_576 = arith.mulf %broadcast_in_dim3A_551, %get3A_339 : vector<16xf32>
          %swap3A_577 = arith.index_cast %add3A_575 : i32 to index
          %swap3A_578 = tpu.vector_load %arg26[%swap3A_577] {strides = array<i32>} : memref<8192xf32, #tpu.memory_space<vmem>>, vector<16xf32>,
          tpu.vector_store %arg26[%swap3A_577], %mul3A_576 {add = true, strides = array<i32>} : memref<8192xf32, #tpu.memory_space<vmem>>, vector<16xf32>,
          %add3A_579 = arith.constant 80 : i32
          %add3A_580 = arith.addi %add3A_553, %add3A_579 : i32
          %mul3A_581 = arith.mulf %broadcast_in_dim3A_551, %get3A_342 : vector<16xf32>
          %swap3A_582 = arith.index_cast %add3A_580 : i32 to index
          %swap3A_583 = tpu.vector_load %arg26[%swap3A_582] {strides = array<i32>} : memref<8192xf32, #tpu.memory_space<vmem>>, vector<16xf32>,
          tpu.vector_store %arg26[%swap3A_582], %mul3A_581 {add = true, strides = array<i32>} : memref<8192xf32, #tpu.memory_space<vmem>>, vector<16xf32>,
          %add3A_584 = arith.constant 96 : i32
          %add3A_585 = arith.addi %add3A_553, %add3A_584 : i32
          %mul3A_586 = arith.mulf %broadcast_in_dim3A_551, %get3A_345 : vector<16xf32>
          %swap3A_587 = arith.index_cast %add3A_585 : i32 to index
          %swap3A_588 = tpu.vector_load %arg26[%swap3A_587] {strides = array<i32>} : memref<8192xf32, #tpu.memory_space<vmem>>, vector<16xf32>,
          tpu.vector_store %arg26[%swap3A_587], %mul3A_586 {add = true, strides = array<i32>} : memref<8192xf32, #tpu.memory_space<vmem>>, vector<16xf32>,
          %add3A_589 = arith.constant 112 : i32
          %add3A_590 = arith.addi %add3A_553, %add3A_589 : i32
          %mul3A_591 = arith.mulf %broadcast_in_dim3A_551, %get3A_348 : vector<16xf32>
          %swap3A_592 = arith.index_cast %add3A_590 : i32 to index
          %swap3A_593 = tpu.vector_load %arg26[%swap3A_592] {strides = array<i32>} : memref<8192xf32, #tpu.memory_space<vmem>>, vector<16xf32>,
          tpu.vector_store %arg26[%swap3A_592], %mul3A_591 {add = true, strides = array<i32>} : memref<8192xf32, #tpu.memory_space<vmem>>, vector<16xf32>,
          %get3A_594 = arith.constant 5 : i32
          %get3A_595 = arith.index_cast %get3A_594 : i32 to index
          %get3A_596 = arith.index_cast %scan3A_320 : i32 to index
          %get3A_597 = tpu.vector_load %arg28[%get3A_595, %get3A_596] {strides = array<i32>} : memref<8x32xf32, #tpu.memory_space<vmem>>, vector<16xf32>,
          %slice3A_598 = vector.extract_strided_slice %get3A_597 {offsets = [0], sizes = [1], strides = [1]} : vector<16xf32> to vector<1xf32>
          %squeeze3A_599 = vector.extract %slice3A_598[0] : f32 from vector<1xf32>
          %broadcast_in_dim3A_600 = vector.broadcast %squeeze3A_599 : f32 to vector<16xf32>
          %add3A_601 = arith.constant 2176 : i32
          %add3A_602 = arith.addi %squeeze3A_324, %add3A_601 : i32
          %add3A_603 = arith.constant 0 : i32
          %add3A_604 = arith.addi %add3A_602, %add3A_603 : i32
          %mul3A_605 = arith.mulf %broadcast_in_dim3A_600, %get3A_327 : vector<16xf32>
          %swap3A_606 = arith.index_cast %add3A_604 : i32 to index
          %swap3A_607 = tpu.vector_load %arg26[%swap3A_606] {strides = array<i32>} : memref<8192xf32, #tpu.memory_space<vmem>>, vector<16xf32>,
          tpu.vector_store %arg26[%swap3A_606], %mul3A_605 {add = true, strides = array<i32>} : memref<8192xf32, #tpu.memory_space<vmem>>, vector<16xf32>,
          %add3A_608 = arith.constant 16 : i32
          %add3A_609 = arith.addi %add3A_602, %add3A_608 : i32
          %mul3A_610 = arith.mulf %broadcast_in_dim3A_600, %get3A_330 : vector<16xf32>
          %swap3A_611 = arith.index_cast %add3A_609 : i32 to index
          %swap3A_612 = tpu.vector_load %arg26[%swap3A_611] {strides = array<i32>} : memref<8192xf32, #tpu.memory_space<vmem>>, vector<16xf32>,
          tpu.vector_store %arg26[%swap3A_611], %mul3A_610 {add = true, strides = array<i32>} : memref<8192xf32, #tpu.memory_space<vmem>>, vector<16xf32>,
          %add3A_613 = arith.constant 32 : i32
          %add3A_614 = arith.addi %add3A_602, %add3A_613 : i32
          %mul3A_615 = arith.mulf %broadcast_in_dim3A_600, %get3A_333 : vector<16xf32>
          %swap3A_616 = arith.index_cast %add3A_614 : i32 to index
          %swap3A_617 = tpu.vector_load %arg26[%swap3A_616] {strides = array<i32>} : memref<8192xf32, #tpu.memory_space<vmem>>, vector<16xf32>,
          tpu.vector_store %arg26[%swap3A_616], %mul3A_615 {add = true, strides = array<i32>} : memref<8192xf32, #tpu.memory_space<vmem>>, vector<16xf32>,
          %add3A_618 = arith.constant 48 : i32
          %add3A_619 = arith.addi %add3A_602, %add3A_618 : i32
          %mul3A_620 = arith.mulf %broadcast_in_dim3A_600, %get3A_336 : vector<16xf32>
          %swap3A_621 = arith.index_cast %add3A_619 : i32 to index
          %swap3A_622 = tpu.vector_load %arg26[%swap3A_621] {strides = array<i32>} : memref<8192xf32, #tpu.memory_space<vmem>>, vector<16xf32>,
          tpu.vector_store %arg26[%swap3A_621], %mul3A_620 {add = true, strides = array<i32>} : memref<8192xf32, #tpu.memory_space<vmem>>, vector<16xf32>,
          %add3A_623 = arith.constant 64 : i32
          %add3A_624 = arith.addi %add3A_602, %add3A_623 : i32
          %mul3A_625 = arith.mulf %broadcast_in_dim3A_600, %get3A_339 : vector<16xf32>
          %swap3A_626 = arith.index_cast %add3A_624 : i32 to index
          %swap3A_627 = tpu.vector_load %arg26[%swap3A_626] {strides = array<i32>} : memref<8192xf32, #tpu.memory_space<vmem>>, vector<16xf32>,
          tpu.vector_store %arg26[%swap3A_626], %mul3A_625 {add = true, strides = array<i32>} : memref<8192xf32, #tpu.memory_space<vmem>>, vector<16xf32>,
          %add3A_628 = arith.constant 80 : i32
          %add3A_629 = arith.addi %add3A_602, %add3A_628 : i32
          %mul3A_630 = arith.mulf %broadcast_in_dim3A_600, %get3A_342 : vector<16xf32>
          %swap3A_631 = arith.index_cast %add3A_629 : i32 to index
          %swap3A_632 = tpu.vector_load %arg26[%swap3A_631] {strides = array<i32>} : memref<8192xf32, #tpu.memory_space<vmem>>, vector<16xf32>,
          tpu.vector_store %arg26[%swap3A_631], %mul3A_630 {add = true, strides = array<i32>} : memref<8192xf32, #tpu.memory_space<vmem>>, vector<16xf32>,
          %add3A_633 = arith.constant 96 : i32
          %add3A_634 = arith.addi %add3A_602, %add3A_633 : i32
          %mul3A_635 = arith.mulf %broadcast_in_dim3A_600, %get3A_345 : vector<16xf32>
          %swap3A_636 = arith.index_cast %add3A_634 : i32 to index
          %swap3A_637 = tpu.vector_load %arg26[%swap3A_636] {strides = array<i32>} : memref<8192xf32, #tpu.memory_space<vmem>>, vector<16xf32>,
          tpu.vector_store %arg26[%swap3A_636], %mul3A_635 {add = true, strides = array<i32>} : memref<8192xf32, #tpu.memory_space<vmem>>, vector<16xf32>,
          %add3A_638 = arith.constant 112 : i32
          %add3A_639 = arith.addi %add3A_602, %add3A_638 : i32
          %mul3A_640 = arith.mulf %broadcast_in_dim3A_600, %get3A_348 : vector<16xf32>
          %swap3A_641 = arith.index_cast %add3A_639 : i32 to index
          %swap3A_642 = tpu.vector_load %arg26[%swap3A_641] {strides = array<i32>} : memref<8192xf32, #tpu.memory_space<vmem>>, vector<16xf32>,
          tpu.vector_store %arg26[%swap3A_641], %mul3A_640 {add = true, strides = array<i32>} : memref<8192xf32, #tpu.memory_space<vmem>>, vector<16xf32>,
          %get3A_643 = arith.constant 6 : i32
          %get3A_644 = arith.index_cast %get3A_643 : i32 to index
          %get3A_645 = arith.index_cast %scan3A_320 : i32 to index
          %get3A_646 = tpu.vector_load %arg28[%get3A_644, %get3A_645] {strides = array<i32>} : memref<8x32xf32, #tpu.memory_space<vmem>>, vector<16xf32>,
          %slice3A_647 = vector.extract_strided_slice %get3A_646 {offsets = [0], sizes = [1], strides = [1]} : vector<16xf32> to vector<1xf32>
          %squeeze3A_648 = vector.extract %slice3A_647[0] : f32 from vector<1xf32>
          %broadcast_in_dim3A_649 = vector.broadcast %squeeze3A_648 : f32 to vector<16xf32>
          %add3A_650 = arith.constant 2560 : i32
          %add3A_651 = arith.addi %squeeze3A_324, %add3A_650 : i32
          %add3A_652 = arith.constant 0 : i32
          %add3A_653 = arith.addi %add3A_651, %add3A_652 : i32
          %mul3A_654 = arith.mulf %broadcast_in_dim3A_649, %get3A_327 : vector<16xf32>
          %swap3A_655 = arith.index_cast %add3A_653 : i32 to index
          %swap3A_656 = tpu.vector_load %arg26[%swap3A_655] {strides = array<i32>} : memref<8192xf32, #tpu.memory_space<vmem>>, vector<16xf32>,
          tpu.vector_store %arg26[%swap3A_655], %mul3A_654 {add = true, strides = array<i32>} : memref<8192xf32, #tpu.memory_space<vmem>>, vector<16xf32>,
          %add3A_657 = arith.constant 16 : i32
          %add3A_658 = arith.addi %add3A_651, %add3A_657 : i32
          %mul3A_659 = arith.mulf %broadcast_in_dim3A_649, %get3A_330 : vector<16xf32>
          %swap3A_660 = arith.index_cast %add3A_658 : i32 to index
          %swap3A_661 = tpu.vector_load %arg26[%swap3A_660] {strides = array<i32>} : memref<8192xf32, #tpu.memory_space<vmem>>, vector<16xf32>,
          tpu.vector_store %arg26[%swap3A_660], %mul3A_659 {add = true, strides = array<i32>} : memref<8192xf32, #tpu.memory_space<vmem>>, vector<16xf32>,
          %add3A_662 = arith.constant 32 : i32
          %add3A_663 = arith.addi %add3A_651, %add3A_662 : i32
          %mul3A_664 = arith.mulf %broadcast_in_dim3A_649, %get3A_333 : vector<16xf32>
          %swap3A_665 = arith.index_cast %add3A_663 : i32 to index
          %swap3A_666 = tpu.vector_load %arg26[%swap3A_665] {strides = array<i32>} : memref<8192xf32, #tpu.memory_space<vmem>>, vector<16xf32>,
          tpu.vector_store %arg26[%swap3A_665], %mul3A_664 {add = true, strides = array<i32>} : memref<8192xf32, #tpu.memory_space<vmem>>, vector<16xf32>,
          %add3A_667 = arith.constant 48 : i32
          %add3A_668 = arith.addi %add3A_651, %add3A_667 : i32
          %mul3A_669 = arith.mulf %broadcast_in_dim3A_649, %get3A_336 : vector<16xf32>
          %swap3A_670 = arith.index_cast %add3A_668 : i32 to index
          %swap3A_671 = tpu.vector_load %arg26[%swap3A_670] {strides = array<i32>} : memref<8192xf32, #tpu.memory_space<vmem>>, vector<16xf32>,
          tpu.vector_store %arg26[%swap3A_670], %mul3A_669 {add = true, strides = array<i32>} : memref<8192xf32, #tpu.memory_space<vmem>>, vector<16xf32>,
          %add3A_672 = arith.constant 64 : i32
          %add3A_673 = arith.addi %add3A_651, %add3A_672 : i32
          %mul3A_674 = arith.mulf %broadcast_in_dim3A_649, %get3A_339 : vector<16xf32>
          %swap3A_675 = arith.index_cast %add3A_673 : i32 to index
          %swap3A_676 = tpu.vector_load %arg26[%swap3A_675] {strides = array<i32>} : memref<8192xf32, #tpu.memory_space<vmem>>, vector<16xf32>,
          tpu.vector_store %arg26[%swap3A_675], %mul3A_674 {add = true, strides = array<i32>} : memref<8192xf32, #tpu.memory_space<vmem>>, vector<16xf32>,
          %add3A_677 = arith.constant 80 : i32
          %add3A_678 = arith.addi %add3A_651, %add3A_677 : i32
          %mul3A_679 = arith.mulf %broadcast_in_dim3A_649, %get3A_342 : vector<16xf32>
          %swap3A_680 = arith.index_cast %add3A_678 : i32 to index
          %swap3A_681 = tpu.vector_load %arg26[%swap3A_680] {strides = array<i32>} : memref<8192xf32, #tpu.memory_space<vmem>>, vector<16xf32>,
          tpu.vector_store %arg26[%swap3A_680], %mul3A_679 {add = true, strides = array<i32>} : memref<8192xf32, #tpu.memory_space<vmem>>, vector<16xf32>,
          %add3A_682 = arith.constant 96 : i32
          %add3A_683 = arith.addi %add3A_651, %add3A_682 : i32
          %mul3A_684 = arith.mulf %broadcast_in_dim3A_649, %get3A_345 : vector<16xf32>
          %swap3A_685 = arith.index_cast %add3A_683 : i32 to index
          %swap3A_686 = tpu.vector_load %arg26[%swap3A_685] {strides = array<i32>} : memref<8192xf32, #tpu.memory_space<vmem>>, vector<16xf32>,
          tpu.vector_store %arg26[%swap3A_685], %mul3A_684 {add = true, strides = array<i32>} : memref<8192xf32, #tpu.memory_space<vmem>>, vector<16xf32>,
          %add3A_687 = arith.constant 112 : i32
          %add3A_688 = arith.addi %add3A_651, %add3A_687 : i32
          %mul3A_689 = arith.mulf %broadcast_in_dim3A_649, %get3A_348 : vector<16xf32>
          %swap3A_690 = arith.index_cast %add3A_688 : i32 to index
          %swap3A_691 = tpu.vector_load %arg26[%swap3A_690] {strides = array<i32>} : memref<8192xf32, #tpu.memory_space<vmem>>, vector<16xf32>,
          tpu.vector_store %arg26[%swap3A_690], %mul3A_689 {add = true, strides = array<i32>} : memref<8192xf32, #tpu.memory_space<vmem>>, vector<16xf32>,
          %get3A_692 = arith.constant 7 : i32
          %get3A_693 = arith.index_cast %get3A_692 : i32 to index
          %get3A_694 = arith.index_cast %scan3A_320 : i32 to index
          %get3A_695 = tpu.vector_load %arg28[%get3A_693, %get3A_694] {strides = array<i32>} : memref<8x32xf32, #tpu.memory_space<vmem>>, vector<16xf32>,
          %slice3A_696 = vector.extract_strided_slice %get3A_695 {offsets = [0], sizes = [1], strides = [1]} : vector<16xf32> to vector<1xf32>
          %squeeze3A_697 = vector.extract %slice3A_696[0] : f32 from vector<1xf32>
          %broadcast_in_dim3A_698 = vector.broadcast %squeeze3A_697 : f32 to vector<16xf32>
          %add3A_699 = arith.constant 2688 : i32
          %add3A_700 = arith.addi %squeeze3A_324, %add3A_699 : i32
          %add3A_701 = arith.constant 0 : i32
          %add3A_702 = arith.addi %add3A_700, %add3A_701 : i32
          %mul3A_703 = arith.mulf %broadcast_in_dim3A_698, %get3A_327 : vector<16xf32>
          %swap3A_704 = arith.index_cast %add3A_702 : i32 to index
          %swap3A_705 = tpu.vector_load %arg26[%swap3A_704] {strides = array<i32>} : memref<8192xf32, #tpu.memory_space<vmem>>, vector<16xf32>,
          tpu.vector_store %arg26[%swap3A_704], %mul3A_703 {add = true, strides = array<i32>} : memref<8192xf32, #tpu.memory_space<vmem>>, vector<16xf32>,
          %add3A_706 = arith.constant 16 : i32
          %add3A_707 = arith.addi %add3A_700, %add3A_706 : i32
          %mul3A_708 = arith.mulf %broadcast_in_dim3A_698, %get3A_330 : vector<16xf32>
          %swap3A_709 = arith.index_cast %add3A_707 : i32 to index
          %swap3A_710 = tpu.vector_load %arg26[%swap3A_709] {strides = array<i32>} : memref<8192xf32, #tpu.memory_space<vmem>>, vector<16xf32>,
          tpu.vector_store %arg26[%swap3A_709], %mul3A_708 {add = true, strides = array<i32>} : memref<8192xf32, #tpu.memory_space<vmem>>, vector<16xf32>,
          %add3A_711 = arith.constant 32 : i32
          %add3A_712 = arith.addi %add3A_700, %add3A_711 : i32
          %mul3A_713 = arith.mulf %broadcast_in_dim3A_698, %get3A_333 : vector<16xf32>
          %swap3A_714 = arith.index_cast %add3A_712 : i32 to index
          %swap3A_715 = tpu.vector_load %arg26[%swap3A_714] {strides = array<i32>} : memref<8192xf32, #tpu.memory_space<vmem>>, vector<16xf32>,
          tpu.vector_store %arg26[%swap3A_714], %mul3A_713 {add = true, strides = array<i32>} : memref<8192xf32, #tpu.memory_space<vmem>>, vector<16xf32>,
          %add3A_716 = arith.constant 48 : i32
          %add3A_717 = arith.addi %add3A_700, %add3A_716 : i32
          %mul3A_718 = arith.mulf %broadcast_in_dim3A_698, %get3A_336 : vector<16xf32>
          %swap3A_719 = arith.index_cast %add3A_717 : i32 to index
          %swap3A_720 = tpu.vector_load %arg26[%swap3A_719] {strides = array<i32>} : memref<8192xf32, #tpu.memory_space<vmem>>, vector<16xf32>,
          tpu.vector_store %arg26[%swap3A_719], %mul3A_718 {add = true, strides = array<i32>} : memref<8192xf32, #tpu.memory_space<vmem>>, vector<16xf32>,
          %add3A_721 = arith.constant 64 : i32
          %add3A_722 = arith.addi %add3A_700, %add3A_721 : i32
          %mul3A_723 = arith.mulf %broadcast_in_dim3A_698, %get3A_339 : vector<16xf32>
          %swap3A_724 = arith.index_cast %add3A_722 : i32 to index
          %swap3A_725 = tpu.vector_load %arg26[%swap3A_724] {strides = array<i32>} : memref<8192xf32, #tpu.memory_space<vmem>>, vector<16xf32>,
          tpu.vector_store %arg26[%swap3A_724], %mul3A_723 {add = true, strides = array<i32>} : memref<8192xf32, #tpu.memory_space<vmem>>, vector<16xf32>,
          %add3A_726 = arith.constant 80 : i32
          %add3A_727 = arith.addi %add3A_700, %add3A_726 : i32
          %mul3A_728 = arith.mulf %broadcast_in_dim3A_698, %get3A_342 : vector<16xf32>
          %swap3A_729 = arith.index_cast %add3A_727 : i32 to index
          %swap3A_730 = tpu.vector_load %arg26[%swap3A_729] {strides = array<i32>} : memref<8192xf32, #tpu.memory_space<vmem>>, vector<16xf32>,
          tpu.vector_store %arg26[%swap3A_729], %mul3A_728 {add = true, strides = array<i32>} : memref<8192xf32, #tpu.memory_space<vmem>>, vector<16xf32>,
          %add3A_731 = arith.constant 96 : i32
          %add3A_732 = arith.addi %add3A_700, %add3A_731 : i32
          %mul3A_733 = arith.mulf %broadcast_in_dim3A_698, %get3A_345 : vector<16xf32>
          %swap3A_734 = arith.index_cast %add3A_732 : i32 to index
          %swap3A_735 = tpu.vector_load %arg26[%swap3A_734] {strides = array<i32>} : memref<8192xf32, #tpu.memory_space<vmem>>, vector<16xf32>,
          tpu.vector_store %arg26[%swap3A_734], %mul3A_733 {add = true, strides = array<i32>} : memref<8192xf32, #tpu.memory_space<vmem>>, vector<16xf32>,
          %add3A_736 = arith.constant 112 : i32
          %add3A_737 = arith.addi %add3A_700, %add3A_736 : i32
          %mul3A_738 = arith.mulf %broadcast_in_dim3A_698, %get3A_348 : vector<16xf32>
          %swap3A_739 = arith.index_cast %add3A_737 : i32 to index
          %swap3A_740 = tpu.vector_load %arg26[%swap3A_739] {strides = array<i32>} : memref<8192xf32, #tpu.memory_space<vmem>>, vector<16xf32>,
          tpu.vector_store %arg26[%swap3A_739], %mul3A_738 {add = true, strides = array<i32>} : memref<8192xf32, #tpu.memory_space<vmem>>, vector<16xf32>,
        }
        %scan3A_319 = arith.constant 16 : i32
        scf.yield %cond3A_62, %add3A_89 : i32, vector<16xf32>
      }
      %broadcast_in_dim3A_41 = vector.broadcast %scan3A_11 : i32 to vector<16xi32>
      %reduce_sum3A = arith.constant true
      %reduce_sum3A_42 = vector.broadcast %reduce_sum3A : i1 to vector<16xi1>
      %reduce_sum3A_43 = tpu.scan <sum>, %while3A_40#1 masked %reduce_sum3A_42 : vector<16xf32>, vector<16xi1> -> vector<16xf32>
      %reduce_sum3A_44 = vector.extract %reduce_sum3A_43[15] : f32 from vector<16xf32>
      %broadcast_in_dim3A_45 = vector.broadcast %reduce_sum3A_44 : f32 to vector<16xf32>
      %eq3A = arith.constant 0 : i32
      %eq3A_46 = vector.broadcast %eq3A : i32 to vector<16xi32>
      %eq3A_47 = arith.cmpi eq, %iota3A, %eq3A_46 : vector<16xi32>
      tpu.vector_store_idx %arg30[%broadcast_in_dim3A_41], %broadcast_in_dim3A_45 masked %eq3A_47 : memref<320xf32, #tpu.memory_space<vmem>>[vector<16xi32>], vector<16xf32>, vector<16xi1>
      %add3A_48 = arith.addi %multiple_of3A, %scan3A_11 : i32
      "tpu.region"() ({
        %run_scoped3A = tpu.sem_alloc : memref<!tpu.dma_semaphore, #tpu.memory_space<semaphore_mem>>
        %dma_start3A = arith.constant 0 : i32
        %dma_start3A_49 = tpu.memref_slice %arg14[%add3A_48, %dma_start3A] : memref<10240x8192xf32, #tpu.memory_space<hbm>> -> memref<1x8192xf32, #tpu.memory_space<hbm>>
        %dma_start3A_50 = tpu.memref_squeeze %dma_start3A_49 : memref<1x8192xf32, #tpu.memory_space<hbm>> -> memref<8192xf32, #tpu.memory_space<hbm>>
        %dma_start3A_51 = arith.constant 0 : i32
        %dma_start3A_52 = tpu.memref_slice %arg14[%add3A_48, %dma_start3A_51] : memref<10240x8192xf32, #tpu.memory_space<hbm>> -> memref<1x8192xf32, #tpu.memory_space<hbm>>
        %dma_start3A_53 = tpu.memref_squeeze %dma_start3A_52 : memref<1x8192xf32, #tpu.memory_space<hbm>> -> memref<8192xf32, #tpu.memory_space<hbm>>
        tpu.enqueue_dma source(%arg26 : memref<8192xf32, #tpu.memory_space<vmem>>) target(%dma_start3A_53 : memref<8192xf32, #tpu.memory_space<hbm>>) target_semaphore(%run_scoped3A : memref<!tpu.dma_semaphore, #tpu.memory_space<semaphore_mem>>)
        %dma_wait3A = arith.constant 0 : i32
        %dma_wait3A_54 = tpu.memref_slice %arg14[%add3A_48, %dma_wait3A] : memref<10240x8192xf32, #tpu.memory_space<hbm>> -> memref<1x8192xf32, #tpu.memory_space<hbm>>
        %dma_wait3A_55 = tpu.memref_squeeze %dma_wait3A_54 : memref<1x8192xf32, #tpu.memory_space<hbm>> -> memref<8192xf32, #tpu.memory_space<hbm>>
        %dma_wait3A_56 = arith.constant 0 : i32
        %dma_wait3A_57 = tpu.memref_slice %arg14[%add3A_48, %dma_wait3A_56] : memref<10240x8192xf32, #tpu.memory_space<hbm>> -> memref<1x8192xf32, #tpu.memory_space<hbm>>
        %dma_wait3A_58 = tpu.memref_squeeze %dma_wait3A_57 : memref<1x8192xf32, #tpu.memory_space<hbm>> -> memref<8192xf32, #tpu.memory_space<hbm>>
        tpu.wait_dma2 semaphore(%run_scoped3A : memref<!tpu.dma_semaphore, #tpu.memory_space<semaphore_mem>>) src(%arg26 : memref<8192xf32, #tpu.memory_space<vmem>>) dst(%dma_wait3A_58 : memref<8192xf32, #tpu.memory_space<hbm>>)
        tpu.yield
      }) : () -> ()
      scf.yield %while3A_40#0 : i32
    }
    %scan3A_10 = arith.constant 320 : i32
    "tpu.region"() ({
      %run_scoped3A = tpu.sem_alloc : memref<!tpu.dma_semaphore, #tpu.memory_space<semaphore_mem>>
      %dma_start3A = tpu.memref_slice %arg15[%multiple_of3A] : memref<10240xf32, #tpu.memory_space<hbm>> -> memref<320xf32, #tpu.memory_space<hbm>>
      %dma_start3A_11 = tpu.memref_slice %arg15[%multiple_of3A] : memref<10240xf32, #tpu.memory_space<hbm>> -> memref<320xf32, #tpu.memory_space<hbm>>
      tpu.enqueue_dma source(%arg30 : memref<320xf32, #tpu.memory_space<vmem>>) target(%dma_start3A_11 : memref<320xf32, #tpu.memory_space<hbm>>) target_semaphore(%run_scoped3A : memref<!tpu.dma_semaphore, #tpu.memory_space<semaphore_mem>>)
      %dma_wait3A = tpu.memref_slice %arg15[%multiple_of3A] : memref<10240xf32, #tpu.memory_space<hbm>> -> memref<320xf32, #tpu.memory_space<hbm>>
      %dma_wait3A_12 = tpu.memref_slice %arg15[%multiple_of3A] : memref<10240xf32, #tpu.memory_space<hbm>> -> memref<320xf32, #tpu.memory_space<hbm>>
      tpu.wait_dma2 semaphore(%run_scoped3A : memref<!tpu.dma_semaphore, #tpu.memory_space<semaphore_mem>>) src(%arg30 : memref<320xf32, #tpu.memory_space<vmem>>) dst(%dma_wait3A_12 : memref<320xf32, #tpu.memory_space<hbm>>)
      tpu.yield
    }) : () -> ()
    return
  }
}

module attributes {stable_mosaic.version = 14 : i64} {
  func.func @_mm_body(%arg0: i32, %arg1: i32, %arg2: memref<512x1024xf32, #tpu.memory_space<vmem>>, %arg3: memref<1024x128xf32, #tpu.memory_space<vmem>>, %arg4: memref<512x1xf32, #tpu.memory_space<vmem>>, %arg5: memref<1x128xf32, #tpu.memory_space<vmem>>, %arg6: memref<512x128xf32, #tpu.memory_space<vmem>>, %arg7: memref<512x128xf32, #tpu.memory_space<vmem>>) attributes {dimension_semantics = [#tpu.dimension_semantics<parallel>, #tpu.dimension_semantics<arbitrary>], iteration_bounds = array<i64: 20, 8>, scalar_prefetch = 0 : i64, scratch_operands = 1 : i64, tpu.core_type = #tpu.core_type<tc>, window_params = [{transform_indices = @transform_0, window_bounds = array<i64: 512, 1024>}, {transform_indices = @transform_1, window_bounds = array<i64: 1024, 128>}, {transform_indices = @transform_2, window_bounds = array<i64: 512, 1>}, {pipeline_mode = #tpu.pipeline_mode<synchronous>, transform_indices = @transform_3, window_bounds = array<i64: 1, 128>}, {transform_indices = @transform_4, window_bounds = array<i64: 512, 128>}]} {
    %eq3A = arith.constant 0 : i32
    %eq3A_0 = arith.cmpi eq, %arg1, %eq3A : i32
    %convert_element_type3A = arith.extui %eq3A_0 : i1 to i32
    %cond3A = arith.constant 0 : i32
    %cond3A_1 = arith.cmpi ne, %convert_element_type3A, %cond3A : i32
    scf.if %cond3A_1 {
      %broadcast_in_dim3A = arith.constant 0.000000e+00 : f32
      %broadcast_in_dim3A_18 = vector.broadcast %broadcast_in_dim3A : f32 to vector<512x128xf32>
      %swap3A_19 = arith.constant 0 : index
      %swap3A_20 = arith.constant 0 : index
      %swap3A_21 = vector.load %arg7[%swap3A_19, %swap3A_20] : memref<512x128xf32, #tpu.memory_space<vmem>>, vector<512x128xf32>
      tpu.vector_store %arg7[%swap3A_19, %swap3A_20], %broadcast_in_dim3A_18 {strides = array<i32>} : memref<512x128xf32, #tpu.memory_space<vmem>>, vector<512x128xf32>,
    } else {
    }
    %get3A = arith.constant 0 : index
    %get3A_2 = arith.constant 0 : index
    %get3A_3 = vector.load %arg7[%get3A, %get3A_2] : memref<512x128xf32, #tpu.memory_space<vmem>>, vector<512x128xf32>
    %get3A_4 = arith.constant 0 : index
    %get3A_5 = arith.constant 0 : index
    %get3A_6 = vector.load %arg2[%get3A_4, %get3A_5] : memref<512x1024xf32, #tpu.memory_space<vmem>>, vector<512x1024xf32>
    %get3A_7 = arith.constant 0 : index
    %get3A_8 = arith.constant 0 : index
    %get3A_9 = vector.load %arg3[%get3A_7, %get3A_8] : memref<1024x128xf32, #tpu.memory_space<vmem>>, vector<1024x128xf32>
    %dot_general3A = arith.constant dense<0.000000e+00> : vector<512x128xf32>
    %dot_general3A_10 = tpu.matmul %get3A_6, %get3A_9, %dot_general3A {dimension_numbers = #tpu.dot_dimension_numbers<[1], [0], [0], [1], [0, 0, 1, 1], [], []>, transpose_lhs_hint = false} : vector<512x1024xf32>, vector<1024x128xf32>, vector<512x128xf32> -> vector<512x128xf32>
    %add3A = arith.addf %get3A_3, %dot_general3A_10 : vector<512x128xf32>
    %swap3A = arith.constant 0 : index
    %swap3A_11 = arith.constant 0 : index
    %swap3A_12 = vector.load %arg7[%swap3A, %swap3A_11] : memref<512x128xf32, #tpu.memory_space<vmem>>, vector<512x128xf32>
    tpu.vector_store %arg7[%swap3A, %swap3A_11], %add3A {strides = array<i32>} : memref<512x128xf32, #tpu.memory_space<vmem>>, vector<512x128xf32>,
    %eq3A_13 = arith.constant 7 : i32
    %eq3A_14 = arith.cmpi eq, %arg1, %eq3A_13 : i32
    %convert_element_type3A_15 = arith.extui %eq3A_14 : i1 to i32
    %cond3A_16 = arith.constant 0 : i32
    %cond3A_17 = arith.cmpi ne, %convert_element_type3A_15, %cond3A_16 : i32
    scf.if %cond3A_17 {
      %get3A_18 = arith.constant 0 : index
      %get3A_19 = arith.constant 0 : index
      %get3A_20 = vector.load %arg4[%get3A_18, %get3A_19] : memref<512x1xf32, #tpu.memory_space<vmem>>, vector<512x1xf32>
      %gt3A = arith.constant 9.99999993E-9 : f32
      %gt3A_21 = vector.broadcast %gt3A : f32 to vector<512x1xf32>
      %gt3A_22 = arith.cmpf ogt, %get3A_20, %gt3A_21 : vector<512x1xf32>
      %max3A = arith.constant 9.99999993E-9 : f32
      %max3A_23 = vector.broadcast %max3A : f32 to vector<512x1xf32>
      %max3A_24 = arith.maximumf %get3A_20, %max3A_23 : vector<512x1xf32>
      %div3A = arith.constant 1.000000e+00 : f32
      %div3A_25 = vector.broadcast %div3A : f32 to vector<512x1xf32>
      %div3A_26 = arith.divf %div3A_25, %max3A_24 : vector<512x1xf32>
      %jit3A = arith.constant 1.000000e+00 : f32
      %broadcast_in_dim3A = vector.broadcast %jit3A : f32 to vector<512x1xf32>
      %select_n3A = arith.select %gt3A_22, %div3A_26, %broadcast_in_dim3A : vector<512x1xi1>, vector<512x1xf32>
      %get3A_27 = arith.constant 0 : index
      %get3A_28 = arith.constant 0 : index
      %get3A_29 = vector.load %arg7[%get3A_27, %get3A_28] : memref<512x128xf32, #tpu.memory_space<vmem>>, vector<512x128xf32>
      %mul3A = vector.broadcast %select_n3A : vector<512x1xf32> to vector<512x128xf32>
      %mul3A_30 = arith.mulf %get3A_29, %mul3A : vector<512x128xf32>
      %get3A_31 = arith.constant 0 : index
      %get3A_32 = arith.constant 0 : index
      %get3A_33 = vector.load %arg5[%get3A_31, %get3A_32] : memref<1x128xf32, #tpu.memory_space<vmem>>, vector<1x128xf32>
      %add3A_34 = vector.broadcast %get3A_33 : vector<1x128xf32> to vector<512x128xf32>
      %add3A_35 = arith.addf %mul3A_30, %add3A_34 : vector<512x128xf32>
      %max3A_36 = arith.constant 0.000000e+00 : f32
      %max3A_37 = vector.broadcast %max3A_36 : f32 to vector<512x128xf32>
      %max3A_38 = arith.maximumf %add3A_35, %max3A_37 : vector<512x128xf32>
      %swap3A_39 = arith.constant 0 : index
      %swap3A_40 = arith.constant 0 : index
      %swap3A_41 = vector.load %arg6[%swap3A_39, %swap3A_40] : memref<512x128xf32, #tpu.memory_space<vmem>>, vector<512x128xf32>
      tpu.vector_store %arg6[%swap3A_39, %swap3A_40], %max3A_38 {strides = array<i32>} : memref<512x128xf32, #tpu.memory_space<vmem>>, vector<512x128xf32>,
    } else {
    }
    return
  }
  func.func @transform_0(%arg0: i32, %arg1: i32) -> (i32, i32) {
    %c0_i32 = arith.constant 0 : i32
    return %arg0, %arg1 : i32, i32
  }
  func.func @transform_1(%arg0: i32, %arg1: i32) -> (i32, i32) {
    %c0_i32 = arith.constant 0 : i32
    %c0_i32_0 = arith.constant 0 : i32
    return %arg1, %c0_i32 : i32, i32
  }
  func.func @transform_2(%arg0: i32, %arg1: i32) -> (i32, i32) {
    %c0_i32 = arith.constant 0 : i32
    %c0_i32_0 = arith.constant 0 : i32
    return %arg0, %c0_i32 : i32, i32
  }
  func.func @transform_3(%arg0: i32, %arg1: i32) -> (i32, i32) {
    %c0_i32 = arith.constant 0 : i32
    %c0_i32_0 = arith.constant 0 : i32
    %c0_i32_1 = arith.constant 0 : i32
    return %c0_i32, %c0_i32_0 : i32, i32
  }
  func.func @transform_4(%arg0: i32, %arg1: i32) -> (i32, i32) {
    %c0_i32 = arith.constant 0 : i32
    %c0_i32_0 = arith.constant 0 : i32
    return %arg0, %c0_i32 : i32, i32
  }
}

</mosaic_0001>

<sc_bundles>
// kernel: kernel.4.cloned.1.call-start
scs
__scs_entry_jumppad:
0x0: {  	(pc) =	sbr.rel $0x88, $3  }
0x1: {  	(tag) =	ssettag $0x0;
	lr =	simm.s32 $0x1  }
0x2: {  	[smem:$0x3F97] =	sst lr;
	_ =	strace $0xD0000000  }
0x3: {  	_ = 	snop  }
0x4: {  	_ = 	snop  }
0x5: {  	_ = 	snop  }
0x6: {  	_ = 	snop  }
0x7: {  	_ = 	snop  }
__scs_overlays_trampoline_lowered:
0x8: {  	[smem:$0x3FA6] =	sst s0  }
0x9: {  	[smem:$0x3FA7] =	sst s1  }
0xa: {  	[smem:$0x3FA8] =	sst s2  }
0xb: {  	[smem:$0x3FA9] =	sst s3  }
0xc: {  	[smem:$0x3FAA] =	sst s4  }
0xd: {  	[smem:$0x3FAB] =	sst s5  }
0xe: {  	[smem:$0x3FAC] =	sst s6  }
0xf: {  	[smem:$0x3FAD] =	sst s7  }
0x10: {  	[smem:$0x3FAE] =	sst s8  }
0x11: {  	[smem:$0x3FAF] =	sst s9;
	s0 =	simm.s32 @!p0 $0x0  }
0x12: {  	s1 =	sld [smem:$0x3F95];
	s0 =	simm.s32 @p0 $0x1  }
0x13: {  	[smem:$0x3FB0] =	sst s0;
	s0 =	simm.s32 @!p1 $0x0  }
0x14: {  	s2 =	sld [smem:$0x3F94];
	s0 =	simm.s32 @p1 $0x1  }
0x15: {  	[smem:$0x3FB1] =	sst s0;
	s0 =	simm.s32 @!p2 $0x0  }
0x16: {  	s3 =	sld [smem:$0x3FDB];
	s0 =	simm.s32 @p2 $0x1  }
0x17: {  	s4 =	simm.s32 $0x1BF5;
	[smem:$0x3FB3] =	sst s0  }
0x18: {  	s0 =	sld [smem:$0x3F96];
	_ =	swait.ge [sflag:s4], $0x0  }
0x19: {  	s7 =	sld [smem:$0x3F97]  }
0x1a: {  	s8 =	sadd.s32 $0xFFFFE003, lr  }
0x1b: {  	s9 =	sadd.s32 $0xFFFFFEF7, lr;
	s5 =	simm.s32 $0xFFFFFFFF;
	p2 =	slt.u32 s8, $0xFFFFF086  }
0x1c: {  	p1 =	slt.u32 s9, $0xF7A;
	s5 =	simm.s32 @!p2 $0x0  }
0x1d: {  	s5 =	simm.s32 @p1 $0x1;
	p0 =	seq.s32 s7, s2  }
0x1e: {  	s7 =	smul.u32 @!p0 $0xF7A, s2;
	p2 =	seq.s32 @!p0 s5, $0x0  }
0x1f: {  	s9 =	smul.u32 $0xF7A, s1;
	s8 =	simm.s32 @!p0 $0x1BF5;
	p2 =	por !p2, p0  }
0x20: {  	[sflag:s8] =	ssyncset.s32 @!p0 $0xFFFFF086;
	s6 =	sadd.s32 @!p0 s3, s7;
	s7 =	simm.s32 @!p0 $0x108  }
0x21: {  	s3 =	sadd.s32 s3, s9;
	s6 =	sadd.s32 @!p0 $0x88, s6;
	s7 =	simm.s32 @p2 $0x1082  }
0x22: {  	[simem:s7], [sflag:s8] =	dma.local @!p0 [hbm:s6], $0xF7A  }
0x23: {  	s9 =	sor.u32 $0xD0000000, s2;
	s6 =	simm.s32 $0x108;
	_ =	swait.ge @!p0 [sflag:s8], $0x0  }
0x24: {  	s3 =	sadd.s32 $0x88, s3;
	s6 =	simm.s32 @!p1 $0x1082;
	[sflag:s4] =	ssyncset.s32 $0xFFFFF086  }
0x25: {  	[simem:s6], [sflag:s4] =	dma.local [hbm:s3], $0xF7A  }
0x26: {  	[smem:$0x3F97] =	sst s1;
	(tag) =	ssettag s2;
	_ =	strace s9  }
0x27: {  	s1 =	sld [smem:$0x3FA7]  }
0x28: {  	s2 =	sld [smem:$0x3FA8]  }
0x29: {  	s4 =	sld [smem:$0x3FAA]  }
0x2a: {  	p0 =	seq.s32 s5, $0x0;
	s5 =	sld [smem:$0x3FAB]  }
0x2b: {  	s6 =	sld [smem:$0x3FAC]  }
0x2c: {  	s7 =	sld [smem:$0x3FAD]  }
0x2d: {  	s3 =	simm.s32 $0x108;
	s8 =	sld [smem:$0x3FAE]  }
0x2e: {  	s3 =	simm.s32 @!p0 $0x1082;
	s9 =	sld [smem:$0x3FAF]  }
0x2f: {  	lr =	sadd.s32 s0, s3;
	s0 =	sld [smem:$0x3FA6]  }
0x30: {  	s3 =	sld [smem:$0x3FA9]  }
0x31: {  	[smem:$0x3FB2] =	sst s10  }
0x32: {  	s10 =	sld [smem:$0x3FB0];
	_ =	sdelay $0x3  }
0x33: {  	p0 =	seq.s32 s10, $0x1;
	s10 =	sld [smem:$0x3FB2];
	_ =	sdelay $0x3  }
0x34: {  	[smem:$0x3FB2] =	sst s10  }
0x35: {  	s10 =	sld [smem:$0x3FB1];
	_ =	sdelay $0x3  }
0x36: {  	p1 =	seq.s32 s10, $0x1;
	s10 =	sld [smem:$0x3FB2];
	_ =	sdelay $0x3  }
0x37: {  	[smem:$0x3FB2] =	sst s10  }
0x38: {  	s10 =	sld [smem:$0x3FB3]  }
0x39: {  	_ = 	snop;
	(pc) =	sbr.ind lr, $3  }
0x3a: {  	_ = 	snop  }
0x3b: {  	_ = 	snop  }
0x3c: {  	p2 =	seq.s32 s10, $0x1;
	s10 =	sld [smem:$0x3FB2]  }
0x3d: {  	_ =	shalt  }
0x3e: {  	_ =	shalt  }
0x3f: {  	_ =	shalt  }
0x40: {  	_ =	shalt  }
0x41: {  	_ =	shalt  }
0x42: {  	_ =	shalt  }
0x43: {  	_ =	shalt  }
0x44: {  	_ =	shalt  }
0x45: {  	_ =	shalt  }
0x46: {  	_ =	shalt  }
0x47: {  	_ =	shalt  }
0x48: {  	_ =	shalt  }
0x49: {  	_ =	shalt  }
0x4a: {  	_ =	shalt  }
0x4b: {  	_ =	shalt  }
0x4c: {  	_ =	shalt  }
0x4d: {  	_ =	shalt  }
0x4e: {  	_ =	shalt  }
0x4f: {  	_ =	shalt  }
0x50: {  	_ =	shalt  }
0x51: {  	_ =	shalt  }
0x52: {  	_ =	shalt  }
0x53: {  	_ =	shalt  }
0x54: {  	_ =	shalt  }
0x55: {  	_ =	shalt  }
0x56: {  	_ =	shalt  }
0x57: {  	_ =	shalt  }
0x58: {  	_ =	shalt  }
0x59: {  	_ =	shalt  }
0x5a: {  	_ =	shalt  }
0x5b: {  	_ =	shalt  }
0x5c: {  	_ =	shalt  }
0x5d: {  	_ =	shalt  }
0x5e: {  	_ =	shalt  }
0x5f: {  	_ =	shalt  }
0x60: {  	_ =	shalt  }
0x61: {  	_ =	shalt  }
0x62: {  	_ =	shalt  }
0x63: {  	_ =	shalt  }
0x64: {  	_ =	shalt  }
0x65: {  	_ =	shalt  }
0x66: {  	_ =	shalt  }
0x67: {  	_ =	shalt  }
0x68: {  	_ =	shalt  }
0x69: {  	_ =	shalt  }
0x6a: {  	_ =	shalt  }
0x6b: {  	_ =	shalt  }
0x6c: {  	_ =	shalt  }
0x6d: {  	_ =	shalt  }
0x6e: {  	_ =	shalt  }
0x6f: {  	_ =	shalt  }
0x70: {  	_ =	shalt  }
0x71: {  	_ =	shalt  }
0x72: {  	_ =	shalt  }
0x73: {  	_ =	shalt  }
0x74: {  	_ =	shalt  }
0x75: {  	_ =	shalt  }
0x76: {  	_ =	shalt  }
0x77: {  	_ =	shalt  }
0x78: {  	_ =	shalt  }
0x79: {  	_ =	shalt  }
0x7a: {  	_ =	shalt  }
0x7b: {  	_ =	shalt  }
0x7c: {  	_ =	shalt  }
0x7d: {  	_ =	shalt  }
0x7e: {  	_ =	shalt  }
0x7f: {  	_ =	shalt  }
0x80: {  	_ =	shalt  }
0x81: {  	_ =	shalt  }
0x82: {  	_ =	shalt  }
0x83: {  	_ =	shalt  }
0x84: {  	_ =	shalt  }
0x85: {  	_ =	shalt  }
0x86: {  	_ =	shalt  }
0x87: {  	_ =	shalt  }
.Lfunc_end0:
.L_simem_size_0:
called_computation_lowered:
.L_overlay_start_0:
0x88: {  	s2 =	sld [smem:$0x3FD9]  }
0x89: {  	s3 =	sld [smem:$0x3FFE];
	_ =	sdelay $0x1  }
0x8a: {  	s1 =	srdreg.scid  }
0x8b: {  	s0 =	sand.u32 $0x1, s1  }
0x8c: {  	s17 =	sshll.u32 s0, $0xA;
	s2 =	sadd.s32 s3, s2  }
0x8d: {  	s2 =	sadd.s32 s2, s17  }
0x8e: {  	[smem:$0x3FBE] =	sst s2  }
0x8f: {  	_ = 	snop  }
0x90: {  	s2 =	sld [smem:$0x3FC9]  }
0x91: {  	s18 =	sld [smem:$0x3FD0];
	(tm) =	ssettm $0x1  }
0x92: {  	s4 =	sld [smem:$0x3FFB];
	_ =	sdelay $0x3  }
0x93: {  	_ =	strace s4  }
0x94: {  	s4 =	sld [smem:$0x3FFC];
	_ =	sdelay $0x3  }
0x95: {  	_ =	strace s4  }
0x96: {  	s4 =	sld [smem:$0x3FFD];
	_ =	sdelay $0x3  }
0x97: {  	_ =	strace s4  }
0x98: {  	_ =	strace $0x8FFFFFFF  }
0x99: {  	s19 =	sld [smem:$0x3FDB];
	_ =	sdelay $0x1  }
0x9a: {  	s5 =	simm.s32 $_scs_section_size  }
0x9b: {  	s6 =	simm.s32 $_size__tile_overlayer_lowered;
	s7 =	simm.s32 $_tile_overlayer_lowered  }
0x9c: {  	s22 =	simm.s32 $0x1BFF;
	s21 =	sshll.u32 s7, $0x1;
	s4 =	sadd.s32 s5, s19  }
0x9d: {  	s8 =	simm.s32 $0x0;
	s20 =	sshll.u32 s6, $0x1;
	s6 =	sadd.s32 s21, s4  }
0x9e: {  	[timem:s8], [sflag:s22] =	dma.local [hbm:s6], s20  }
0x9f: {  	_ =	swait.ge [sflag:s22], s20  }
0xa0: {  	s5 =	ssub.s32 $0x0, s20;
	[sflag:s22] =	ssyncset.done $0x0  }
0xa1: {  	[sflag:s22] =	ssyncadd.s32 s5;
	_ =	sdelay $0x1  }
0xa2: {  	s23 =	simm.s32 $0x1B8B  }
0xa3: {  	_ =	swait.ge [sflag:s23], $0x1  }
0xa4: {  	[sflag:s23] =	ssyncset.done $0x0  }
0xa5: {  	s25 =	simm.s32 $0x1B8E;
	s24 =	sld [smem:$0x3FFE];
	[sflag:s23] =	ssyncadd.s32 $0xFFFFFFFF  }
0xa6: {  	s26 =	simm.s32 $execute0_lowered;
	[smem:$0x3FD2] =	sst s25  }
0xa7: {  	s6 =	sshll.u32 s26, $0x1;
	_ =	strace $0x80000046;
	[dreg:$0x1] =	wrdreg $0xFFFFFFFF  }
0xa8: {  	s28 =	simm.s32 $_size_execute0_lowered;
	s4 =	sadd.s32 s4, s6;
	[dreg:$0x0] =	wrdreg $0x0  }
0xa9: {  	s6 =	sshll.u32 s28, $0x1;
	[dreg:$0x2] =	wrdreg s4  }
0xaa: {  	[dreg:$0x3] =	wrdreg s6  }
0xab: {  	[dreg:$0x4] =	wrdreg $0xC0  }
0xac: {  	_ =	task [dreg:s8], $0x5FFFF  }
0xad: {  	[dreg:$0x1] =	wrdreg $0xFFFFFFFF  }
0xae: {  	[dreg:$0x0] =	wrdreg $0x60  }
0xaf: {  	[dreg:$0x2] =	wrdreg s24  }
0xb0: {  	[dreg:$0x3] =	wrdreg s18  }
0xb1: {  	[dreg:$0x4] =	wrdreg s2  }
0xb2: {  	[dreg:$0x5] =	wrdreg $0x9  }
0xb3: {  	_ =	task.clear_ibuf [dreg:s8], $0x6FFFF;
	_ =	strace $0x90000046  }
0xb4: {  	s29 =	simm.s32 $0x9;
	_ =	strace $0x80000048  }
0xb5: {  	_ =	swait.ge [sflag:s29], $0x1  }
0xb6: {  	[sflag:s29] =	ssyncadd.s32 $0xFFFFFFFF  }
0xb7: {  	_ =	strace $0x90000048  }
0xb8: {  	_ =	sfence  }
0xb9: {  	s30 =	sld [smem:$0x0];
	_ =	sdelay $0x2  }
0xba: {  	s31 =	sshll.u32 s1, $0xD;
	s1 =	sshrl.u32 s1, $0x2  }
0xbb: {  	s3 =	sand.u32 $0x4000, s31;
	s1 =	sadd.s32 s1, s30  }
0xbc: {  	s0 =	sor.u32 s3, s0;
	s1 =	sshll.u32 s1, $0x11  }
0xbd: {  	s0 =	sor.u32 s1, s0  }
0xbe: {  	s0 =	sadd.s32 $0x8F2B, s0  }
0xbf: {  	[sflag:s0] =	ssyncadd.remote.s32 $0x1  }
0xc0: {  	_ =	sfence.sel $0xFFFF  }
0xc1: {  	[dreg:$0x0] =	wrdreg $0xFFFFFFFF;
	(pc) =	sbr.abs _section_cstart, $3  }
0xc2: {  	[dreg:$0x1] =	wrdreg $0xFFFFFFFF  }
0xc3: {  	_ =	task.clear_ibuf [dreg:s8], $0x2FFFF;
	_ =	strace $0x9FFFFFFF  }
0xc4: {  	(tm) =	ssettm $0x7FFFFFFF  }
0xc5: {  	_ =	shalt  }
tec
execute0_lowered:
.L_overlay_start_1:
0x0: {  	(tag) =	ssettag $0x1  }
0x1: {  	s5 =	rddreg [dreg:$0x0]  }
0x2: {  	s2 =	rddreg [dreg:$0x1]  }
0x3: {  	s3 =	rddreg [dreg:$0x2]  }
0x4: {  	s0 =	srdreg.scid;
	s6 =	simm.s32 $0x0;
	s4 =	stileid.u32  }
0x5: {  	s28 =	simm.s32 $0xCC80;
	s29 =	simm.s32 $0x1;
	s30 =	simm.s32 $0xD900  }
0x6: {  	s13 =	simm.s32 $0x0;
	s0 =	sand.u32 $0x1, s0;
	[smem:$0x7FF] =	sst s6  }
0x7: {  	s19 =	sadd.s32 $0xC00, s5;
	s20 =	sadd.s32 $0x600, s5;
	s1 =	sshll.u32 s0, $0x4  }
0x8: {  	s9 =	sadd.s32 $0x2400, s5;
	s10 =	sadd.s32 $0xC400, s5;
	s1 =	sor.u32 s4, s1  }
0x9: {  	s21 =	sadd.s32 $0x16C00, s5;
	s0 =	ssub.s32 $0x2, s0;
	s8 =	smul.u32 $0x140, s1  }
0xa: {  	_ =	strace $0x80000047;
	[dreg:$0x4] =	wrdreg s19;
	s23 =	sshrl.u32 s0, $0x1  }
0xb: {  	[dreg:$0x5] =	wrdreg s20;
	s0 =	ssub.s32 s0, s23;
	s22 =	sshrl.u32 s8, $0x3  }
0xc: {  	[dreg:$0x6] =	wrdreg s21;
	s0 =	smax.u32 s0, $0x1;
	s1 =	sadd.s32 s22, s5  }
0xd: {  	s12 =	sadd.s32 $0x17400, s5;
	[dreg:$0xc] =	wrdreg s0;
	s24 =	sadd.s32 $0x1E00, s1  }
.Ltmp0:
0xe: {  	s25 =	sadd.s32 $0x1800, s1;
	[dreg:$0x7] =	wrdreg s24;
	(pc) =	sbr.rel .LBB2_1-.Ltmp0, $4  }
0xf: {  	s19 =	simm.s32 $0x2;
	s26 =	sadd.s32 $0x1200, s1;
	[dreg:$0x8] =	wrdreg s25  }
0x10: {  	s20 =	simm.s32 $0x2780;
	s31 =	sadd.s32 $0x16600, s1;
	[dreg:$0x9] =	wrdreg s26  }
0x11: {  	s21 =	simm.s32 $0x4F00;
	s1 =	sadd.s32 $0x16E00, s1;
	[dreg:$0xa] =	wrdreg s31  }
0x12: {  	v0 =	vimm.f32 $0.0e+00;
	vm0 =	vmmov $0xffff;
	v1 =	vlaneseq.u32;
	s4 =	simm.s32 $0xAC80;
	[dreg:$0xb] =	wrdreg s1;
	s1 =	simm.s32 $0x0  }
.LBB2_11:
0x13: {  	s6 =	simm.s32 $0x0;
	s0 =	rddreg [dreg:$0xb]  }
0x14: {  	[hbm4b:s0+s6] =	stream.linear.scatter [tilespmem:s30], [sflag:$0x2], $0x140, $0x38;
	[tilespmem:$0xDB00] =	vst v63  }
0x15: {  	_ =	swait.ge [sflag:s19], $0x140  }
0x16: {  	s1 =	rddreg [dreg:$0xd]  }
0x17: {  	s31 =	rddreg [dreg:$0xc];
	s1 =	sadd.s32 $0x1, s1  }
0x18: {  	p0 =	sne.s32 s1, s31  }
.Ltmp1:
0x19: {  	_ = 	snop;
	(pc) =	sbr.rel @!p0 .LBB2_12-.Ltmp1, $3  }
0x1a: {  	_ =	sdelay $0x1  }
0x1b: {  	[sflag:s19] =	ssyncset.done $0x0  }
0x1c: {  	[sflag:s19] =	ssyncadd.s32 $0xFFFFFEC0  }
.LBB2_1:
0x1d: {  	[dreg:$0xd] =	wrdreg s1  }
0x1e: {  	s0 =	rddreg [dreg:$0x4]  }
0x1f: {  	[tilespmem:s6], [sflag:$0x2] =	stream.linear.gather [hbm4b:s0+s6], $0x2780, $0x38;
	[tilespmem:$0xDB00] =	vst v63  }
0x20: {  	_ =	swait.ge [sflag:s19], $0x2780  }
0x21: {  	[sflag:s19] =	ssyncset.done $0x0  }
0x22: {  	s11 =	rddreg [dreg:$0x5];
	[sflag:s19] =	ssyncadd.s32 $0xFFFFD880  }
0x23: {  	[tilespmem:s20], [sflag:$0x2] =	stream.linear.gather [hbm4b:s11+s6], $0x2780, $0x38;
	[tilespmem:$0xDB00] =	vst v63  }
0x24: {  	_ =	swait.ge [sflag:s19], $0x2780  }
0x25: {  	[sflag:s19] =	ssyncset.done $0x0  }
0x26: {  	[sflag:s19] =	ssyncadd.s32 $0xFFFFD880  }
0x27: {  	s14 =	rddreg [dreg:$0x0]  }
0x28: {  	[tilespmem:s21], [sflag:$0x2] =	stream.linear.gather [hbm4b:s14+s6], $0x2780, $0x38;
	[tilespmem:$0xDB00] =	vst v63  }
0x29: {  	_ =	swait.ge [sflag:s19], $0x2780  }
0x2a: {  	[sflag:s19] =	ssyncset.done $0x0  }
0x2b: {  	s16 =	simm.s32 $0x7680;
	s15 =	rddreg [dreg:$0x7];
	[sflag:s19] =	ssyncadd.s32 $0xFFFFD880  }
0x2c: {  	[tilespmem:s16], [sflag:$0x2] =	stream.linear.gather [hbm4b:s15+s6], $0x150, $0x38;
	[tilespmem:$0xDB00] =	vst v63  }
0x2d: {  	_ =	swait.ge [sflag:s19], $0x150  }
0x2e: {  	[sflag:s19] =	ssyncset.done $0x0  }
0x2f: {  	s18 =	simm.s32 $0x7800;
	s17 =	rddreg [dreg:$0x8];
	[sflag:s19] =	ssyncadd.s32 $0xFFFFFEB0  }
0x30: {  	[tilespmem:s18], [sflag:$0x2] =	stream.linear.gather [hbm4b:s17+s6], $0x150, $0x38;
	[tilespmem:$0xDB00] =	vst v63  }
0x31: {  	_ =	swait.ge [sflag:s19], $0x150  }
0x32: {  	[sflag:s19] =	ssyncset.done $0x0  }
0x33: {  	s23 =	simm.s32 $0x7980;
	s22 =	rddreg [dreg:$0x9];
	[sflag:s19] =	ssyncadd.s32 $0xFFFFFEB0  }
0x34: {  	[tilespmem:s23], [sflag:$0x2] =	stream.linear.gather [hbm4b:s22+s6], $0x150, $0x38;
	[tilespmem:$0xDB00] =	vst v63  }
0x35: {  	_ =	swait.ge [sflag:s19], $0x150  }
0x36: {  	[sflag:s19] =	ssyncset.done $0x0  }
0x37: {  	s25 =	simm.s32 $0x7B00;
	s24 =	rddreg [dreg:$0xa];
	[sflag:s19] =	ssyncadd.s32 $0xFFFFFEB0  }
0x38: {  	[tilespmem:s25], [sflag:$0x2] =	stream.linear.gather [hbm4b:s24+s6], $0x158, $0x38;
	[tilespmem:$0xDB00] =	vst v63  }
0x39: {  	_ =	swait.ge [sflag:s19], $0x158  }
0x3a: {  	[sflag:s19] =	ssyncset.done $0x0  }
0x3b: {  	s31 =	simm.s32 $0xDA80;
	s26 =	rddreg [dreg:$0x6];
	[sflag:s19] =	ssyncadd.s32 $0xFFFFFEA8  }
0x3c: {  	[tilespmem:s31], [sflag:$0x2] =	stream.linear.gather [hbm4b:s26+s6], $0x80, $0x38;
	[tilespmem:$0xDB00] =	vst v63  }
.Ltmp2:
0x3d: {  	_ = 	snop;
	(pc) =	sbr.rel .LBB2_2-.Ltmp2, $4  }
0x3e: {  	_ =	swait.ge [sflag:s19], $0x80  }
0x3f: {  	[sflag:s19] =	ssyncset.done $0x0  }
0x40: {  	[sflag:s19] =	ssyncadd.s32 $0xFFFFFF80  }
0x41: {  	s23 =	simm.s32 $0xC0000000;
	s25 =	simm.s32 $0x0;
	v2 =	vld [tilespmem:$0xDA80]  }
.LBB2_5:
0x42: {  	v5 =	vimm.f32 $0.0e+00  }
.LBB2_10:
0x43: {  	(xrf2) =	vadd.scan.msk.f32 $0xffff, v5;
	_ =	sdelay $0x7  }
0x44: {  	v3 =	vmov s24;
	_ =	sdelay $0x1  }
0x45: {  	s0 =	sadd.s32 s8, s24;
	s1 =	sshll.u32 s24, $0x4;
	v4, _, _ =	vpop (xrf2)  }
0x46: {  	s31 =	simm.s32 $0x80;
	s0 =	sshll.u32 s0, $0xA;
	s1 =	sand.u32 $0x70, s1;
	v4 =	vbroadcast v4, $0xF  }
0x47: {  	p0 =	sne.s32 s25, $0x140;
	s0 =	sand.u32 $0xFFFE000, s0;
	s1 =	sadd.s32 s12, s1  }
.Ltmp3:
0x48: {  	s5 =	simm.s32 $0x400;
	s0 =	sadd.s32 s0, s1;
	[tilespmem:v3+s30+$0x0] =	vst.idx.msk $0x1, v4;
	(pc) =	sbr.rel @!p0 .LBB2_11-.Ltmp3, $4  }
0x49: {  	[hbm4b:s0+s31] =	stream.strided.scatter [tilespmem:s4], [sflag:$0x2], $0x2000, s5, s31, $0x38;
	[tilespmem:$0xDB00] =	vst v63  }
0x4a: {  	_ =	swait.ge [sflag:s19], $0x2000  }
0x4b: {  	[sflag:s19] =	ssyncset.done $0x0  }
0x4c: {  	[sflag:s19] =	ssyncadd.s32 $0xFFFFE000  }
.LBB2_2:
0x4d: {  	s24 =	smov.u32 s25;
	v3 =	vld [tilespmem:s25+$0x7B00]  }
0x4e: {  	s25 =	sadd.s32 $0x1, s25;
	s5 =	simm.s32 $0x0;
	s1 =	simm.s32 $0x200;
	v4 =	vld [tilespmem:s24+$0x7B01]  }
.LBB2_3:
0x4f: {  	p0 =	sne.s32 s1, $0x7E00;
	[tilespmem:s5+$0xACF0] =	vst v0  }
0x50: {  	[tilespmem:s5+$0xAC80] =	vst v0  }
0x51: {  	[tilespmem:s5+$0xAC90] =	vst v0  }
.Ltmp4:
0x52: {  	[tilespmem:s5+$0xACA0] =	vst v0;
	(pc) =	sbr.rel @p0 .LBB2_3-.Ltmp4, $4  }
0x53: {  	[tilespmem:s5+$0xACB0] =	vst v0  }
0x54: {  	[tilespmem:s5+$0xACC0] =	vst v0  }
0x55: {  	[tilespmem:s5+$0xACD0] =	vst v0  }
0x56: {  	[tilespmem:s5+$0xACE0] =	vst v0;
	s5 =	sshra.s32 s1, $0x2;
	s1 =	sadd.s32 $0x200, s1  }
0x57: {  	(v2sf) =	vpush v3, $0x0  }
0x58: {  	(v2sf) =	vpush v4, $0x0;
	_ =	sdelay $0xd  }
0x59: {  	s1 =	spop (v2sf)  }
0x5a: {  	s6 =	spop (v2sf);
	s26 =	sand.u32 $0xFFFFFFF0, s1  }
0x5b: {  	s1 =	ssub.s32 s6, s26  }
0x5c: {  	[tilespmem:s5+$0xACF0] =	vst v0;
	s1 =	sadd.s32 $0xF, s1  }
0x5d: {  	[tilespmem:s5+$0xAC80] =	vst v0;
	s1 =	sshra.s32 s1, $0x4  }
0x5e: {  	[tilespmem:s5+$0xAC90] =	vst v0;
	p0 =	slt.s32 s1, $0x1  }
.Ltmp5:
0x5f: {  	[tilespmem:s5+$0xACA0] =	vst v0;
	(pc) =	sbr.rel @p0 .LBB2_5-.Ltmp5, $4  }
0x60: {  	[tilespmem:s5+$0xACB0] =	vst v0  }
0x61: {  	[tilespmem:s5+$0xACC0] =	vst v0  }
0x62: {  	[tilespmem:s5+$0xACD0] =	vst v0  }
0x63: {  	[tilespmem:s5+$0xACE0] =	vst v0  }
0x64: {  	s6 =	sadd.s32 $0x7680, s24  }
0x65: {  	s7 =	sadd.s32 $0x7800, s24;
	v3 =	vbroadcast v3, $0x0;
	v4 =	vbroadcast v4, $0x0;
	s11 =	sadd.s32 $0x7980, s24;
	v5 =	vimm.f32 $0.0e+00;
	s14 =	simm.s32 $0x0  }
.LBB2_7:
0x66: {  	s5 =	sshll.u32 s14, $0x4  }
0x67: {  	s5 =	sadd.s32 s26, s5  }
0x68: {  	s16 =	sadd.s32 $0x1000, s23;
	s15 =	sadd.s32 $0x10, s5  }
0x69: {  	p0 =	sle.s32 s15, s16  }
0x6a: {  	s17 =	sshrl.u32 @!p0 s5, $0x3  }
0x6b: {  	s22 =	simm.s32 @!p0 $0x0;
	s31 =	simm.s32 @!p0 $0x7C80;
	s18 =	sadd.s32 @!p0 s2, s17  }
0x6c: {  	[tilespmem:s31], [sflag:$0x2] =	stream.linear.gather @!p0 [hbm4b:s18+s22], $0x1000, $0x38;
	[tilespmem:$0xDB00] =	vst v63  }
0x6d: {  	s18 =	simm.s32 @!p0 $0x2  }
0x6e: {  	_ =	swait.ge @!p0 [sflag:s18], $0x1000  }
0x6f: {  	[sflag:s18] =	ssyncset.done @!p0 $0x0  }
0x70: {  	s0 =	simm.s32 @!p0 $0x8C80;
	s31 =	sadd.s32 @!p0 s9, s17;
	[sflag:s18] =	ssyncadd.s32 @!p0 $0xFFFFF000  }
0x71: {  	[tilespmem:s0], [sflag:$0x2] =	stream.linear.gather @!p0 [hbm4b:s31+s22], $0x1000, $0x38;
	[tilespmem:$0xDB00] =	vst v63  }
0x72: {  	_ =	swait.ge @!p0 [sflag:s18], $0x1000  }
0x73: {  	[sflag:s18] =	ssyncset.done @!p0 $0x0  }
0x74: {  	s0 =	sadd.s32 @!p0 s10, s17;
	s17 =	simm.s32 @!p0 $0x9C80;
	[sflag:s18] =	ssyncadd.s32 @!p0 $0xFFFFF000  }
0x75: {  	[tilespmem:s17], [sflag:$0x2] =	stream.linear.gather @!p0 [hbm4b:s0+s22], $0x1000, $0x38;
	[tilespmem:$0xDB00] =	vst v63  }
0x76: {  	p1 =	sgt.s32 s15, s16;
	_ =	swait.ge @!p0 [sflag:s18], $0x1000  }
0x77: {  	s23 =	smov.u32 @p1 s5;
	[sflag:s18] =	ssyncset.done @!p0 $0x0  }
0x78: {  	s31 =	ssub.s32 s5, s23;
	[sflag:s18] =	ssyncadd.s32 @!p0 $0xFFFFF000  }
0x79: {  	v6 =	vld [tilespmem:s31+$0x7C80];
	_ =	sdelay $0x7  }
0x7a: {  	[tilespmem:s28], [sflag:$0x1] =	stream.indirect_vreg.gather [hbm4b:s3+s13], $0x80, v6, vm0, $0xb8;
	[tilespmem:$0xDB00] =	vst v63  }
0x7b: {  	v7 =	vld.idx.msk [tilespmem:v6+s13+$0x0], $0xffff  }
0x7c: {  	v8 =	vld.idx.msk [tilespmem:v6+s20+$0x0], $0xffff  }
0x7d: {  	v6 =	vld.idx.msk [tilespmem:v6+s21+$0x0], $0xffff  }
0x7e: {  	v9 =	vld.msk [tilespmem:s6+$0x0 ss:$0x0], $0xffff  }
0x7f: {  	v10 =	vld.msk [tilespmem:s7+$0x0 ss:$0x0], $0xffff  }
0x80: {  	v11 =	vld.msk [tilespmem:s11+$0x0 ss:$0x0], $0xffff;
	_ =	sdelay $0x3  }
0x81: {  	v7 =	vsub.f32 v7, v9;
	v8 =	vsub.f32 v8, v10  }
0x82: {  	v6 =	vsub.f32 v6, v11  }
0x83: {  	v7 =	vmul.f32 v7, v2;
	v8 =	vmul.f32 v8, v2  }
0x84: {  	v6 =	vmul.f32 v6, v2  }
0x85: {  	v9 =	vmul.f32 v7, v7;
	v10 =	vmul.f32 v8, v8;
	_ =	sdelay $0x1  }
0x86: {  	v9 =	vadd.f32 v10, v9;
	v10 =	vmul.f32 v6, v6;
	_ =	sdelay $0x1  }
0x87: {  	v9 =	vadd.f32 v10, v9;
	_ =	sdelay $0x1  }
0x88: {  	v9 =	vadd.f32 $9.999999960e-13, v9;
	_ =	sdelay $0x1  }
0x89: {  	v10 =	vshra.s32 v9, $0x1;
	v11 =	vmul.f32 $5.000000000e-01, v9  }
0x8a: {  	v10 =	vsub.s32 $0x5F3759DF, v10  }
0x8b: {  	v12 =	vmul.f32 v10, v11;
	_ =	sdelay $0x1  }
0x8c: {  	v12 =	vmul.f32 v10, v12;
	_ =	sdelay $0x1  }
0x8d: {  	v12 =	vsub.f32 $1.500000000e+00, v12;
	_ =	sdelay $0x1  }
0x8e: {  	v10 =	vmul.f32 v10, v12;
	_ =	sdelay $0x1  }
0x8f: {  	v12 =	vmul.f32 v10, v11;
	_ =	sdelay $0x1  }
0x90: {  	v12 =	vmul.f32 v12, v10;
	_ =	sdelay $0x1  }
0x91: {  	v12 =	vsub.f32 $1.500000000e+00, v12  }
0x92: {  	v13 =	vand.u32 $0x7FFFFFFF, v7;
	v14 =	vand.u32 $0x7FFFFFFF, v8  }
0x93: {  	v13 =	vmax.f32 v13, v14;
	v14 =	vand.u32 $0x7FFFFFFF, v6;
	v10 =	vmul.f32 v12, v10  }
0x94: {  	v12 =	vmax.f32 v13, v14  }
0x95: {  	v13 =	vmax.f32 v12, $9.999999930e-09;
	v11 =	vmul.f32 v10, v11  }
0x96: {  	(erf) = vrcp.f32 v13  }
0x97: {  	v11 =	vmul.f32 v11, v10;
	_ =	sdelay $0x1  }
0x98: {  	v11 =	vsub.f32 $1.500000000e+00, v11;
	_ =	sdelay $0x1  }
0x99: {  	v10 =	vmul.f32 v11, v10;
	_ =	sdelay $0x2  }
0x9a: {  	v9 =	vmul.f32 v10, v9  }
0x9b: {  	v10 =	vpop (erf)  }
0x9c: {  	v9 =	vmul.f32 v9, v10  }
0x9d: {  	vm1 =	vgt.f32 v12, $9.999999930e-09  }
0x9e: {  	v9 =	vnsel vm1, $0x0, v9  }
0x9f: {  	v7 =	vmul.f32 v9, v7  }
0xa0: {  	v8 =	vmul.f32 v9, v8;
	v6 =	vmul.f32 v9, v6  }
0xa1: {  	v7 =	vmax.f32 v7, $-1.000000000e+00  }
0xa2: {  	v8 =	vmax.f32 v8, $-1.000000000e+00;
	v6 =	vmax.f32 v6, $-1.000000000e+00;
	v7 =	vmin.f32 v7, $1.000000000e+00  }
0xa3: {  	v8 =	vmin.f32 v8, $1.000000000e+00;
	v6 =	vmin.f32 v6, $1.000000000e+00;
	v7 =	vmul.f32 $5.000000000e-01, v7  }
0xa4: {  	v9 =	vld [tilespmem:s31+$0x9C80];
	v8 =	vmul.f32 $5.000000000e-01, v8;
	v6 =	vmul.f32 $5.000000000e-01, v6  }
0xa5: {  	v7 =	vadd.f32 $5.000000000e-01, v7  }
0xa6: {  	v8 =	vadd.f32 $5.000000000e-01, v8;
	v6 =	vadd.f32 $5.000000000e-01, v6  }
0xa7: {  	v7 =	vmul.f32 $3.000000000e+00, v7  }
0xa8: {  	v8 =	vmul.f32 $3.000000000e+00, v8;
	v6 =	vmul.f32 $3.000000000e+00, v6  }
0xa9: {  	v9 =	vmul.f32 v9, v9;
	v10 =	vtrunc.f32 v7  }
0xaa: {  	v11 =	vtrunc.f32 v8;
	v12 =	vtrunc.f32 v6  }
0xab: {  	v9 =	vsub.f32 $1.000000000e+00, v9;
	v10 =	vcvt.f32.s32 v10;
	v11 =	vcvt.f32.s32 v11  }
0xac: {  	v12 =	vcvt.f32.s32 v12  }
0xad: {  	v13 =	vmul.f32 v9, v9;
	vm1 =	vlt.s32 v10, $0x2;
	vm2 =	vlt.s32 v11, $0x2  }
0xae: {  	v10 =	vnsel vm1, $0x2, v10;
	v11 =	vnsel vm2, $0x2, v11;
	vm1 =	vlt.s32 v12, $0x2  }
0xaf: {  	v12 =	vnsel vm1, $0x2, v12;
	v15 =	vcvt.s32.f32 v10;
	v16 =	vcvt.s32.f32 v11  }
0xb0: {  	v14 =	vld [tilespmem:s31+$0x8C80];
	v9 =	vmul.f32 v13, v9;
	v13 =	vcvt.s32.f32 v12  }
0xb1: {  	v7 =	vsub.f32 v7, v15;
	v8 =	vsub.f32 v8, v16  }
0xb2: {  	v9 =	vmax.f32 v9, $0.0e+00;
	v15 =	vor.u32 s5, v1;
	v13 =	vsub.f32 v6, v13  }
0xb3: {  	v6 =	vmin.f32 v9, $1.000000000e+00;
	v9 =	vsub.f32 $1.000000000e+00, v7;
	v16 =	vsub.f32 $1.000000000e+00, v8  }
0xb4: {  	vm1 =	vge.s32 v15, v3;
	vm2 =	vlt.s32 v15, v4  }
0xb5: {  	v6 =	vmul.f32 v6, v14;
	v14 =	vsub.f32 $1.000000000e+00, v13;
	v15 =	vmul.f32 v16, v9  }
0xb6: {  	v10 =	vshll.u32 v10, $0xB;
	v11 =	vshll.u32 v11, $0x9  }
0xb7: {  	vm1 =	vmand vm1, vm2;
	v9 =	vmul.f32 v9, v8;
	v17 =	vmul.f32 v15, v14  }
0xb8: {  	v12 =	vshll.u32 v12, $0x7;
	v6 =	vnsel vm1, $0x0, v6;
	v15 =	vmul.f32 v15, v13  }
0xb9: {  	v11 =	vadd.s32 v12, v11;
	v12 =	vmul.f32 v17, v6;
	v17 =	vmul.f32 v9, v14  }
0xba: {  	v10 =	vadd.s32 v11, v10;
	v11 =	vmul.f32 v15, v6;
	v15 =	vmul.f32 v16, v7  }
0xbb: {  	[tilespmem:$0xD880] =	vst v10;
	v9 =	vmul.f32 v9, v13;
	v7 =	vmul.f32 v8, v7  }
0xbc: {  	v10 =	vmul.f32 v17, v6;
	[tilespmem:$0xD480] =	vst v12;
	v12 =	vmul.f32 v15, v14  }
0xbd: {  	[tilespmem:$0xD500] =	vst v11;
	v8 =	vmul.f32 v9, v6;
	v9 =	vmul.f32 v15, v13  }
0xbe: {  	v11 =	vmul.f32 v14, v7;
	[tilespmem:$0xD580] =	vst v10;
	v10 =	vmul.f32 v12, v6  }
0xbf: {  	v7 =	vmul.f32 v7, v13;
	[tilespmem:$0xD600] =	vst v8;
	v8 =	vmul.f32 v9, v6  }
0xc0: {  	v9 =	vmul.f32 v11, v6;
	[tilespmem:$0xD680] =	vst v10  }
0xc1: {  	v7 =	vmul.f32 v7, v6;
	[tilespmem:$0xD700] =	vst v8  }
0xc2: {  	[tilespmem:$0xD780] =	vst v9  }
0xc3: {  	[tilespmem:$0xD800] =	vst v7  }
0xc4: {  	_ =	swait.ge [sflag:s29], $0x800  }
0xc5: {  	[sflag:s29] =	ssyncset.done $0x0  }
0xc6: {  	s15 =	simm.s32 $0x0;
	[sflag:s29] =	ssyncadd.s32 $0xFFFFF800  }
0xc7: {  	v7 =	vld [tilespmem:s15+$0xD880];
	_ =	sdelay $0x4  }
0xc8: {  	(v2sf) =	vpush v7, $0x0;
	_ =	sdelay $0x5  }
0xc9: {  	s17 =	simm.s32 $0xCCC0  }
0xca: {  	v10 =	vld [tilespmem:s17+$0xFFFFFFD0]  }
0xcb: {  	v15 =	vld.msk [tilespmem:s15+$0xD480 ss:$0x0], $0xffff  }
0xcc: {  	v7 =	vld [tilespmem:s17+$0x30]  }
0xcd: {  	v8 =	vld [tilespmem:s17+$0x20]  }
0xce: {  	v11 =	vld [tilespmem:s17+$0x10]  }
0xcf: {  	v9 =	vld [tilespmem:s17+$0x0]  }
0xd0: {  	v12 =	vld [tilespmem:s17+$0xFFFFFFF0]  }
0xd1: {  	v13 =	vld [tilespmem:s17+$0xFFFFFFE0];
	v16 =	vmul.f32 v15, v7  }
0xd2: {  	v14 =	vld [tilespmem:s17+$0xFFFFFFC0];
	v17 =	vmul.f32 v15, v8;
	s16 =	spop (v2sf)  }
0xd3: {  	v18 =	vmul.f32 v15, v11;
	[tilespmem:s16+$0xACF0] =	vst.add.f32.msk $0xffff, v16  }
0xd4: {  	v16 =	vmul.f32 v15, v9;
	[tilespmem:s16+$0xACE0] =	vst.add.f32.msk $0xffff, v17  }
0xd5: {  	v17 =	vmul.f32 v15, v12;
	[tilespmem:s16+$0xACD0] =	vst.add.f32.msk $0xffff, v18  }
0xd6: {  	v18 =	vmul.f32 v15, v13;
	[tilespmem:s16+$0xACC0] =	vst.add.f32.msk $0xffff, v16  }
0xd7: {  	v16 =	vmul.f32 v15, v14;
	[tilespmem:s16+$0xACB0] =	vst.add.f32.msk $0xffff, v17  }
0xd8: {  	v15 =	vmul.f32 v15, v10;
	[tilespmem:s16+$0xACA0] =	vst.add.f32.msk $0xffff, v18  }
0xd9: {  	[tilespmem:s16+$0xAC80] =	vst.add.f32.msk $0xffff, v16  }
0xda: {  	[tilespmem:s16+$0xAC90] =	vst.add.f32.msk $0xffff, v15  }
0xdb: {  	v15 =	vld.msk [tilespmem:s15+$0xD500 ss:$0x0], $0xffff;
	_ =	sdelay $0x4  }
0xdc: {  	v16 =	vmul.f32 v15, v14  }
0xdd: {  	v17 =	vmul.f32 v15, v8  }
0xde: {  	v18 =	vmul.f32 v15, v13;
	[tilespmem:s16+$0xAD00] =	vst.add.f32.msk $0xffff, v16  }
0xdf: {  	v16 =	vmul.f32 v15, v11;
	[tilespmem:s16+$0xAD60] =	vst.add.f32.msk $0xffff, v17  }
0xe0: {  	v17 =	vmul.f32 v15, v7;
	[tilespmem:s16+$0xAD20] =	vst.add.f32.msk $0xffff, v18  }
0xe1: {  	v18 =	vmul.f32 v15, v12;
	[tilespmem:s16+$0xAD50] =	vst.add.f32.msk $0xffff, v16  }
0xe2: {  	v16 =	vmul.f32 v15, v9;
	[tilespmem:s16+$0xAD70] =	vst.add.f32.msk $0xffff, v17  }
0xe3: {  	v15 =	vmul.f32 v15, v10;
	[tilespmem:s16+$0xAD30] =	vst.add.f32.msk $0xffff, v18  }
0xe4: {  	[tilespmem:s16+$0xAD40] =	vst.add.f32.msk $0xffff, v16  }
0xe5: {  	[tilespmem:s16+$0xAD10] =	vst.add.f32.msk $0xffff, v15  }
0xe6: {  	v15 =	vld.msk [tilespmem:s15+$0xD580 ss:$0x0], $0xffff;
	_ =	sdelay $0x4  }
0xe7: {  	v16 =	vmul.f32 v15, v14  }
0xe8: {  	v17 =	vmul.f32 v15, v8  }
0xe9: {  	v18 =	vmul.f32 v15, v10;
	[tilespmem:s16+$0xAE80] =	vst.add.f32.msk $0xffff, v16  }
0xea: {  	v16 =	vmul.f32 v15, v11;
	[tilespmem:s16+$0xAEE0] =	vst.add.f32.msk $0xffff, v17  }
0xeb: {  	v17 =	vmul.f32 v15, v7;
	[tilespmem:s16+$0xAE90] =	vst.add.f32.msk $0xffff, v18  }
0xec: {  	v18 =	vmul.f32 v15, v12;
	[tilespmem:s16+$0xAED0] =	vst.add.f32.msk $0xffff, v16  }
0xed: {  	v16 =	vmul.f32 v15, v9;
	[tilespmem:s16+$0xAEF0] =	vst.add.f32.msk $0xffff, v17  }
0xee: {  	v15 =	vmul.f32 v15, v13;
	[tilespmem:s16+$0xAEB0] =	vst.add.f32.msk $0xffff, v18  }
0xef: {  	[tilespmem:s16+$0xAEC0] =	vst.add.f32.msk $0xffff, v16  }
0xf0: {  	[tilespmem:s16+$0xAEA0] =	vst.add.f32.msk $0xffff, v15  }
0xf1: {  	v15 =	vld.msk [tilespmem:s15+$0xD600 ss:$0x0], $0xffff;
	_ =	sdelay $0x4  }
0xf2: {  	v16 =	vmul.f32 v15, v8  }
0xf3: {  	v17 =	vmul.f32 v15, v14  }
0xf4: {  	v18 =	vmul.f32 v15, v10;
	[tilespmem:s16+$0xAF60] =	vst.add.f32.msk $0xffff, v16  }
0xf5: {  	[tilespmem:s16+$0xAF00] =	vst.add.f32.msk $0xffff, v17;
	v16 =	vmul.f32 v15, v11  }
0xf6: {  	v17 =	vmul.f32 v15, v7;
	[tilespmem:s16+$0xAF10] =	vst.add.f32.msk $0xffff, v18  }
0xf7: {  	v18 =	vmul.f32 v15, v9;
	[tilespmem:s16+$0xAF50] =	vst.add.f32.msk $0xffff, v16  }
0xf8: {  	v16 =	vmul.f32 v15, v13;
	[tilespmem:s16+$0xAF70] =	vst.add.f32.msk $0xffff, v17  }
0xf9: {  	v15 =	vmul.f32 v15, v12;
	[tilespmem:s16+$0xAF40] =	vst.add.f32.msk $0xffff, v18  }
0xfa: {  	[tilespmem:s16+$0xAF20] =	vst.add.f32.msk $0xffff, v16  }
0xfb: {  	[tilespmem:s16+$0xAF30] =	vst.add.f32.msk $0xffff, v15  }
0xfc: {  	v15 =	vld.msk [tilespmem:s15+$0xD680 ss:$0x0], $0xffff;
	_ =	sdelay $0x4  }
0xfd: {  	s18 =	simm.s32 $0x4;
	v17 =	vmul.f32 v15, v13;
	v16 =	vmul.f32 v15, v12  }
.LBB2_8:
0xfe: {  	p0 =	sne.s32 s18, $0x3C  }
0xff: {  	v18 =	vmul.f32 v15, v14;
	v19 =	vmul.f32 v15, v10;
	s17 =	sadd.s32 $0x80, s17;
	s5 =	smov.u32 s18;
	s18 =	sadd.s32 $0x4, s18  }
0x100: {  	v20 =	vmul.f32 v15, v11;
	[tilespmem:s16+$0xB4A0] =	vst.add.f32.msk $0xffff, v17;
	v17 =	vmul.f32 v15, v9  }
0x101: {  	[tilespmem:s16+$0xB480] =	vst.add.f32.msk $0xffff, v18;
	v18 =	vmul.f32 v15, v8;
	v15 =	vmul.f32 v15, v7  }
0x102: {  	[tilespmem:s16+$0xB4B0] =	vst.add.f32.msk $0xffff, v16  }
0x103: {  	[tilespmem:s16+$0xB4D0] =	vst.add.f32.msk $0xffff, v20  }
0x104: {  	[tilespmem:s16+$0xB4F0] =	vst.add.f32.msk $0xffff, v15  }
0x105: {  	[tilespmem:s16+$0xB490] =	vst.add.f32.msk $0xffff, v19  }
0x106: {  	[tilespmem:s16+$0xB4C0] =	vst.add.f32.msk $0xffff, v17  }
0x107: {  	[tilespmem:s16+$0xB4E0] =	vst.add.f32.msk $0xffff, v18  }
0x108: {  	v15 =	vld.msk [tilespmem:s15+$0xD700 ss:$0x0], $0xffff;
	_ =	sdelay $0x5  }
0x109: {  	v16 =	vmul.f32 v15, v14;
	v17 =	vmul.f32 v15, v10  }
0x10a: {  	v18 =	vmul.f32 v15, v13;
	v19 =	vmul.f32 v15, v12  }
0x10b: {  	v20 =	vmul.f32 v15, v7;
	[tilespmem:s16+$0xB500] =	vst.add.f32.msk $0xffff, v16;
	v16 =	vmul.f32 v15, v9  }
0x10c: {  	[tilespmem:s16+$0xB520] =	vst.add.f32.msk $0xffff, v18;
	v18 =	vmul.f32 v15, v11;
	v15 =	vmul.f32 v15, v8  }
0x10d: {  	[tilespmem:s16+$0xB530] =	vst.add.f32.msk $0xffff, v19  }
0x10e: {  	[tilespmem:s16+$0xB560] =	vst.add.f32.msk $0xffff, v15  }
0x10f: {  	[tilespmem:s16+$0xB510] =	vst.add.f32.msk $0xffff, v17  }
0x110: {  	[tilespmem:s16+$0xB540] =	vst.add.f32.msk $0xffff, v16  }
0x111: {  	[tilespmem:s16+$0xB550] =	vst.add.f32.msk $0xffff, v18  }
0x112: {  	[tilespmem:s16+$0xB570] =	vst.add.f32.msk $0xffff, v20  }
0x113: {  	v15 =	vld.msk [tilespmem:s15+$0xD780 ss:$0x0], $0xffff;
	_ =	sdelay $0x5  }
0x114: {  	v16 =	vmul.f32 v15, v14;
	v17 =	vmul.f32 v15, v8  }
0x115: {  	v18 =	vmul.f32 v15, v13;
	v19 =	vmul.f32 v15, v12  }
0x116: {  	v20 =	vmul.f32 v15, v11;
	[tilespmem:s16+$0xB680] =	vst.add.f32.msk $0xffff, v16;
	v16 =	vmul.f32 v15, v9  }
0x117: {  	v21 =	vmul.f32 v15, v10;
	v15 =	vmul.f32 v15, v7;
	[tilespmem:s16+$0xB6A0] =	vst.add.f32.msk $0xffff, v18  }
0x118: {  	[tilespmem:s16+$0xB6E0] =	vst.add.f32.msk $0xffff, v17  }
0x119: {  	[tilespmem:s16+$0xB6F0] =	vst.add.f32.msk $0xffff, v15  }
0x11a: {  	[tilespmem:s16+$0xB6D0] =	vst.add.f32.msk $0xffff, v20  }
0x11b: {  	[tilespmem:s16+$0xB690] =	vst.add.f32.msk $0xffff, v21  }
0x11c: {  	[tilespmem:s16+$0xB6B0] =	vst.add.f32.msk $0xffff, v19  }
0x11d: {  	[tilespmem:s16+$0xB6C0] =	vst.add.f32.msk $0xffff, v16  }
0x11e: {  	v15 =	vld.msk [tilespmem:s15+$0xD800 ss:$0x0], $0xffff;
	_ =	sdelay $0x5  }
0x11f: {  	v14 =	vmul.f32 v15, v14;
	v10 =	vmul.f32 v15, v10  }
0x120: {  	v13 =	vmul.f32 v15, v13;
	v12 =	vmul.f32 v15, v12  }
0x121: {  	v9 =	vmul.f32 v15, v9;
	v11 =	vmul.f32 v15, v11;
	[tilespmem:s16+$0xB700] =	vst.add.f32.msk $0xffff, v14  }
0x122: {  	v8 =	vmul.f32 v15, v8;
	v7 =	vmul.f32 v15, v7;
	[tilespmem:s16+$0xB720] =	vst.add.f32.msk $0xffff, v13  }
0x123: {  	[tilespmem:s16+$0xB710] =	vst.add.f32.msk $0xffff, v10  }
0x124: {  	[tilespmem:s16+$0xB750] =	vst.add.f32.msk $0xffff, v11  }
0x125: {  	[tilespmem:s16+$0xB760] =	vst.add.f32.msk $0xffff, v8  }
0x126: {  	[tilespmem:s16+$0xB730] =	vst.add.f32.msk $0xffff, v12  }
0x127: {  	[tilespmem:s16+$0xB770] =	vst.add.f32.msk $0xffff, v7  }
0x128: {  	s15 =	sshra.s32 s5, $0x2;
	[tilespmem:s16+$0xB740] =	vst.add.f32.msk $0xffff, v9  }
0x129: {  	v7 =	vld [tilespmem:s15+$0xD880];
	_ =	sdelay $0x4  }
0x12a: {  	(v2sf) =	vpush v7, $0x0;
	_ =	sdelay $0x6  }
0x12b: {  	v10 =	vld [tilespmem:s17+$0xFFFFFFD0]  }
0x12c: {  	v15 =	vld.msk [tilespmem:s15+$0xD480 ss:$0x0], $0xffff  }
0x12d: {  	v7 =	vld [tilespmem:s17+$0x30]  }
0x12e: {  	v8 =	vld [tilespmem:s17+$0x20]  }
0x12f: {  	v11 =	vld [tilespmem:s17+$0x10]  }
0x130: {  	v9 =	vld [tilespmem:s17+$0x0]  }
0x131: {  	v12 =	vld [tilespmem:s17+$0xFFFFFFF0]  }
0x132: {  	v13 =	vld [tilespmem:s17+$0xFFFFFFE0];
	v16 =	vmul.f32 v15, v7  }
0x133: {  	v14 =	vld [tilespmem:s17+$0xFFFFFFC0];
	v17 =	vmul.f32 v15, v8;
	s16 =	spop (v2sf)  }
0x134: {  	v18 =	vmul.f32 v15, v11;
	[tilespmem:s16+$0xACF0] =	vst.add.f32.msk $0xffff, v16  }
0x135: {  	v16 =	vmul.f32 v15, v9;
	[tilespmem:s16+$0xACE0] =	vst.add.f32.msk $0xffff, v17  }
0x136: {  	v17 =	vmul.f32 v15, v12;
	[tilespmem:s16+$0xACD0] =	vst.add.f32.msk $0xffff, v18  }
0x137: {  	v18 =	vmul.f32 v15, v13;
	[tilespmem:s16+$0xACC0] =	vst.add.f32.msk $0xffff, v16  }
0x138: {  	v16 =	vmul.f32 v15, v14;
	[tilespmem:s16+$0xACB0] =	vst.add.f32.msk $0xffff, v17  }
0x139: {  	v15 =	vmul.f32 v15, v10;
	[tilespmem:s16+$0xACA0] =	vst.add.f32.msk $0xffff, v18  }
0x13a: {  	[tilespmem:s16+$0xAC80] =	vst.add.f32.msk $0xffff, v16  }
0x13b: {  	[tilespmem:s16+$0xAC90] =	vst.add.f32.msk $0xffff, v15  }
0x13c: {  	v15 =	vld.msk [tilespmem:s15+$0xD500 ss:$0x0], $0xffff;
	_ =	sdelay $0x5  }
0x13d: {  	v16 =	vmul.f32 v15, v14;
	v17 =	vmul.f32 v15, v8  }
0x13e: {  	v18 =	vmul.f32 v15, v13;
	v19 =	vmul.f32 v15, v12  }
0x13f: {  	v20 =	vmul.f32 v15, v11;
	[tilespmem:s16+$0xAD00] =	vst.add.f32.msk $0xffff, v16;
	v16 =	vmul.f32 v15, v10  }
0x140: {  	v21 =	vmul.f32 v15, v9;
	v15 =	vmul.f32 v15, v7;
	[tilespmem:s16+$0xAD60] =	vst.add.f32.msk $0xffff, v17  }
0x141: {  	[tilespmem:s16+$0xAD20] =	vst.add.f32.msk $0xffff, v18  }
0x142: {  	[tilespmem:s16+$0xAD50] =	vst.add.f32.msk $0xffff, v20  }
0x143: {  	[tilespmem:s16+$0xAD70] =	vst.add.f32.msk $0xffff, v15  }
0x144: {  	[tilespmem:s16+$0xAD30] =	vst.add.f32.msk $0xffff, v19  }
0x145: {  	[tilespmem:s16+$0xAD40] =	vst.add.f32.msk $0xffff, v21  }
0x146: {  	[tilespmem:s16+$0xAD10] =	vst.add.f32.msk $0xffff, v16  }
0x147: {  	v15 =	vld.msk [tilespmem:s15+$0xD580 ss:$0x0], $0xffff;
	_ =	sdelay $0x5  }
0x148: {  	v16 =	vmul.f32 v15, v14;
	v17 =	vmul.f32 v15, v8  }
0x149: {  	v18 =	vmul.f32 v15, v10;
	v19 =	vmul.f32 v15, v12  }
0x14a: {  	v20 =	vmul.f32 v15, v11;
	[tilespmem:s16+$0xAE80] =	vst.add.f32.msk $0xffff, v16;
	v16 =	vmul.f32 v15, v13  }
0x14b: {  	v21 =	vmul.f32 v15, v9;
	v15 =	vmul.f32 v15, v7;
	[tilespmem:s16+$0xAEE0] =	vst.add.f32.msk $0xffff, v17  }
0x14c: {  	[tilespmem:s16+$0xAE90] =	vst.add.f32.msk $0xffff, v18  }
0x14d: {  	[tilespmem:s16+$0xAED0] =	vst.add.f32.msk $0xffff, v20  }
0x14e: {  	[tilespmem:s16+$0xAEF0] =	vst.add.f32.msk $0xffff, v15  }
0x14f: {  	[tilespmem:s16+$0xAEB0] =	vst.add.f32.msk $0xffff, v19  }
0x150: {  	[tilespmem:s16+$0xAEC0] =	vst.add.f32.msk $0xffff, v21  }
0x151: {  	[tilespmem:s16+$0xAEA0] =	vst.add.f32.msk $0xffff, v16  }
0x152: {  	v15 =	vld.msk [tilespmem:s15+$0xD600 ss:$0x0], $0xffff;
	_ =	sdelay $0x5  }
0x153: {  	v16 =	vmul.f32 v15, v8;
	v17 =	vmul.f32 v15, v7  }
0x154: {  	v18 =	vmul.f32 v15, v14;
	v19 =	vmul.f32 v15, v10  }
0x155: {  	v20 =	vmul.f32 v15, v13;
	v21 =	vmul.f32 v15, v12;
	[tilespmem:s16+$0xAF60] =	vst.add.f32.msk $0xffff, v16  }
0x156: {  	v16 =	vmul.f32 v15, v9;
	v15 =	vmul.f32 v15, v11;
	[tilespmem:s16+$0xAF00] =	vst.add.f32.msk $0xffff, v18  }
0x157: {  	[tilespmem:s16+$0xAF10] =	vst.add.f32.msk $0xffff, v19  }
0x158: {  	[tilespmem:s16+$0xAF50] =	vst.add.f32.msk $0xffff, v15  }
0x159: {  	[tilespmem:s16+$0xAF70] =	vst.add.f32.msk $0xffff, v17  }
0x15a: {  	[tilespmem:s16+$0xAF40] =	vst.add.f32.msk $0xffff, v16  }
0x15b: {  	[tilespmem:s16+$0xAF20] =	vst.add.f32.msk $0xffff, v20  }
0x15c: {  	[tilespmem:s16+$0xAF30] =	vst.add.f32.msk $0xffff, v21  }
0x15d: {  	v15 =	vld.msk [tilespmem:s15+$0xD680 ss:$0x0], $0xffff;
	_ =	sdelay $0x1  }
.Ltmp6:
0x15e: {  	(pc) =	sbr.rel @p0 .LBB2_8-.Ltmp6, $2  }
0x15f: {  	_ =	sdelay $0x2  }
0x160: {  	v17 =	vmul.f32 v15, v13;
	v16 =	vmul.f32 v15, v12  }
0x161: {  	_ = 	snop  }
0x162: {  	v18 =	vmul.f32 v15, v14;
	[tilespmem:s16+$0xB4A0] =	vst.add.f32.msk $0xffff, v17  }
0x163: {  	v38 =	vmul.f32 v15, v11;
	[tilespmem:s16+$0xB4B0] =	vst.add.f32.msk $0xffff, v16  }
0x164: {  	v39 =	vmul.f32 v15, v7;
	[tilespmem:s16+$0xB480] =	vst.add.f32.msk $0xffff, v18  }
0x165: {  	v40 =	vmul.f32 v15, v10;
	[tilespmem:s16+$0xB4D0] =	vst.add.f32.msk $0xffff, v38  }
0x166: {  	v41 =	vmul.f32 v15, v9;
	[tilespmem:s16+$0xB4F0] =	vst.add.f32.msk $0xffff, v39  }
0x167: {  	v42 =	vmul.f32 v15, v8;
	[tilespmem:s16+$0xB490] =	vst.add.f32.msk $0xffff, v40  }
0x168: {  	[tilespmem:s16+$0xB4C0] =	vst.add.f32.msk $0xffff, v41  }
0x169: {  	[tilespmem:s16+$0xB4E0] =	vst.add.f32.msk $0xffff, v42  }
0x16a: {  	v15 =	vld.msk [tilespmem:s15+$0xD700 ss:$0x0], $0xffff;
	_ =	sdelay $0x4  }
0x16b: {  	v43 =	vmul.f32 v15, v14  }
0x16c: {  	v44 =	vmul.f32 v15, v13  }
0x16d: {  	v45 =	vmul.f32 v15, v12;
	[tilespmem:s16+$0xB500] =	vst.add.f32.msk $0xffff, v43  }
0x16e: {  	v46 =	vmul.f32 v15, v8;
	[tilespmem:s16+$0xB520] =	vst.add.f32.msk $0xffff, v44  }
0x16f: {  	v47 =	vmul.f32 v15, v10;
	[tilespmem:s16+$0xB530] =	vst.add.f32.msk $0xffff, v45  }
0x170: {  	v48 =	vmul.f32 v15, v9;
	[tilespmem:s16+$0xB560] =	vst.add.f32.msk $0xffff, v46  }
0x171: {  	v49 =	vmul.f32 v15, v11;
	[tilespmem:s16+$0xB510] =	vst.add.f32.msk $0xffff, v47  }
0x172: {  	v15 =	vmul.f32 v15, v7;
	[tilespmem:s16+$0xB540] =	vst.add.f32.msk $0xffff, v48  }
0x173: {  	[tilespmem:s16+$0xB550] =	vst.add.f32.msk $0xffff, v49  }
0x174: {  	[tilespmem:s16+$0xB570] =	vst.add.f32.msk $0xffff, v15  }
0x175: {  	v15 =	vld.msk [tilespmem:s15+$0xD780 ss:$0x0], $0xffff;
	_ =	sdelay $0x4  }
0x176: {  	v50 =	vmul.f32 v15, v14  }
0x177: {  	v51 =	vmul.f32 v15, v13  }
0x178: {  	v52 =	vmul.f32 v15, v8;
	[tilespmem:s16+$0xB680] =	vst.add.f32.msk $0xffff, v50  }
0x179: {  	v53 =	vmul.f32 v15, v7;
	[tilespmem:s16+$0xB6A0] =	vst.add.f32.msk $0xffff, v51  }
0x17a: {  	v54 =	vmul.f32 v15, v11;
	[tilespmem:s16+$0xB6E0] =	vst.add.f32.msk $0xffff, v52  }
0x17b: {  	v55 =	vmul.f32 v15, v10;
	[tilespmem:s16+$0xB6F0] =	vst.add.f32.msk $0xffff, v53  }
0x17c: {  	v56 =	vmul.f32 v15, v12;
	[tilespmem:s16+$0xB6D0] =	vst.add.f32.msk $0xffff, v54  }
0x17d: {  	v15 =	vmul.f32 v15, v9;
	[tilespmem:s16+$0xB690] =	vst.add.f32.msk $0xffff, v55  }
0x17e: {  	[tilespmem:s16+$0xB6B0] =	vst.add.f32.msk $0xffff, v56  }
0x17f: {  	[tilespmem:s16+$0xB6C0] =	vst.add.f32.msk $0xffff, v15  }
0x180: {  	v15 =	vld.msk [tilespmem:s15+$0xD800 ss:$0x0], $0xffff;
	_ =	sdelay $0x4  }
0x181: {  	v57 =	vmul.f32 v15, v14  }
0x182: {  	v58 =	vmul.f32 v15, v13  }
0x183: {  	v59 =	vmul.f32 v15, v10;
	[tilespmem:s16+$0xB700] =	vst.add.f32.msk $0xffff, v57  }
0x184: {  	s14 =	sadd.s32 $0x1, s14;
	v60 =	vmul.f32 v15, v11;
	[tilespmem:s16+$0xB720] =	vst.add.f32.msk $0xffff, v58  }
0x185: {  	p0 =	sne.s32 s14, s1;
	v61 =	vmul.f32 v15, v8;
	[tilespmem:s16+$0xB710] =	vst.add.f32.msk $0xffff, v59  }
.Ltmp7:
0x186: {  	v62 =	vmul.f32 v15, v12;
	[tilespmem:s16+$0xB750] =	vst.add.f32.msk $0xffff, v60;
	(pc) =	sbr.rel @p0 .LBB2_7-.Ltmp7, $4  }
.Ltmp8:
0x187: {  	v7 =	vmul.f32 v15, v7;
	[tilespmem:s16+$0xB760] =	vst.add.f32.msk $0xffff, v61;
	(pc) =	sbr.rel @!p0 .LBB2_10-.Ltmp8, $4  }
0x188: {  	v63 =	vmul.f32 v15, v9;
	[tilespmem:s16+$0xB730] =	vst.add.f32.msk $0xffff, v62  }
0x189: {  	[tilespmem:s16+$0xB770] =	vst.add.f32.msk $0xffff, v7  }
0x18a: {  	v5 =	vadd.f32 v6, v5;
	[tilespmem:s16+$0xB740] =	vst.add.f32.msk $0xffff, v63  }
0x18b: {  	_ = 	snop  }
.LBB2_12:
0x18c: {  	_ =	sfence.sel $0x180000  }
0x18d: {  	[bflag:$0x0] =	sbarrier.arrive $0xFFFF  }
0x18e: {  	_ =	strace $0x90000047  }
0x18f: {  	s0 =	stileid.u32;
	[bflag:$0x2] =	sbarrier.arrive $0xFFFF  }
0x190: {  	p0 =	sne.s32 s0, $0x0;
	s0 =	rddreg [dreg:$0x3]  }
0x191: {  	s0 =	sadd.s32 @!p0 $0x100000, s0  }
0x192: {  	[sflag:s0] =	ssyncadd.tile.s32 @!p0 $0x1;
	_ =	shalt  }
.Lfunc_end2:
_tile_overlayer_lowered:
.L_overlay_start_2:
0x193: {  	(tag) =	ssettag $0x2  }
0x194: {  	s0 =	rddreg [dreg:$0x0];
	s2 =	stileid.u32  }
0x195: {  	s1 =	rddreg [dreg:$0x1];
	p0 =	sne.s32 s2, $0x0  }
0x196: {  	s3 =	rddreg [dreg:$0x2];
	[bflag:$0x3] =	sbarrier.arrive $0xFFFF;
	s2 =	simm.s32 @!p0 $0x1C02  }
0x197: {  	[timem:s3], [sflag:s2] =	dma.local @!p0 [hbm:s0], s1  }
0x198: {  	s0 =	simm.s32 @!p0 $0x2  }
0x199: {  	_ =	swait.ge @!p0 [sflag:s0], s1  }
0x19a: {  	s1 =	ssub.s32 @!p0 $0x0, s1;
	[sflag:s0] =	ssyncset.done @!p0 $0x0  }
0x19b: {  	[sflag:s0] =	ssyncadd.s32 @!p0 s1  }
0x19c: {  	[bflag:$0x3] =	sbarrier.arrive $0xFFFF  }
0x19d: {  	_ =	shalt  }

</sc_bundles>
